<compile_context>
chip_gen: v7x
topology: tpu7x:2x2x1
jax: 0.10.2.dev20260603
libtpu: 0.0.44.dev20260713+nightly
codegen_flags: <defaults>
</compile_context>

<pallas_src>
import functools

import jax
import jax.numpy as jnp
from jax import lax
from jax.experimental import pallas as pl
from jax.experimental.pallas import tpu as pltpu
from jax.experimental.pallas import tpu_sc as plsc

N = 10000
E = 320000
D = 128

NC = 2
NS = 16
NW = NC * NS
L = 16

K = 128
CH0 = 144
CH1 = 16
W = 8
NCHUNK = NS * (CH0 + CH1)
E_PAD = NCHUNK * K
N_PAD = 10240
RPW = N_PAD // NS

ROW_T = 400
ROW_U = 512


def _prep_body(x_ref, wp_ref, bp_ref, out_ref):
    t = jnp.dot(x_ref[...], wp_ref[...], preferred_element_type=jnp.float32)
    out_ref[...] = jnp.maximum(t + bp_ref[...], 0.0)


def _prepare_table(x, Wp, bp):
    return pl.pallas_call(
        _prep_body,
        grid=(N // ROW_T,),
        in_specs=[
            pl.BlockSpec((ROW_T, D), lambda i: (i, 0)),
            pl.BlockSpec((D, D), lambda i: (0, 0)),
            pl.BlockSpec((1, D), lambda i: (0, 0)),
        ],
        out_specs=pl.BlockSpec((ROW_T, D), lambda i: (i, 0)),
        out_shape=jax.ShapeDtypeStruct((N, D), jnp.float32),
    )(x, Wp, bp.reshape(1, D))


def _sc_body(table_hbm, src_hbm, dst_hbm, part_hbm, cnt_hbm,
             src_v, dst_v, buf0, buf1, hist, acc_sh,
             sem0, sem1):
    c = lax.axis_index("c")
    s = lax.axis_index("s")
    cb = jnp.where(c == 0, s * CH0, NS * CH0 + s * CH1)
    nwin = jnp.where(c == 0, CH0 // W, CH1 // W)

    def zrow(i, carry):
        def zcol(g, carry2):
            buf0[i, pl.ds(g * L, L)] = jnp.zeros((L,), jnp.float32)
            return carry2
        return lax.fori_loop(0, D // L, zcol, carry)
    lax.fori_loop(0, K, zrow, 0)

    def zhist(i, carry):
        def zcol(g, carry2):
            hist[i, pl.ds(g * L, L)] = jnp.zeros((L,), jnp.float32)
            return carry2
        return lax.fori_loop(0, K // L, zcol, carry)
    lax.fori_loop(0, N_PAD // K, zhist, 0)

    base = s * RPW
    for b in range(RPW // K):
        pltpu.sync_copy(buf0, acc_sh.at[pl.ds(base + b * K, K)])
    plsc.subcore_barrier()

    ones16 = jnp.ones((L,), jnp.float32)

    def count(q):
        for t in range(K // L):
            ids = dst_v[q, pl.ds(t * L, L)]
            plsc.addupdate_scatter(
                hist, [lax.shift_right_logical(ids, 7), ids & (K - 1)],
                ones16)

    def gather(q, buf, sem):
        pltpu.async_copy(table_hbm.at[src_v.at[q]], buf, sem)

    def consume(q, buf, sem):
        pltpu.make_async_copy(table_hbm.at[src_v.at[q]], buf, sem).wait()
        pltpu.sync_copy(buf, acc_sh.at[dst_v.at[q]], add=True)

    def win_body(win, carry):
        pltpu.sync_copy(src_hbm.at[cb // W + win], src_v)
        pltpu.sync_copy(dst_hbm.at[cb // W + win], dst_v)
        gather(0, buf0, sem0)
        for q in range(W):
            if q + 1 < W:
                gather(q + 1, (buf1, buf0)[q % 2], (sem1, sem0)[q % 2])
            count(q)
            consume(q, (buf0, buf1)[q % 2], (sem0, sem1)[q % 2])
        return carry
    lax.fori_loop(0, nwin, win_body, 0)

    pltpu.sync_copy(hist, cnt_hbm.at[c, s])
    plsc.subcore_barrier()
    for b in range(RPW // K):
        r0 = base + b * K
        pltpu.sync_copy(acc_sh.at[pl.ds(r0, K)], part_hbm.at[c, pl.ds(r0, K)])


_sc_aggregate = functools.partial(
    pl.kernel,
    mesh=plsc.VectorSubcoreMesh(core_axis_name="c", subcore_axis_name="s"),
    out_type=(
        jax.ShapeDtypeStruct((NC, N_PAD, D), jnp.float32),
        jax.ShapeDtypeStruct((NC, NS, N_PAD // K, K), jnp.float32),
    ),
    scratch_types=[
        pltpu.VMEM((W, K), jnp.int32),
        pltpu.VMEM((W, K), jnp.int32),
        pltpu.VMEM((K, D), jnp.float32),
        pltpu.VMEM((K, D), jnp.float32),
        pltpu.VMEM((N_PAD // K, K), jnp.float32),
        pltpu.VMEM_SHARED((N_PAD, D), jnp.float32),
        pltpu.SemaphoreType.DMA,
        pltpu.SemaphoreType.DMA,
    ],
    compiler_params=pltpu.CompilerParams(needs_layout_passes=False),
)(_sc_body)


def _upd_body(x_ref, part_ref, cnt_ref, wu_ref, bu_ref, out_ref):
    ssum = part_ref[0] + part_ref[1]
    cnt = jnp.sum(cnt_ref[...], axis=0)
    recip = 1.0 / jnp.maximum(cnt, 1.0)
    rec2d = jnp.transpose(jnp.broadcast_to(recip, (D, ROW_U)), (1, 0))
    agg = ssum * rec2d
    h = jnp.dot(x_ref[...], wu_ref[:D], preferred_element_type=jnp.float32)
    h = h + jnp.dot(agg, wu_ref[D:], preferred_element_type=jnp.float32)
    out_ref[...] = jnp.maximum(h + bu_ref[...], 0.0)


def _update(x, part, cnt, Wu, bu):
    grid = -(-N // ROW_U)
    return pl.pallas_call(
        _upd_body,
        grid=(grid,),
        in_specs=[
            pl.BlockSpec((ROW_U, D), lambda i: (i, 0)),
            pl.BlockSpec((NC, ROW_U, D), lambda i: (0, i, 0)),
            pl.BlockSpec((NW, ROW_U), lambda i: (0, i)),
            pl.BlockSpec((2 * D, D), lambda i: (0, 0)),
            pl.BlockSpec((1, D), lambda i: (0, 0)),
        ],
        out_specs=pl.BlockSpec((ROW_U, D), lambda i: (i, 0)),
        out_shape=jax.ShapeDtypeStruct((N, D), jnp.float32),
    )(x, part, cnt.reshape(NW, N_PAD), Wu, bu.reshape(1, D))


def kernel(node_repesentations, edges, Wp, bp, Wu, bu):
    x = node_repesentations.reshape(N, D)
    src = edges[1]
    dst = edges[0]
    pad = E_PAD - E
    src_p = jnp.concatenate(
        [src, jnp.zeros((pad,), jnp.int32)]).reshape(NCHUNK // W, W, K)
    dst_p = jnp.concatenate(
        [dst, jnp.full((pad,), N, jnp.int32)]).reshape(NCHUNK // W, W, K)
    table = _prepare_table(x, Wp, bp)
    part, cnt = _sc_aggregate(table, src_p, dst_p)
    out = _update(x, part, cnt, Wu, bu)
    return out.reshape(1, 1, N, D)

# --- scband reference (transcript-rebuilt; emitter-appended) ---
"""Pipeline reference for scband-graph-conv-layer-27015344292524 (READ-ONLY COPY).

The authoritative reference and input builder live on the scoring server;
editing this copy changes nothing except your own understanding.
"""

import jax, jax.numpy as jnp
import numpy as np

N = 10000
E = 320000
D = 128

def setup_inputs(seed: int = 0) -> dict:
    key = jax.random.key(seed)
    k1, k2, k3, k4, k5 = jax.random.split(key, 5)
    node_repesentations = jax.random.normal(k1, (1, 1, N, D), dtype=jnp.float32)
    edges = jax.random.randint(k2, (2, E), 0, N, dtype=jnp.int32)
    # prepare_net: Dense(D, relu) acting on last dim (in=D)
    Wp = jax.random.normal(k3, (D, D), dtype=jnp.float32) * 0.05
    bp = jnp.zeros((D,), dtype=jnp.float32)
    # combination_net: Dense(D, relu) acting on concat(last dim) (in=2D)
    Wu = jax.random.normal(k4, (2 * D, D), dtype=jnp.float32) * 0.05
    bu = jnp.zeros((D,), dtype=jnp.float32)
    return {"node_repesentations": node_repesentations, "edges": edges,
            "Wp": Wp, "bp": bp, "Wu": Wu, "bu": bu}

def reference(node_repesentations, edges, Wp, bp, Wu, bu):
    x = node_repesentations  # [1,1,N,D], node_axis=2
    node_indices = edges[0]
    neighbour_indices = edges[1]
    # gather neighbour representations along node axis (axis=2)
    nbr = jnp.take(x, neighbour_indices, axis=2)  # [1,1,E,D]
    # prepare: ffn_prepare (Dense+relu); edge_weights is None in call()
    msg = jax.nn.relu(nbr @ Wp + bp)  # [1,1,E,D]
    # aggregate: transpose node axis (2) to front -> [E,1,1,D]
    msg_t = jnp.transpose(msg, (2, 0, 1, 3))
    seg_sum = jax.ops.segment_sum(msg_t, node_indices, num_segments=N)  # [N,1,1,D]
    cnt = jax.ops.segment_sum(jnp.ones((E,), dtype=jnp.float32), node_indices, num_segments=N)
    cnt_b = cnt[:, None, None, None]
    # unsorted_segment_mean semantics: 0 for empty segments
    agg = jnp.where(cnt_b > 0, seg_sum / jnp.maximum(cnt_b, 1.0), 0.0)
    # transpose back -> [1,1,N,D]
    agg = jnp.transpose(agg, (1, 2, 0, 3))
    # update: concat on last axis then combination_net (Dense+relu); normalize=False
    h = jnp.concatenate([x, agg], axis=-1)  # [1,1,N,2D]
    out = jax.nn.relu(h @ Wu + bu)  # [1,1,N,D]
    return out

if __name__ == "__main__":
    import jax
    _d = setup_inputs()
    print(jax.jit(kernel)(*tuple(_d.values())))

</pallas_src>

<mosaic_0001>
#map = affine_map<(d0, d1) -> (0, 0)>
#map1 = affine_map<(d0, d1) -> (0, 0, 0)>
#map2 = affine_map<(d0, d1) -> (0, 0, 0, 0)>
module attributes {stable_mosaic.version = 14 : i64} {
  func.func @_sc_body(%arg0: i32, %arg1: i32, %arg2: memref<10000x128xf32, #tpu.memory_space<hbm>>, %arg3: memref<320x8x128xi32, #tpu.memory_space<hbm>>, %arg4: memref<320x8x128xi32, #tpu.memory_space<hbm>>, %arg5: memref<2x10240x128xf32, #tpu.memory_space<hbm>>, %arg6: memref<2x16x80x128xf32, #tpu.memory_space<hbm>>, %arg7: memref<8x128xi32, #tpu.memory_space<vmem>>, %arg8: memref<8x128xi32, #tpu.memory_space<vmem>>, %arg9: memref<128x128xf32, #tpu.memory_space<vmem>>, %arg10: memref<128x128xf32, #tpu.memory_space<vmem>>, %arg11: memref<80x128xf32, #tpu.memory_space<vmem>>, %arg12: memref<10240x128xf32, #tpu.memory_space<vmem_shared>>, %arg13: memref<!tpu.dma_semaphore, #tpu.memory_space<semaphore_mem>>, %arg14: memref<!tpu.dma_semaphore, #tpu.memory_space<semaphore_mem>>) attributes {dimension_semantics = [#tpu.dimension_semantics<core_parallel>, #tpu.dimension_semantics<subcore_parallel>], iteration_bounds = array<i64: 2, 16>, scalar_prefetch = 0 : i64, scratch_operands = 8 : i64, tpu.core_type = #tpu.core_type<sc_vector_subcore>, window_params = [{transform_indices = #map}, {transform_indices = #map1}, {transform_indices = #map1}, {transform_indices = #map1}, {transform_indices = #map2}]} {
    %eq3A = arith.constant 0 : i32
    %eq3A_0 = arith.cmpi eq, %arg0, %eq3A : i32
    %mul3A = arith.constant 144 : i32
    %mul3A_1 = arith.muli %arg1, %mul3A : i32
    %mul3A_2 = arith.constant 16 : i32
    %mul3A_3 = arith.muli %arg1, %mul3A_2 : i32
    %add3A = arith.constant 2304 : i32
    %add3A_4 = arith.addi %add3A, %mul3A_3 : i32
    %select_n3A = arith.select %eq3A_0, %mul3A_1, %add3A_4 : i32
    %eq3A_5 = arith.constant 0 : i32
    %eq3A_6 = arith.cmpi eq, %arg0, %eq3A_5 : i32
    %jit3A = arith.constant 18 : i32
    %jit3A_7 = arith.constant 2 : i32
    %select_n3A_8 = arith.select %eq3A_6, %jit3A, %jit3A_7 : i32
    %scan3A = arith.constant 0 : i32
    %scan3A_9 = arith.constant 0 : i32
    %scan3A_10 = arith.constant 128 : i32
    %scan3A_11 = arith.addi %scan3A_9, %scan3A_10 : i32
    %scan3A_12 = arith.constant 1 : i32
    scf.for %scan3A_53 = %scan3A_9 to %scan3A_11 step %scan3A_12  : i32 {
      %scan3A_54 = arith.constant 0 : i32
      %scan3A_55 = arith.constant 8 : i32
      %scan3A_56 = arith.addi %scan3A_54, %scan3A_55 : i32
      %scan3A_57 = arith.constant 1 : i32
      scf.for %scan3A_59 = %scan3A_54 to %scan3A_56 step %scan3A_57  : i32 {
        %broadcast_in_dim3A_60 = arith.constant 0.000000e+00 : f32
        %broadcast_in_dim3A_61 = vector.broadcast %broadcast_in_dim3A_60 : f32 to vector<16xf32>
        %mul3A_62 = arith.constant 16 : i32
        %mul3A_63 = arith.muli %scan3A_59, %mul3A_62 : i32
        %swap3A = arith.index_cast %scan3A_53 : i32 to index
        %swap3A_64 = arith.index_cast %mul3A_63 : i32 to index
        %swap3A_65 = tpu.vector_load %arg9[%swap3A, %swap3A_64] {strides = array<i32>} : memref<128x128xf32, #tpu.memory_space<vmem>>, vector<16xf32>,
        tpu.vector_store %arg9[%swap3A, %swap3A_64], %broadcast_in_dim3A_61 {strides = array<i32>} : memref<128x128xf32, #tpu.memory_space<vmem>>, vector<16xf32>,
      }
      %scan3A_58 = arith.constant 8 : i32
    }
    %scan3A_13 = arith.constant 128 : i32
    %scan3A_14 = arith.constant 0 : i32
    %scan3A_15 = arith.constant 0 : i32
    %scan3A_16 = arith.constant 80 : i32
    %scan3A_17 = arith.addi %scan3A_15, %scan3A_16 : i32
    %scan3A_18 = arith.constant 1 : i32
    scf.for %scan3A_53 = %scan3A_15 to %scan3A_17 step %scan3A_18  : i32 {
      %scan3A_54 = arith.constant 0 : i32
      %scan3A_55 = arith.constant 8 : i32
      %scan3A_56 = arith.addi %scan3A_54, %scan3A_55 : i32
      %scan3A_57 = arith.constant 1 : i32
      scf.for %scan3A_59 = %scan3A_54 to %scan3A_56 step %scan3A_57  : i32 {
        %broadcast_in_dim3A_60 = arith.constant 0.000000e+00 : f32
        %broadcast_in_dim3A_61 = vector.broadcast %broadcast_in_dim3A_60 : f32 to vector<16xf32>
        %mul3A_62 = arith.constant 16 : i32
        %mul3A_63 = arith.muli %scan3A_59, %mul3A_62 : i32
        %swap3A = arith.index_cast %scan3A_53 : i32 to index
        %swap3A_64 = arith.index_cast %mul3A_63 : i32 to index
        %swap3A_65 = tpu.vector_load %arg11[%swap3A, %swap3A_64] {strides = array<i32>} : memref<80x128xf32, #tpu.memory_space<vmem>>, vector<16xf32>,
        tpu.vector_store %arg11[%swap3A, %swap3A_64], %broadcast_in_dim3A_61 {strides = array<i32>} : memref<80x128xf32, #tpu.memory_space<vmem>>, vector<16xf32>,
      }
      %scan3A_58 = arith.constant 8 : i32
    }
    %scan3A_19 = arith.constant 80 : i32
    %mul3A_20 = arith.constant 640 : i32
    %mul3A_21 = arith.muli %arg1, %mul3A_20 : i32
    %add3A_22 = arith.constant 0 : i32
    %add3A_23 = arith.addi %mul3A_21, %add3A_22 : i32
    "tpu.region"() ({
      %run_scoped3A = tpu.sem_alloc : memref<!tpu.dma_semaphore, #tpu.memory_space<semaphore_mem>>
      %dma_start3A = arith.constant 0 : i32
      %dma_start3A_53 = tpu.memref_slice %arg12[%add3A_23, %dma_start3A] : memref<10240x128xf32, #tpu.memory_space<vmem_shared>> -> memref<128x128xf32, #tpu.memory_space<vmem_shared>>
      %dma_start3A_54 = arith.constant 0 : i32
      %dma_start3A_55 = tpu.memref_slice %arg12[%add3A_23, %dma_start3A_54] : memref<10240x128xf32, #tpu.memory_space<vmem_shared>> -> memref<128x128xf32, #tpu.memory_space<vmem_shared>>
      tpu.enqueue_dma source(%arg9 : memref<128x128xf32, #tpu.memory_space<vmem>>) target(%dma_start3A_55 : memref<128x128xf32, #tpu.memory_space<vmem_shared>>) target_semaphore(%run_scoped3A : memref<!tpu.dma_semaphore, #tpu.memory_space<semaphore_mem>>)
      %dma_wait3A = arith.constant 0 : i32
      %dma_wait3A_56 = tpu.memref_slice %arg12[%add3A_23, %dma_wait3A] : memref<10240x128xf32, #tpu.memory_space<vmem_shared>> -> memref<128x128xf32, #tpu.memory_space<vmem_shared>>
      %dma_wait3A_57 = arith.constant 0 : i32
      %dma_wait3A_58 = tpu.memref_slice %arg12[%add3A_23, %dma_wait3A_57] : memref<10240x128xf32, #tpu.memory_space<vmem_shared>> -> memref<128x128xf32, #tpu.memory_space<vmem_shared>>
      tpu.wait_dma2 semaphore(%run_scoped3A : memref<!tpu.dma_semaphore, #tpu.memory_space<semaphore_mem>>) src(%arg9 : memref<128x128xf32, #tpu.memory_space<vmem>>) dst(%dma_wait3A_58 : memref<128x128xf32, #tpu.memory_space<vmem_shared>>)
      tpu.yield
    }) : () -> ()
    %add3A_24 = arith.constant 128 : i32
    %add3A_25 = arith.addi %mul3A_21, %add3A_24 : i32
    "tpu.region"() ({
      %run_scoped3A = tpu.sem_alloc : memref<!tpu.dma_semaphore, #tpu.memory_space<semaphore_mem>>
      %dma_start3A = arith.constant 0 : i32
      %dma_start3A_53 = tpu.memref_slice %arg12[%add3A_25, %dma_start3A] : memref<10240x128xf32, #tpu.memory_space<vmem_shared>> -> memref<128x128xf32, #tpu.memory_space<vmem_shared>>
      %dma_start3A_54 = arith.constant 0 : i32
      %dma_start3A_55 = tpu.memref_slice %arg12[%add3A_25, %dma_start3A_54] : memref<10240x128xf32, #tpu.memory_space<vmem_shared>> -> memref<128x128xf32, #tpu.memory_space<vmem_shared>>
      tpu.enqueue_dma source(%arg9 : memref<128x128xf32, #tpu.memory_space<vmem>>) target(%dma_start3A_55 : memref<128x128xf32, #tpu.memory_space<vmem_shared>>) target_semaphore(%run_scoped3A : memref<!tpu.dma_semaphore, #tpu.memory_space<semaphore_mem>>)
      %dma_wait3A = arith.constant 0 : i32
      %dma_wait3A_56 = tpu.memref_slice %arg12[%add3A_25, %dma_wait3A] : memref<10240x128xf32, #tpu.memory_space<vmem_shared>> -> memref<128x128xf32, #tpu.memory_space<vmem_shared>>
      %dma_wait3A_57 = arith.constant 0 : i32
      %dma_wait3A_58 = tpu.memref_slice %arg12[%add3A_25, %dma_wait3A_57] : memref<10240x128xf32, #tpu.memory_space<vmem_shared>> -> memref<128x128xf32, #tpu.memory_space<vmem_shared>>
      tpu.wait_dma2 semaphore(%run_scoped3A : memref<!tpu.dma_semaphore, #tpu.memory_space<semaphore_mem>>) src(%arg9 : memref<128x128xf32, #tpu.memory_space<vmem>>) dst(%dma_wait3A_58 : memref<128x128xf32, #tpu.memory_space<vmem_shared>>)
      tpu.yield
    }) : () -> ()
    %add3A_26 = arith.constant 256 : i32
    %add3A_27 = arith.addi %mul3A_21, %add3A_26 : i32
    "tpu.region"() ({
      %run_scoped3A = tpu.sem_alloc : memref<!tpu.dma_semaphore, #tpu.memory_space<semaphore_mem>>
      %dma_start3A = arith.constant 0 : i32
      %dma_start3A_53 = tpu.memref_slice %arg12[%add3A_27, %dma_start3A] : memref<10240x128xf32, #tpu.memory_space<vmem_shared>> -> memref<128x128xf32, #tpu.memory_space<vmem_shared>>
      %dma_start3A_54 = arith.constant 0 : i32
      %dma_start3A_55 = tpu.memref_slice %arg12[%add3A_27, %dma_start3A_54] : memref<10240x128xf32, #tpu.memory_space<vmem_shared>> -> memref<128x128xf32, #tpu.memory_space<vmem_shared>>
      tpu.enqueue_dma source(%arg9 : memref<128x128xf32, #tpu.memory_space<vmem>>) target(%dma_start3A_55 : memref<128x128xf32, #tpu.memory_space<vmem_shared>>) target_semaphore(%run_scoped3A : memref<!tpu.dma_semaphore, #tpu.memory_space<semaphore_mem>>)
      %dma_wait3A = arith.constant 0 : i32
      %dma_wait3A_56 = tpu.memref_slice %arg12[%add3A_27, %dma_wait3A] : memref<10240x128xf32, #tpu.memory_space<vmem_shared>> -> memref<128x128xf32, #tpu.memory_space<vmem_shared>>
      %dma_wait3A_57 = arith.constant 0 : i32
      %dma_wait3A_58 = tpu.memref_slice %arg12[%add3A_27, %dma_wait3A_57] : memref<10240x128xf32, #tpu.memory_space<vmem_shared>> -> memref<128x128xf32, #tpu.memory_space<vmem_shared>>
      tpu.wait_dma2 semaphore(%run_scoped3A : memref<!tpu.dma_semaphore, #tpu.memory_space<semaphore_mem>>) src(%arg9 : memref<128x128xf32, #tpu.memory_space<vmem>>) dst(%dma_wait3A_58 : memref<128x128xf32, #tpu.memory_space<vmem_shared>>)
      tpu.yield
    }) : () -> ()
    %add3A_28 = arith.constant 384 : i32
    %add3A_29 = arith.addi %mul3A_21, %add3A_28 : i32
    "tpu.region"() ({
      %run_scoped3A = tpu.sem_alloc : memref<!tpu.dma_semaphore, #tpu.memory_space<semaphore_mem>>
      %dma_start3A = arith.constant 0 : i32
      %dma_start3A_53 = tpu.memref_slice %arg12[%add3A_29, %dma_start3A] : memref<10240x128xf32, #tpu.memory_space<vmem_shared>> -> memref<128x128xf32, #tpu.memory_space<vmem_shared>>
      %dma_start3A_54 = arith.constant 0 : i32
      %dma_start3A_55 = tpu.memref_slice %arg12[%add3A_29, %dma_start3A_54] : memref<10240x128xf32, #tpu.memory_space<vmem_shared>> -> memref<128x128xf32, #tpu.memory_space<vmem_shared>>
      tpu.enqueue_dma source(%arg9 : memref<128x128xf32, #tpu.memory_space<vmem>>) target(%dma_start3A_55 : memref<128x128xf32, #tpu.memory_space<vmem_shared>>) target_semaphore(%run_scoped3A : memref<!tpu.dma_semaphore, #tpu.memory_space<semaphore_mem>>)
      %dma_wait3A = arith.constant 0 : i32
      %dma_wait3A_56 = tpu.memref_slice %arg12[%add3A_29, %dma_wait3A] : memref<10240x128xf32, #tpu.memory_space<vmem_shared>> -> memref<128x128xf32, #tpu.memory_space<vmem_shared>>
      %dma_wait3A_57 = arith.constant 0 : i32
      %dma_wait3A_58 = tpu.memref_slice %arg12[%add3A_29, %dma_wait3A_57] : memref<10240x128xf32, #tpu.memory_space<vmem_shared>> -> memref<128x128xf32, #tpu.memory_space<vmem_shared>>
      tpu.wait_dma2 semaphore(%run_scoped3A : memref<!tpu.dma_semaphore, #tpu.memory_space<semaphore_mem>>) src(%arg9 : memref<128x128xf32, #tpu.memory_space<vmem>>) dst(%dma_wait3A_58 : memref<128x128xf32, #tpu.memory_space<vmem_shared>>)
      tpu.yield
    }) : () -> ()
    %add3A_30 = arith.constant 512 : i32
    %add3A_31 = arith.addi %mul3A_21, %add3A_30 : i32
    "tpu.region"() ({
      %run_scoped3A = tpu.sem_alloc : memref<!tpu.dma_semaphore, #tpu.memory_space<semaphore_mem>>
      %dma_start3A = arith.constant 0 : i32
      %dma_start3A_53 = tpu.memref_slice %arg12[%add3A_31, %dma_start3A] : memref<10240x128xf32, #tpu.memory_space<vmem_shared>> -> memref<128x128xf32, #tpu.memory_space<vmem_shared>>
      %dma_start3A_54 = arith.constant 0 : i32
      %dma_start3A_55 = tpu.memref_slice %arg12[%add3A_31, %dma_start3A_54] : memref<10240x128xf32, #tpu.memory_space<vmem_shared>> -> memref<128x128xf32, #tpu.memory_space<vmem_shared>>
      tpu.enqueue_dma source(%arg9 : memref<128x128xf32, #tpu.memory_space<vmem>>) target(%dma_start3A_55 : memref<128x128xf32, #tpu.memory_space<vmem_shared>>) target_semaphore(%run_scoped3A : memref<!tpu.dma_semaphore, #tpu.memory_space<semaphore_mem>>)
      %dma_wait3A = arith.constant 0 : i32
      %dma_wait3A_56 = tpu.memref_slice %arg12[%add3A_31, %dma_wait3A] : memref<10240x128xf32, #tpu.memory_space<vmem_shared>> -> memref<128x128xf32, #tpu.memory_space<vmem_shared>>
      %dma_wait3A_57 = arith.constant 0 : i32
      %dma_wait3A_58 = tpu.memref_slice %arg12[%add3A_31, %dma_wait3A_57] : memref<10240x128xf32, #tpu.memory_space<vmem_shared>> -> memref<128x128xf32, #tpu.memory_space<vmem_shared>>
      tpu.wait_dma2 semaphore(%run_scoped3A : memref<!tpu.dma_semaphore, #tpu.memory_space<semaphore_mem>>) src(%arg9 : memref<128x128xf32, #tpu.memory_space<vmem>>) dst(%dma_wait3A_58 : memref<128x128xf32, #tpu.memory_space<vmem_shared>>)
      tpu.yield
    }) : () -> ()
    %barrier3A = arith.constant 0 : index
    tpu.barrier barrier_id(%barrier3A)
    %broadcast_in_dim3A = arith.constant 1.000000e+00 : f32
    %broadcast_in_dim3A_32 = vector.broadcast %broadcast_in_dim3A : f32 to vector<16xf32>
    %while3A = arith.constant 0 : i32
    %while3A_33 = arith.constant 0 : i32
    %while3A_34 = arith.subi %select_n3A_8, %while3A_33 : i32
    %while3A_35 = arith.addi %while3A_33, %while3A_34 : i32
    %while3A_36 = arith.constant 1 : i32
    %while3A_37 = arith.divsi %while3A_34, %while3A_36 : i32
    %while3A_38 = arith.muli %while3A_37, %while3A_36 : i32
    %while3A_39 = arith.addi %while3A_33, %while3A_38 : i32
    %while3A_40 = arith.constant 1 : i32
    scf.for %while3A_53 = %while3A_33 to %while3A_39 step %while3A_40  : i32 {
      %jit3A_54 = arith.constant 8 : i32
      %div3A = arith.divsi %select_n3A, %jit3A_54 : i32
      %sign3A = arith.constant 0 : i32
      %sign3A_55 = arith.cmpi sgt, %select_n3A, %sign3A : i32
      %sign3A_56 = arith.extui %sign3A_55 : i1 to i32
      %sign3A_57 = arith.constant 0 : i32
      %sign3A_58 = arith.cmpi slt, %select_n3A, %sign3A_57 : i32
      %sign3A_59 = arith.extui %sign3A_58 : i1 to i32
      %sign3A_60 = arith.subi %sign3A_56, %sign3A_59 : i32
      %sign3A_61 = arith.constant 0 : i32
      %sign3A_62 = arith.cmpi sgt, %jit3A_54, %sign3A_61 : i32
      %sign3A_63 = arith.extui %sign3A_62 : i1 to i32
      %sign3A_64 = arith.constant 0 : i32
      %sign3A_65 = arith.cmpi slt, %jit3A_54, %sign3A_64 : i32
      %sign3A_66 = arith.extui %sign3A_65 : i1 to i32
      %sign3A_67 = arith.subi %sign3A_63, %sign3A_66 : i32
      %ne3A = arith.cmpi ne, %sign3A_60, %sign3A_67 : i32
      %rem3A = arith.remsi %select_n3A, %jit3A_54 : i32
      %ne3A_68 = arith.constant 0 : i32
      %ne3A_69 = arith.cmpi ne, %rem3A, %ne3A_68 : i32
      %and3A = arith.andi %ne3A, %ne3A_69 : i1
      %sub3A = arith.constant 1 : i32
      %sub3A_70 = arith.subi %div3A, %sub3A : i32
      %select_n3A_71 = arith.select %and3A, %sub3A_70, %div3A : i32
      %add3A_72 = arith.addi %select_n3A_71, %while3A_53 : i32
      "tpu.region"() ({
        %run_scoped3A_853 = tpu.sem_alloc : memref<!tpu.dma_semaphore, #tpu.memory_space<semaphore_mem>>
        %dma_start3A_854 = arith.constant 0 : i32
        %dma_start3A_855 = arith.constant 0 : i32
        %dma_start3A_856 = tpu.memref_slice %arg3[%add3A_72, %dma_start3A_854, %dma_start3A_855] : memref<320x8x128xi32, #tpu.memory_space<hbm>> -> memref<1x8x128xi32, #tpu.memory_space<hbm>>
        %dma_start3A_857 = tpu.memref_squeeze %dma_start3A_856 : memref<1x8x128xi32, #tpu.memory_space<hbm>> -> memref<8x128xi32, #tpu.memory_space<hbm>>
        %dma_start3A_858 = arith.constant 0 : i32
        %dma_start3A_859 = arith.constant 0 : i32
        %dma_start3A_860 = tpu.memref_slice %arg3[%add3A_72, %dma_start3A_858, %dma_start3A_859] : memref<320x8x128xi32, #tpu.memory_space<hbm>> -> memref<1x8x128xi32, #tpu.memory_space<hbm>>
        %dma_start3A_861 = tpu.memref_squeeze %dma_start3A_860 : memref<1x8x128xi32, #tpu.memory_space<hbm>> -> memref<8x128xi32, #tpu.memory_space<hbm>>
        tpu.enqueue_dma source(%dma_start3A_861 : memref<8x128xi32, #tpu.memory_space<hbm>>) target(%arg7 : memref<8x128xi32, #tpu.memory_space<vmem>>) target_semaphore(%run_scoped3A_853 : memref<!tpu.dma_semaphore, #tpu.memory_space<semaphore_mem>>)
        %dma_wait3A_862 = arith.constant 0 : i32
        %dma_wait3A_863 = arith.constant 0 : i32
        %dma_wait3A_864 = tpu.memref_slice %arg3[%add3A_72, %dma_wait3A_862, %dma_wait3A_863] : memref<320x8x128xi32, #tpu.memory_space<hbm>> -> memref<1x8x128xi32, #tpu.memory_space<hbm>>
        %dma_wait3A_865 = tpu.memref_squeeze %dma_wait3A_864 : memref<1x8x128xi32, #tpu.memory_space<hbm>> -> memref<8x128xi32, #tpu.memory_space<hbm>>
        %dma_wait3A_866 = arith.constant 0 : i32
        %dma_wait3A_867 = arith.constant 0 : i32
        %dma_wait3A_868 = tpu.memref_slice %arg3[%add3A_72, %dma_wait3A_866, %dma_wait3A_867] : memref<320x8x128xi32, #tpu.memory_space<hbm>> -> memref<1x8x128xi32, #tpu.memory_space<hbm>>
        %dma_wait3A_869 = tpu.memref_squeeze %dma_wait3A_868 : memref<1x8x128xi32, #tpu.memory_space<hbm>> -> memref<8x128xi32, #tpu.memory_space<hbm>>
        tpu.wait_dma2 semaphore(%run_scoped3A_853 : memref<!tpu.dma_semaphore, #tpu.memory_space<semaphore_mem>>) src(%dma_wait3A_869 : memref<8x128xi32, #tpu.memory_space<hbm>>) dst(%arg7 : memref<8x128xi32, #tpu.memory_space<vmem>>)
        tpu.yield
      }) : () -> ()
      %jit3A_73 = arith.constant 8 : i32
      %div3A_74 = arith.divsi %select_n3A, %jit3A_73 : i32
      %sign3A_75 = arith.constant 0 : i32
      %sign3A_76 = arith.cmpi sgt, %select_n3A, %sign3A_75 : i32
      %sign3A_77 = arith.extui %sign3A_76 : i1 to i32
      %sign3A_78 = arith.constant 0 : i32
      %sign3A_79 = arith.cmpi slt, %select_n3A, %sign3A_78 : i32
      %sign3A_80 = arith.extui %sign3A_79 : i1 to i32
      %sign3A_81 = arith.subi %sign3A_77, %sign3A_80 : i32
      %sign3A_82 = arith.constant 0 : i32
      %sign3A_83 = arith.cmpi sgt, %jit3A_73, %sign3A_82 : i32
      %sign3A_84 = arith.extui %sign3A_83 : i1 to i32
      %sign3A_85 = arith.constant 0 : i32
      %sign3A_86 = arith.cmpi slt, %jit3A_73, %sign3A_85 : i32
      %sign3A_87 = arith.extui %sign3A_86 : i1 to i32
      %sign3A_88 = arith.subi %sign3A_84, %sign3A_87 : i32
      %ne3A_89 = arith.cmpi ne, %sign3A_81, %sign3A_88 : i32
      %rem3A_90 = arith.remsi %select_n3A, %jit3A_73 : i32
      %ne3A_91 = arith.constant 0 : i32
      %ne3A_92 = arith.cmpi ne, %rem3A_90, %ne3A_91 : i32
      %and3A_93 = arith.andi %ne3A_89, %ne3A_92 : i1
      %sub3A_94 = arith.constant 1 : i32
      %sub3A_95 = arith.subi %div3A_74, %sub3A_94 : i32
      %select_n3A_96 = arith.select %and3A_93, %sub3A_95, %div3A_74 : i32
      %add3A_97 = arith.addi %select_n3A_96, %while3A_53 : i32
      "tpu.region"() ({
        %run_scoped3A_853 = tpu.sem_alloc : memref<!tpu.dma_semaphore, #tpu.memory_space<semaphore_mem>>
        %dma_start3A_854 = arith.constant 0 : i32
        %dma_start3A_855 = arith.constant 0 : i32
        %dma_start3A_856 = tpu.memref_slice %arg4[%add3A_97, %dma_start3A_854, %dma_start3A_855] : memref<320x8x128xi32, #tpu.memory_space<hbm>> -> memref<1x8x128xi32, #tpu.memory_space<hbm>>
        %dma_start3A_857 = tpu.memref_squeeze %dma_start3A_856 : memref<1x8x128xi32, #tpu.memory_space<hbm>> -> memref<8x128xi32, #tpu.memory_space<hbm>>
        %dma_start3A_858 = arith.constant 0 : i32
        %dma_start3A_859 = arith.constant 0 : i32
        %dma_start3A_860 = tpu.memref_slice %arg4[%add3A_97, %dma_start3A_858, %dma_start3A_859] : memref<320x8x128xi32, #tpu.memory_space<hbm>> -> memref<1x8x128xi32, #tpu.memory_space<hbm>>
        %dma_start3A_861 = tpu.memref_squeeze %dma_start3A_860 : memref<1x8x128xi32, #tpu.memory_space<hbm>> -> memref<8x128xi32, #tpu.memory_space<hbm>>
        tpu.enqueue_dma source(%dma_start3A_861 : memref<8x128xi32, #tpu.memory_space<hbm>>) target(%arg8 : memref<8x128xi32, #tpu.memory_space<vmem>>) target_semaphore(%run_scoped3A_853 : memref<!tpu.dma_semaphore, #tpu.memory_space<semaphore_mem>>)
        %dma_wait3A_862 = arith.constant 0 : i32
        %dma_wait3A_863 = arith.constant 0 : i32
        %dma_wait3A_864 = tpu.memref_slice %arg4[%add3A_97, %dma_wait3A_862, %dma_wait3A_863] : memref<320x8x128xi32, #tpu.memory_space<hbm>> -> memref<1x8x128xi32, #tpu.memory_space<hbm>>
        %dma_wait3A_865 = tpu.memref_squeeze %dma_wait3A_864 : memref<1x8x128xi32, #tpu.memory_space<hbm>> -> memref<8x128xi32, #tpu.memory_space<hbm>>
        %dma_wait3A_866 = arith.constant 0 : i32
        %dma_wait3A_867 = arith.constant 0 : i32
        %dma_wait3A_868 = tpu.memref_slice %arg4[%add3A_97, %dma_wait3A_866, %dma_wait3A_867] : memref<320x8x128xi32, #tpu.memory_space<hbm>> -> memref<1x8x128xi32, #tpu.memory_space<hbm>>
        %dma_wait3A_869 = tpu.memref_squeeze %dma_wait3A_868 : memref<1x8x128xi32, #tpu.memory_space<hbm>> -> memref<8x128xi32, #tpu.memory_space<hbm>>
        tpu.wait_dma2 semaphore(%run_scoped3A_853 : memref<!tpu.dma_semaphore, #tpu.memory_space<semaphore_mem>>) src(%dma_wait3A_869 : memref<8x128xi32, #tpu.memory_space<hbm>>) dst(%arg8 : memref<8x128xi32, #tpu.memory_space<vmem>>)
        tpu.yield
      }) : () -> ()
      %dma_start3A = arith.constant 0 : i32
      %dma_start3A_98 = arith.constant 0 : i32
      %dma_start3A_99 = tpu.memref_slice %arg7[%dma_start3A, %dma_start3A_98] : memref<8x128xi32, #tpu.memory_space<vmem>> -> memref<1x128xi32, #tpu.memory_space<vmem>>
      %dma_start3A_100 = tpu.memref_squeeze %dma_start3A_99 : memref<1x128xi32, #tpu.memory_space<vmem>> -> memref<128xi32, #tpu.memory_space<vmem>>
      %dma_start3A_101 = arith.constant 0 : i32
      %dma_start3A_102 = arith.constant 0 : i32
      %dma_start3A_103 = tpu.memref_slice %arg2[%dma_start3A_101, %dma_start3A_102] : memref<10000x128xf32, #tpu.memory_space<hbm>> -> memref<10000x128xf32, #tpu.memory_space<hbm>>
      tpu.enqueue_indirect_dma source(%dma_start3A_103 : memref<10000x128xf32, #tpu.memory_space<hbm>>) target(%arg9 : memref<128x128xf32, #tpu.memory_space<vmem>>) offsets(%dma_start3A_100 : memref<128xi32, #tpu.memory_space<vmem>>) semaphore(%arg13 : memref<!tpu.dma_semaphore, #tpu.memory_space<semaphore_mem>>)
      %dma_start3A_104 = arith.constant 1 : i32
      %dma_start3A_105 = arith.constant 0 : i32
      %dma_start3A_106 = tpu.memref_slice %arg7[%dma_start3A_104, %dma_start3A_105] : memref<8x128xi32, #tpu.memory_space<vmem>> -> memref<1x128xi32, #tpu.memory_space<vmem>>
      %dma_start3A_107 = tpu.memref_squeeze %dma_start3A_106 : memref<1x128xi32, #tpu.memory_space<vmem>> -> memref<128xi32, #tpu.memory_space<vmem>>
      %dma_start3A_108 = arith.constant 0 : i32
      %dma_start3A_109 = arith.constant 0 : i32
      %dma_start3A_110 = tpu.memref_slice %arg2[%dma_start3A_108, %dma_start3A_109] : memref<10000x128xf32, #tpu.memory_space<hbm>> -> memref<10000x128xf32, #tpu.memory_space<hbm>>
      tpu.enqueue_indirect_dma source(%dma_start3A_110 : memref<10000x128xf32, #tpu.memory_space<hbm>>) target(%arg10 : memref<128x128xf32, #tpu.memory_space<vmem>>) offsets(%dma_start3A_107 : memref<128xi32, #tpu.memory_space<vmem>>) semaphore(%arg14 : memref<!tpu.dma_semaphore, #tpu.memory_space<semaphore_mem>>)
      %get3A = arith.constant 0 : i32
      %get3A_111 = arith.index_cast %get3A : i32 to index
      %get3A_112 = arith.constant 0 : index
      %get3A_113 = tpu.vector_load %arg8[%get3A_111, %get3A_112] {strides = array<i32>} : memref<8x128xi32, #tpu.memory_space<vmem>>, vector<16xi32>,
      %shift_right_logical3A = arith.constant 7 : i32
      %shift_right_logical3A_114 = vector.broadcast %shift_right_logical3A : i32 to vector<16xi32>
      %shift_right_logical3A_115 = arith.shrui %get3A_113, %shift_right_logical3A_114 : vector<16xi32>
      %and3A_116 = arith.constant 127 : i32
      %and3A_117 = vector.broadcast %and3A_116 : i32 to vector<16xi32>
      %and3A_118 = arith.andi %get3A_113, %and3A_117 : vector<16xi32>
      tpu.vector_store_idx %arg11[%shift_right_logical3A_115, %and3A_118], %broadcast_in_dim3A_32 {add = true} : memref<80x128xf32, #tpu.memory_space<vmem>>[vector<16xi32>, vector<16xi32>], vector<16xf32>,
      %get3A_119 = arith.constant 0 : i32
      %get3A_120 = arith.index_cast %get3A_119 : i32 to index
      %get3A_121 = arith.constant 16 : index
      %get3A_122 = tpu.vector_load %arg8[%get3A_120, %get3A_121] {strides = array<i32>} : memref<8x128xi32, #tpu.memory_space<vmem>>, vector<16xi32>,
      %shift_right_logical3A_123 = arith.constant 7 : i32
      %shift_right_logical3A_124 = vector.broadcast %shift_right_logical3A_123 : i32 to vector<16xi32>
      %shift_right_logical3A_125 = arith.shrui %get3A_122, %shift_right_logical3A_124 : vector<16xi32>
      %and3A_126 = arith.constant 127 : i32
      %and3A_127 = vector.broadcast %and3A_126 : i32 to vector<16xi32>
      %and3A_128 = arith.andi %get3A_122, %and3A_127 : vector<16xi32>
      tpu.vector_store_idx %arg11[%shift_right_logical3A_125, %and3A_128], %broadcast_in_dim3A_32 {add = true} : memref<80x128xf32, #tpu.memory_space<vmem>>[vector<16xi32>, vector<16xi32>], vector<16xf32>,
      %get3A_129 = arith.constant 0 : i32
      %get3A_130 = arith.index_cast %get3A_129 : i32 to index
      %get3A_131 = arith.constant 32 : index
      %get3A_132 = tpu.vector_load %arg8[%get3A_130, %get3A_131] {strides = array<i32>} : memref<8x128xi32, #tpu.memory_space<vmem>>, vector<16xi32>,
      %shift_right_logical3A_133 = arith.constant 7 : i32
      %shift_right_logical3A_134 = vector.broadcast %shift_right_logical3A_133 : i32 to vector<16xi32>
      %shift_right_logical3A_135 = arith.shrui %get3A_132, %shift_right_logical3A_134 : vector<16xi32>
      %and3A_136 = arith.constant 127 : i32
      %and3A_137 = vector.broadcast %and3A_136 : i32 to vector<16xi32>
      %and3A_138 = arith.andi %get3A_132, %and3A_137 : vector<16xi32>
      tpu.vector_store_idx %arg11[%shift_right_logical3A_135, %and3A_138], %broadcast_in_dim3A_32 {add = true} : memref<80x128xf32, #tpu.memory_space<vmem>>[vector<16xi32>, vector<16xi32>], vector<16xf32>,
      %get3A_139 = arith.constant 0 : i32
      %get3A_140 = arith.index_cast %get3A_139 : i32 to index
      %get3A_141 = arith.constant 48 : index
      %get3A_142 = tpu.vector_load %arg8[%get3A_140, %get3A_141] {strides = array<i32>} : memref<8x128xi32, #tpu.memory_space<vmem>>, vector<16xi32>,
      %shift_right_logical3A_143 = arith.constant 7 : i32
      %shift_right_logical3A_144 = vector.broadcast %shift_right_logical3A_143 : i32 to vector<16xi32>
      %shift_right_logical3A_145 = arith.shrui %get3A_142, %shift_right_logical3A_144 : vector<16xi32>
      %and3A_146 = arith.constant 127 : i32
      %and3A_147 = vector.broadcast %and3A_146 : i32 to vector<16xi32>
      %and3A_148 = arith.andi %get3A_142, %and3A_147 : vector<16xi32>
      tpu.vector_store_idx %arg11[%shift_right_logical3A_145, %and3A_148], %broadcast_in_dim3A_32 {add = true} : memref<80x128xf32, #tpu.memory_space<vmem>>[vector<16xi32>, vector<16xi32>], vector<16xf32>,
      %get3A_149 = arith.constant 0 : i32
      %get3A_150 = arith.index_cast %get3A_149 : i32 to index
      %get3A_151 = arith.constant 64 : index
      %get3A_152 = tpu.vector_load %arg8[%get3A_150, %get3A_151] {strides = array<i32>} : memref<8x128xi32, #tpu.memory_space<vmem>>, vector<16xi32>,
      %shift_right_logical3A_153 = arith.constant 7 : i32
      %shift_right_logical3A_154 = vector.broadcast %shift_right_logical3A_153 : i32 to vector<16xi32>
      %shift_right_logical3A_155 = arith.shrui %get3A_152, %shift_right_logical3A_154 : vector<16xi32>
      %and3A_156 = arith.constant 127 : i32
      %and3A_157 = vector.broadcast %and3A_156 : i32 to vector<16xi32>
      %and3A_158 = arith.andi %get3A_152, %and3A_157 : vector<16xi32>
      tpu.vector_store_idx %arg11[%shift_right_logical3A_155, %and3A_158], %broadcast_in_dim3A_32 {add = true} : memref<80x128xf32, #tpu.memory_space<vmem>>[vector<16xi32>, vector<16xi32>], vector<16xf32>,
      %get3A_159 = arith.constant 0 : i32
      %get3A_160 = arith.index_cast %get3A_159 : i32 to index
      %get3A_161 = arith.constant 80 : index
      %get3A_162 = tpu.vector_load %arg8[%get3A_160, %get3A_161] {strides = array<i32>} : memref<8x128xi32, #tpu.memory_space<vmem>>, vector<16xi32>,
      %shift_right_logical3A_163 = arith.constant 7 : i32
      %shift_right_logical3A_164 = vector.broadcast %shift_right_logical3A_163 : i32 to vector<16xi32>
      %shift_right_logical3A_165 = arith.shrui %get3A_162, %shift_right_logical3A_164 : vector<16xi32>
      %and3A_166 = arith.constant 127 : i32
      %and3A_167 = vector.broadcast %and3A_166 : i32 to vector<16xi32>
      %and3A_168 = arith.andi %get3A_162, %and3A_167 : vector<16xi32>
      tpu.vector_store_idx %arg11[%shift_right_logical3A_165, %and3A_168], %broadcast_in_dim3A_32 {add = true} : memref<80x128xf32, #tpu.memory_space<vmem>>[vector<16xi32>, vector<16xi32>], vector<16xf32>,
      %get3A_169 = arith.constant 0 : i32
      %get3A_170 = arith.index_cast %get3A_169 : i32 to index
      %get3A_171 = arith.constant 96 : index
      %get3A_172 = tpu.vector_load %arg8[%get3A_170, %get3A_171] {strides = array<i32>} : memref<8x128xi32, #tpu.memory_space<vmem>>, vector<16xi32>,
      %shift_right_logical3A_173 = arith.constant 7 : i32
      %shift_right_logical3A_174 = vector.broadcast %shift_right_logical3A_173 : i32 to vector<16xi32>
      %shift_right_logical3A_175 = arith.shrui %get3A_172, %shift_right_logical3A_174 : vector<16xi32>
      %and3A_176 = arith.constant 127 : i32
      %and3A_177 = vector.broadcast %and3A_176 : i32 to vector<16xi32>
      %and3A_178 = arith.andi %get3A_172, %and3A_177 : vector<16xi32>
      tpu.vector_store_idx %arg11[%shift_right_logical3A_175, %and3A_178], %broadcast_in_dim3A_32 {add = true} : memref<80x128xf32, #tpu.memory_space<vmem>>[vector<16xi32>, vector<16xi32>], vector<16xf32>,
      %get3A_179 = arith.constant 0 : i32
      %get3A_180 = arith.index_cast %get3A_179 : i32 to index
      %get3A_181 = arith.constant 112 : index
      %get3A_182 = tpu.vector_load %arg8[%get3A_180, %get3A_181] {strides = array<i32>} : memref<8x128xi32, #tpu.memory_space<vmem>>, vector<16xi32>,
      %shift_right_logical3A_183 = arith.constant 7 : i32
      %shift_right_logical3A_184 = vector.broadcast %shift_right_logical3A_183 : i32 to vector<16xi32>
      %shift_right_logical3A_185 = arith.shrui %get3A_182, %shift_right_logical3A_184 : vector<16xi32>
      %and3A_186 = arith.constant 127 : i32
      %and3A_187 = vector.broadcast %and3A_186 : i32 to vector<16xi32>
      %and3A_188 = arith.andi %get3A_182, %and3A_187 : vector<16xi32>
      tpu.vector_store_idx %arg11[%shift_right_logical3A_185, %and3A_188], %broadcast_in_dim3A_32 {add = true} : memref<80x128xf32, #tpu.memory_space<vmem>>[vector<16xi32>, vector<16xi32>], vector<16xf32>,
      %dma_wait3A = arith.constant 0 : i32
      %dma_wait3A_189 = arith.constant 0 : i32
      %dma_wait3A_190 = tpu.memref_slice %arg7[%dma_wait3A, %dma_wait3A_189] : memref<8x128xi32, #tpu.memory_space<vmem>> -> memref<1x128xi32, #tpu.memory_space<vmem>>
      %dma_wait3A_191 = tpu.memref_squeeze %dma_wait3A_190 : memref<1x128xi32, #tpu.memory_space<vmem>> -> memref<128xi32, #tpu.memory_space<vmem>>
      %dma_wait3A_192 = arith.constant 0 : i32
      %dma_wait3A_193 = arith.constant 0 : i32
      %dma_wait3A_194 = tpu.memref_slice %arg2[%dma_wait3A_192, %dma_wait3A_193] : memref<10000x128xf32, #tpu.memory_space<hbm>> -> memref<10000x128xf32, #tpu.memory_space<hbm>>
      tpu.wait_indirect_dma semaphore(%arg13 : memref<!tpu.dma_semaphore, #tpu.memory_space<semaphore_mem>>) src(%dma_wait3A_194 : memref<10000x128xf32, #tpu.memory_space<hbm>>) dst(%arg9 : memref<128x128xf32, #tpu.memory_space<vmem>>)
      %run_scoped3A = arith.constant 0 : i32
      "tpu.region"() ({
        %run_scoped3A_853 = tpu.sem_alloc : memref<!tpu.dma_semaphore, #tpu.memory_space<semaphore_mem>>
        %dma_start3A_854 = arith.constant 0 : i32
        %dma_start3A_855 = tpu.memref_slice %arg8[%run_scoped3A, %dma_start3A_854] : memref<8x128xi32, #tpu.memory_space<vmem>> -> memref<1x128xi32, #tpu.memory_space<vmem>>
        %dma_start3A_856 = tpu.memref_squeeze %dma_start3A_855 : memref<1x128xi32, #tpu.memory_space<vmem>> -> memref<128xi32, #tpu.memory_space<vmem>>
        %dma_start3A_857 = arith.constant 0 : i32
        %dma_start3A_858 = arith.constant 0 : i32
        %dma_start3A_859 = tpu.memref_slice %arg12[%dma_start3A_857, %dma_start3A_858] : memref<10240x128xf32, #tpu.memory_space<vmem_shared>> -> memref<10240x128xf32, #tpu.memory_space<vmem_shared>>
        tpu.enqueue_indirect_dma source(%arg9 : memref<128x128xf32, #tpu.memory_space<vmem>>) target(%dma_start3A_859 : memref<10240x128xf32, #tpu.memory_space<vmem_shared>>) offsets(%dma_start3A_856 : memref<128xi32, #tpu.memory_space<vmem>>) semaphore(%run_scoped3A_853 : memref<!tpu.dma_semaphore, #tpu.memory_space<semaphore_mem>>) {add = true}
        %dma_wait3A_860 = arith.constant 0 : i32
        %dma_wait3A_861 = tpu.memref_slice %arg8[%run_scoped3A, %dma_wait3A_860] : memref<8x128xi32, #tpu.memory_space<vmem>> -> memref<1x128xi32, #tpu.memory_space<vmem>>
        %dma_wait3A_862 = tpu.memref_squeeze %dma_wait3A_861 : memref<1x128xi32, #tpu.memory_space<vmem>> -> memref<128xi32, #tpu.memory_space<vmem>>
        %dma_wait3A_863 = arith.constant 0 : i32
        %dma_wait3A_864 = arith.constant 0 : i32
        %dma_wait3A_865 = tpu.memref_slice %arg12[%dma_wait3A_863, %dma_wait3A_864] : memref<10240x128xf32, #tpu.memory_space<vmem_shared>> -> memref<10240x128xf32, #tpu.memory_space<vmem_shared>>
        tpu.wait_indirect_dma semaphore(%run_scoped3A_853 : memref<!tpu.dma_semaphore, #tpu.memory_space<semaphore_mem>>) src(%arg9 : memref<128x128xf32, #tpu.memory_space<vmem>>) dst(%dma_wait3A_865 : memref<10240x128xf32, #tpu.memory_space<vmem_shared>>)
        tpu.yield
      }) : () -> ()
      %dma_start3A_195 = arith.constant 2 : i32
      %dma_start3A_196 = arith.constant 0 : i32
      %dma_start3A_197 = tpu.memref_slice %arg7[%dma_start3A_195, %dma_start3A_196] : memref<8x128xi32, #tpu.memory_space<vmem>> -> memref<1x128xi32, #tpu.memory_space<vmem>>
      %dma_start3A_198 = tpu.memref_squeeze %dma_start3A_197 : memref<1x128xi32, #tpu.memory_space<vmem>> -> memref<128xi32, #tpu.memory_space<vmem>>
      %dma_start3A_199 = arith.constant 0 : i32
      %dma_start3A_200 = arith.constant 0 : i32
      %dma_start3A_201 = tpu.memref_slice %arg2[%dma_start3A_199, %dma_start3A_200] : memref<10000x128xf32, #tpu.memory_space<hbm>> -> memref<10000x128xf32, #tpu.memory_space<hbm>>
      tpu.enqueue_indirect_dma source(%dma_start3A_201 : memref<10000x128xf32, #tpu.memory_space<hbm>>) target(%arg9 : memref<128x128xf32, #tpu.memory_space<vmem>>) offsets(%dma_start3A_198 : memref<128xi32, #tpu.memory_space<vmem>>) semaphore(%arg13 : memref<!tpu.dma_semaphore, #tpu.memory_space<semaphore_mem>>)
      %get3A_202 = arith.constant 1 : i32
      %get3A_203 = arith.index_cast %get3A_202 : i32 to index
      %get3A_204 = arith.constant 0 : index
      %get3A_205 = tpu.vector_load %arg8[%get3A_203, %get3A_204] {strides = array<i32>} : memref<8x128xi32, #tpu.memory_space<vmem>>, vector<16xi32>,
      %shift_right_logical3A_206 = arith.constant 7 : i32
      %shift_right_logical3A_207 = vector.broadcast %shift_right_logical3A_206 : i32 to vector<16xi32>
      %shift_right_logical3A_208 = arith.shrui %get3A_205, %shift_right_logical3A_207 : vector<16xi32>
      %and3A_209 = arith.constant 127 : i32
      %and3A_210 = vector.broadcast %and3A_209 : i32 to vector<16xi32>
      %and3A_211 = arith.andi %get3A_205, %and3A_210 : vector<16xi32>
      tpu.vector_store_idx %arg11[%shift_right_logical3A_208, %and3A_211], %broadcast_in_dim3A_32 {add = true} : memref<80x128xf32, #tpu.memory_space<vmem>>[vector<16xi32>, vector<16xi32>], vector<16xf32>,
      %get3A_212 = arith.constant 1 : i32
      %get3A_213 = arith.index_cast %get3A_212 : i32 to index
      %get3A_214 = arith.constant 16 : index
      %get3A_215 = tpu.vector_load %arg8[%get3A_213, %get3A_214] {strides = array<i32>} : memref<8x128xi32, #tpu.memory_space<vmem>>, vector<16xi32>,
      %shift_right_logical3A_216 = arith.constant 7 : i32
      %shift_right_logical3A_217 = vector.broadcast %shift_right_logical3A_216 : i32 to vector<16xi32>
      %shift_right_logical3A_218 = arith.shrui %get3A_215, %shift_right_logical3A_217 : vector<16xi32>
      %and3A_219 = arith.constant 127 : i32
      %and3A_220 = vector.broadcast %and3A_219 : i32 to vector<16xi32>
      %and3A_221 = arith.andi %get3A_215, %and3A_220 : vector<16xi32>
      tpu.vector_store_idx %arg11[%shift_right_logical3A_218, %and3A_221], %broadcast_in_dim3A_32 {add = true} : memref<80x128xf32, #tpu.memory_space<vmem>>[vector<16xi32>, vector<16xi32>], vector<16xf32>,
      %get3A_222 = arith.constant 1 : i32
      %get3A_223 = arith.index_cast %get3A_222 : i32 to index
      %get3A_224 = arith.constant 32 : index
      %get3A_225 = tpu.vector_load %arg8[%get3A_223, %get3A_224] {strides = array<i32>} : memref<8x128xi32, #tpu.memory_space<vmem>>, vector<16xi32>,
      %shift_right_logical3A_226 = arith.constant 7 : i32
      %shift_right_logical3A_227 = vector.broadcast %shift_right_logical3A_226 : i32 to vector<16xi32>
      %shift_right_logical3A_228 = arith.shrui %get3A_225, %shift_right_logical3A_227 : vector<16xi32>
      %and3A_229 = arith.constant 127 : i32
      %and3A_230 = vector.broadcast %and3A_229 : i32 to vector<16xi32>
      %and3A_231 = arith.andi %get3A_225, %and3A_230 : vector<16xi32>
      tpu.vector_store_idx %arg11[%shift_right_logical3A_228, %and3A_231], %broadcast_in_dim3A_32 {add = true} : memref<80x128xf32, #tpu.memory_space<vmem>>[vector<16xi32>, vector<16xi32>], vector<16xf32>,
      %get3A_232 = arith.constant 1 : i32
      %get3A_233 = arith.index_cast %get3A_232 : i32 to index
      %get3A_234 = arith.constant 48 : index
      %get3A_235 = tpu.vector_load %arg8[%get3A_233, %get3A_234] {strides = array<i32>} : memref<8x128xi32, #tpu.memory_space<vmem>>, vector<16xi32>,
      %shift_right_logical3A_236 = arith.constant 7 : i32
      %shift_right_logical3A_237 = vector.broadcast %shift_right_logical3A_236 : i32 to vector<16xi32>
      %shift_right_logical3A_238 = arith.shrui %get3A_235, %shift_right_logical3A_237 : vector<16xi32>
      %and3A_239 = arith.constant 127 : i32
      %and3A_240 = vector.broadcast %and3A_239 : i32 to vector<16xi32>
      %and3A_241 = arith.andi %get3A_235, %and3A_240 : vector<16xi32>
      tpu.vector_store_idx %arg11[%shift_right_logical3A_238, %and3A_241], %broadcast_in_dim3A_32 {add = true} : memref<80x128xf32, #tpu.memory_space<vmem>>[vector<16xi32>, vector<16xi32>], vector<16xf32>,
      %get3A_242 = arith.constant 1 : i32
      %get3A_243 = arith.index_cast %get3A_242 : i32 to index
      %get3A_244 = arith.constant 64 : index
      %get3A_245 = tpu.vector_load %arg8[%get3A_243, %get3A_244] {strides = array<i32>} : memref<8x128xi32, #tpu.memory_space<vmem>>, vector<16xi32>,
      %shift_right_logical3A_246 = arith.constant 7 : i32
      %shift_right_logical3A_247 = vector.broadcast %shift_right_logical3A_246 : i32 to vector<16xi32>
      %shift_right_logical3A_248 = arith.shrui %get3A_245, %shift_right_logical3A_247 : vector<16xi32>
      %and3A_249 = arith.constant 127 : i32
      %and3A_250 = vector.broadcast %and3A_249 : i32 to vector<16xi32>
      %and3A_251 = arith.andi %get3A_245, %and3A_250 : vector<16xi32>
      tpu.vector_store_idx %arg11[%shift_right_logical3A_248, %and3A_251], %broadcast_in_dim3A_32 {add = true} : memref<80x128xf32, #tpu.memory_space<vmem>>[vector<16xi32>, vector<16xi32>], vector<16xf32>,
      %get3A_252 = arith.constant 1 : i32
      %get3A_253 = arith.index_cast %get3A_252 : i32 to index
      %get3A_254 = arith.constant 80 : index
      %get3A_255 = tpu.vector_load %arg8[%get3A_253, %get3A_254] {strides = array<i32>} : memref<8x128xi32, #tpu.memory_space<vmem>>, vector<16xi32>,
      %shift_right_logical3A_256 = arith.constant 7 : i32
      %shift_right_logical3A_257 = vector.broadcast %shift_right_logical3A_256 : i32 to vector<16xi32>
      %shift_right_logical3A_258 = arith.shrui %get3A_255, %shift_right_logical3A_257 : vector<16xi32>
      %and3A_259 = arith.constant 127 : i32
      %and3A_260 = vector.broadcast %and3A_259 : i32 to vector<16xi32>
      %and3A_261 = arith.andi %get3A_255, %and3A_260 : vector<16xi32>
      tpu.vector_store_idx %arg11[%shift_right_logical3A_258, %and3A_261], %broadcast_in_dim3A_32 {add = true} : memref<80x128xf32, #tpu.memory_space<vmem>>[vector<16xi32>, vector<16xi32>], vector<16xf32>,
      %get3A_262 = arith.constant 1 : i32
      %get3A_263 = arith.index_cast %get3A_262 : i32 to index
      %get3A_264 = arith.constant 96 : index
      %get3A_265 = tpu.vector_load %arg8[%get3A_263, %get3A_264] {strides = array<i32>} : memref<8x128xi32, #tpu.memory_space<vmem>>, vector<16xi32>,
      %shift_right_logical3A_266 = arith.constant 7 : i32
      %shift_right_logical3A_267 = vector.broadcast %shift_right_logical3A_266 : i32 to vector<16xi32>
      %shift_right_logical3A_268 = arith.shrui %get3A_265, %shift_right_logical3A_267 : vector<16xi32>
      %and3A_269 = arith.constant 127 : i32
      %and3A_270 = vector.broadcast %and3A_269 : i32 to vector<16xi32>
      %and3A_271 = arith.andi %get3A_265, %and3A_270 : vector<16xi32>
      tpu.vector_store_idx %arg11[%shift_right_logical3A_268, %and3A_271], %broadcast_in_dim3A_32 {add = true} : memref<80x128xf32, #tpu.memory_space<vmem>>[vector<16xi32>, vector<16xi32>], vector<16xf32>,
      %get3A_272 = arith.constant 1 : i32
      %get3A_273 = arith.index_cast %get3A_272 : i32 to index
      %get3A_274 = arith.constant 112 : index
      %get3A_275 = tpu.vector_load %arg8[%get3A_273, %get3A_274] {strides = array<i32>} : memref<8x128xi32, #tpu.memory_space<vmem>>, vector<16xi32>,
      %shift_right_logical3A_276 = arith.constant 7 : i32
      %shift_right_logical3A_277 = vector.broadcast %shift_right_logical3A_276 : i32 to vector<16xi32>
      %shift_right_logical3A_278 = arith.shrui %get3A_275, %shift_right_logical3A_277 : vector<16xi32>
      %and3A_279 = arith.constant 127 : i32
      %and3A_280 = vector.broadcast %and3A_279 : i32 to vector<16xi32>
      %and3A_281 = arith.andi %get3A_275, %and3A_280 : vector<16xi32>
      tpu.vector_store_idx %arg11[%shift_right_logical3A_278, %and3A_281], %broadcast_in_dim3A_32 {add = true} : memref<80x128xf32, #tpu.memory_space<vmem>>[vector<16xi32>, vector<16xi32>], vector<16xf32>,
      %dma_wait3A_282 = arith.constant 1 : i32
      %dma_wait3A_283 = arith.constant 0 : i32
      %dma_wait3A_284 = tpu.memref_slice %arg7[%dma_wait3A_282, %dma_wait3A_283] : memref<8x128xi32, #tpu.memory_space<vmem>> -> memref<1x128xi32, #tpu.memory_space<vmem>>
      %dma_wait3A_285 = tpu.memref_squeeze %dma_wait3A_284 : memref<1x128xi32, #tpu.memory_space<vmem>> -> memref<128xi32, #tpu.memory_space<vmem>>
      %dma_wait3A_286 = arith.constant 0 : i32
      %dma_wait3A_287 = arith.constant 0 : i32
      %dma_wait3A_288 = tpu.memref_slice %arg2[%dma_wait3A_286, %dma_wait3A_287] : memref<10000x128xf32, #tpu.memory_space<hbm>> -> memref<10000x128xf32, #tpu.memory_space<hbm>>
      tpu.wait_indirect_dma semaphore(%arg14 : memref<!tpu.dma_semaphore, #tpu.memory_space<semaphore_mem>>) src(%dma_wait3A_288 : memref<10000x128xf32, #tpu.memory_space<hbm>>) dst(%arg10 : memref<128x128xf32, #tpu.memory_space<vmem>>)
      %run_scoped3A_289 = arith.constant 1 : i32
      "tpu.region"() ({
        %run_scoped3A_853 = tpu.sem_alloc : memref<!tpu.dma_semaphore, #tpu.memory_space<semaphore_mem>>
        %dma_start3A_854 = arith.constant 0 : i32
        %dma_start3A_855 = tpu.memref_slice %arg8[%run_scoped3A_289, %dma_start3A_854] : memref<8x128xi32, #tpu.memory_space<vmem>> -> memref<1x128xi32, #tpu.memory_space<vmem>>
        %dma_start3A_856 = tpu.memref_squeeze %dma_start3A_855 : memref<1x128xi32, #tpu.memory_space<vmem>> -> memref<128xi32, #tpu.memory_space<vmem>>
        %dma_start3A_857 = arith.constant 0 : i32
        %dma_start3A_858 = arith.constant 0 : i32
        %dma_start3A_859 = tpu.memref_slice %arg12[%dma_start3A_857, %dma_start3A_858] : memref<10240x128xf32, #tpu.memory_space<vmem_shared>> -> memref<10240x128xf32, #tpu.memory_space<vmem_shared>>
        tpu.enqueue_indirect_dma source(%arg10 : memref<128x128xf32, #tpu.memory_space<vmem>>) target(%dma_start3A_859 : memref<10240x128xf32, #tpu.memory_space<vmem_shared>>) offsets(%dma_start3A_856 : memref<128xi32, #tpu.memory_space<vmem>>) semaphore(%run_scoped3A_853 : memref<!tpu.dma_semaphore, #tpu.memory_space<semaphore_mem>>) {add = true}
        %dma_wait3A_860 = arith.constant 0 : i32
        %dma_wait3A_861 = tpu.memref_slice %arg8[%run_scoped3A_289, %dma_wait3A_860] : memref<8x128xi32, #tpu.memory_space<vmem>> -> memref<1x128xi32, #tpu.memory_space<vmem>>
        %dma_wait3A_862 = tpu.memref_squeeze %dma_wait3A_861 : memref<1x128xi32, #tpu.memory_space<vmem>> -> memref<128xi32, #tpu.memory_space<vmem>>
        %dma_wait3A_863 = arith.constant 0 : i32
        %dma_wait3A_864 = arith.constant 0 : i32
        %dma_wait3A_865 = tpu.memref_slice %arg12[%dma_wait3A_863, %dma_wait3A_864] : memref<10240x128xf32, #tpu.memory_space<vmem_shared>> -> memref<10240x128xf32, #tpu.memory_space<vmem_shared>>
        tpu.wait_indirect_dma semaphore(%run_scoped3A_853 : memref<!tpu.dma_semaphore, #tpu.memory_space<semaphore_mem>>) src(%arg10 : memref<128x128xf32, #tpu.memory_space<vmem>>) dst(%dma_wait3A_865 : memref<10240x128xf32, #tpu.memory_space<vmem_shared>>)
        tpu.yield
      }) : () -> ()
      %dma_start3A_290 = arith.constant 3 : i32
      %dma_start3A_291 = arith.constant 0 : i32
      %dma_start3A_292 = tpu.memref_slice %arg7[%dma_start3A_290, %dma_start3A_291] : memref<8x128xi32, #tpu.memory_space<vmem>> -> memref<1x128xi32, #tpu.memory_space<vmem>>
      %dma_start3A_293 = tpu.memref_squeeze %dma_start3A_292 : memref<1x128xi32, #tpu.memory_space<vmem>> -> memref<128xi32, #tpu.memory_space<vmem>>
      %dma_start3A_294 = arith.constant 0 : i32
      %dma_start3A_295 = arith.constant 0 : i32
      %dma_start3A_296 = tpu.memref_slice %arg2[%dma_start3A_294, %dma_start3A_295] : memref<10000x128xf32, #tpu.memory_space<hbm>> -> memref<10000x128xf32, #tpu.memory_space<hbm>>
      tpu.enqueue_indirect_dma source(%dma_start3A_296 : memref<10000x128xf32, #tpu.memory_space<hbm>>) target(%arg10 : memref<128x128xf32, #tpu.memory_space<vmem>>) offsets(%dma_start3A_293 : memref<128xi32, #tpu.memory_space<vmem>>) semaphore(%arg14 : memref<!tpu.dma_semaphore, #tpu.memory_space<semaphore_mem>>)
      %get3A_297 = arith.constant 2 : i32
      %get3A_298 = arith.index_cast %get3A_297 : i32 to index
      %get3A_299 = arith.constant 0 : index
      %get3A_300 = tpu.vector_load %arg8[%get3A_298, %get3A_299] {strides = array<i32>} : memref<8x128xi32, #tpu.memory_space<vmem>>, vector<16xi32>,
      %shift_right_logical3A_301 = arith.constant 7 : i32
      %shift_right_logical3A_302 = vector.broadcast %shift_right_logical3A_301 : i32 to vector<16xi32>
      %shift_right_logical3A_303 = arith.shrui %get3A_300, %shift_right_logical3A_302 : vector<16xi32>
      %and3A_304 = arith.constant 127 : i32
      %and3A_305 = vector.broadcast %and3A_304 : i32 to vector<16xi32>
      %and3A_306 = arith.andi %get3A_300, %and3A_305 : vector<16xi32>
      tpu.vector_store_idx %arg11[%shift_right_logical3A_303, %and3A_306], %broadcast_in_dim3A_32 {add = true} : memref<80x128xf32, #tpu.memory_space<vmem>>[vector<16xi32>, vector<16xi32>], vector<16xf32>,
      %get3A_307 = arith.constant 2 : i32
      %get3A_308 = arith.index_cast %get3A_307 : i32 to index
      %get3A_309 = arith.constant 16 : index
      %get3A_310 = tpu.vector_load %arg8[%get3A_308, %get3A_309] {strides = array<i32>} : memref<8x128xi32, #tpu.memory_space<vmem>>, vector<16xi32>,
      %shift_right_logical3A_311 = arith.constant 7 : i32
      %shift_right_logical3A_312 = vector.broadcast %shift_right_logical3A_311 : i32 to vector<16xi32>
      %shift_right_logical3A_313 = arith.shrui %get3A_310, %shift_right_logical3A_312 : vector<16xi32>
      %and3A_314 = arith.constant 127 : i32
      %and3A_315 = vector.broadcast %and3A_314 : i32 to vector<16xi32>
      %and3A_316 = arith.andi %get3A_310, %and3A_315 : vector<16xi32>
      tpu.vector_store_idx %arg11[%shift_right_logical3A_313, %and3A_316], %broadcast_in_dim3A_32 {add = true} : memref<80x128xf32, #tpu.memory_space<vmem>>[vector<16xi32>, vector<16xi32>], vector<16xf32>,
      %get3A_317 = arith.constant 2 : i32
      %get3A_318 = arith.index_cast %get3A_317 : i32 to index
      %get3A_319 = arith.constant 32 : index
      %get3A_320 = tpu.vector_load %arg8[%get3A_318, %get3A_319] {strides = array<i32>} : memref<8x128xi32, #tpu.memory_space<vmem>>, vector<16xi32>,
      %shift_right_logical3A_321 = arith.constant 7 : i32
      %shift_right_logical3A_322 = vector.broadcast %shift_right_logical3A_321 : i32 to vector<16xi32>
      %shift_right_logical3A_323 = arith.shrui %get3A_320, %shift_right_logical3A_322 : vector<16xi32>
      %and3A_324 = arith.constant 127 : i32
      %and3A_325 = vector.broadcast %and3A_324 : i32 to vector<16xi32>
      %and3A_326 = arith.andi %get3A_320, %and3A_325 : vector<16xi32>
      tpu.vector_store_idx %arg11[%shift_right_logical3A_323, %and3A_326], %broadcast_in_dim3A_32 {add = true} : memref<80x128xf32, #tpu.memory_space<vmem>>[vector<16xi32>, vector<16xi32>], vector<16xf32>,
      %get3A_327 = arith.constant 2 : i32
      %get3A_328 = arith.index_cast %get3A_327 : i32 to index
      %get3A_329 = arith.constant 48 : index
      %get3A_330 = tpu.vector_load %arg8[%get3A_328, %get3A_329] {strides = array<i32>} : memref<8x128xi32, #tpu.memory_space<vmem>>, vector<16xi32>,
      %shift_right_logical3A_331 = arith.constant 7 : i32
      %shift_right_logical3A_332 = vector.broadcast %shift_right_logical3A_331 : i32 to vector<16xi32>
      %shift_right_logical3A_333 = arith.shrui %get3A_330, %shift_right_logical3A_332 : vector<16xi32>
      %and3A_334 = arith.constant 127 : i32
      %and3A_335 = vector.broadcast %and3A_334 : i32 to vector<16xi32>
      %and3A_336 = arith.andi %get3A_330, %and3A_335 : vector<16xi32>
      tpu.vector_store_idx %arg11[%shift_right_logical3A_333, %and3A_336], %broadcast_in_dim3A_32 {add = true} : memref<80x128xf32, #tpu.memory_space<vmem>>[vector<16xi32>, vector<16xi32>], vector<16xf32>,
      %get3A_337 = arith.constant 2 : i32
      %get3A_338 = arith.index_cast %get3A_337 : i32 to index
      %get3A_339 = arith.constant 64 : index
      %get3A_340 = tpu.vector_load %arg8[%get3A_338, %get3A_339] {strides = array<i32>} : memref<8x128xi32, #tpu.memory_space<vmem>>, vector<16xi32>,
      %shift_right_logical3A_341 = arith.constant 7 : i32
      %shift_right_logical3A_342 = vector.broadcast %shift_right_logical3A_341 : i32 to vector<16xi32>
      %shift_right_logical3A_343 = arith.shrui %get3A_340, %shift_right_logical3A_342 : vector<16xi32>
      %and3A_344 = arith.constant 127 : i32
      %and3A_345 = vector.broadcast %and3A_344 : i32 to vector<16xi32>
      %and3A_346 = arith.andi %get3A_340, %and3A_345 : vector<16xi32>
      tpu.vector_store_idx %arg11[%shift_right_logical3A_343, %and3A_346], %broadcast_in_dim3A_32 {add = true} : memref<80x128xf32, #tpu.memory_space<vmem>>[vector<16xi32>, vector<16xi32>], vector<16xf32>,
      %get3A_347 = arith.constant 2 : i32
      %get3A_348 = arith.index_cast %get3A_347 : i32 to index
      %get3A_349 = arith.constant 80 : index
      %get3A_350 = tpu.vector_load %arg8[%get3A_348, %get3A_349] {strides = array<i32>} : memref<8x128xi32, #tpu.memory_space<vmem>>, vector<16xi32>,
      %shift_right_logical3A_351 = arith.constant 7 : i32
      %shift_right_logical3A_352 = vector.broadcast %shift_right_logical3A_351 : i32 to vector<16xi32>
      %shift_right_logical3A_353 = arith.shrui %get3A_350, %shift_right_logical3A_352 : vector<16xi32>
      %and3A_354 = arith.constant 127 : i32
      %and3A_355 = vector.broadcast %and3A_354 : i32 to vector<16xi32>
      %and3A_356 = arith.andi %get3A_350, %and3A_355 : vector<16xi32>
      tpu.vector_store_idx %arg11[%shift_right_logical3A_353, %and3A_356], %broadcast_in_dim3A_32 {add = true} : memref<80x128xf32, #tpu.memory_space<vmem>>[vector<16xi32>, vector<16xi32>], vector<16xf32>,
      %get3A_357 = arith.constant 2 : i32
      %get3A_358 = arith.index_cast %get3A_357 : i32 to index
      %get3A_359 = arith.constant 96 : index
      %get3A_360 = tpu.vector_load %arg8[%get3A_358, %get3A_359] {strides = array<i32>} : memref<8x128xi32, #tpu.memory_space<vmem>>, vector<16xi32>,
      %shift_right_logical3A_361 = arith.constant 7 : i32
      %shift_right_logical3A_362 = vector.broadcast %shift_right_logical3A_361 : i32 to vector<16xi32>
      %shift_right_logical3A_363 = arith.shrui %get3A_360, %shift_right_logical3A_362 : vector<16xi32>
      %and3A_364 = arith.constant 127 : i32
      %and3A_365 = vector.broadcast %and3A_364 : i32 to vector<16xi32>
      %and3A_366 = arith.andi %get3A_360, %and3A_365 : vector<16xi32>
      tpu.vector_store_idx %arg11[%shift_right_logical3A_363, %and3A_366], %broadcast_in_dim3A_32 {add = true} : memref<80x128xf32, #tpu.memory_space<vmem>>[vector<16xi32>, vector<16xi32>], vector<16xf32>,
      %get3A_367 = arith.constant 2 : i32
      %get3A_368 = arith.index_cast %get3A_367 : i32 to index
      %get3A_369 = arith.constant 112 : index
      %get3A_370 = tpu.vector_load %arg8[%get3A_368, %get3A_369] {strides = array<i32>} : memref<8x128xi32, #tpu.memory_space<vmem>>, vector<16xi32>,
      %shift_right_logical3A_371 = arith.constant 7 : i32
      %shift_right_logical3A_372 = vector.broadcast %shift_right_logical3A_371 : i32 to vector<16xi32>
      %shift_right_logical3A_373 = arith.shrui %get3A_370, %shift_right_logical3A_372 : vector<16xi32>
      %and3A_374 = arith.constant 127 : i32
      %and3A_375 = vector.broadcast %and3A_374 : i32 to vector<16xi32>
      %and3A_376 = arith.andi %get3A_370, %and3A_375 : vector<16xi32>
      tpu.vector_store_idx %arg11[%shift_right_logical3A_373, %and3A_376], %broadcast_in_dim3A_32 {add = true} : memref<80x128xf32, #tpu.memory_space<vmem>>[vector<16xi32>, vector<16xi32>], vector<16xf32>,
      %dma_wait3A_377 = arith.constant 2 : i32
      %dma_wait3A_378 = arith.constant 0 : i32
      %dma_wait3A_379 = tpu.memref_slice %arg7[%dma_wait3A_377, %dma_wait3A_378] : memref<8x128xi32, #tpu.memory_space<vmem>> -> memref<1x128xi32, #tpu.memory_space<vmem>>
      %dma_wait3A_380 = tpu.memref_squeeze %dma_wait3A_379 : memref<1x128xi32, #tpu.memory_space<vmem>> -> memref<128xi32, #tpu.memory_space<vmem>>
      %dma_wait3A_381 = arith.constant 0 : i32
      %dma_wait3A_382 = arith.constant 0 : i32
      %dma_wait3A_383 = tpu.memref_slice %arg2[%dma_wait3A_381, %dma_wait3A_382] : memref<10000x128xf32, #tpu.memory_space<hbm>> -> memref<10000x128xf32, #tpu.memory_space<hbm>>
      tpu.wait_indirect_dma semaphore(%arg13 : memref<!tpu.dma_semaphore, #tpu.memory_space<semaphore_mem>>) src(%dma_wait3A_383 : memref<10000x128xf32, #tpu.memory_space<hbm>>) dst(%arg9 : memref<128x128xf32, #tpu.memory_space<vmem>>)
      %run_scoped3A_384 = arith.constant 2 : i32
      "tpu.region"() ({
        %run_scoped3A_853 = tpu.sem_alloc : memref<!tpu.dma_semaphore, #tpu.memory_space<semaphore_mem>>
        %dma_start3A_854 = arith.constant 0 : i32
        %dma_start3A_855 = tpu.memref_slice %arg8[%run_scoped3A_384, %dma_start3A_854] : memref<8x128xi32, #tpu.memory_space<vmem>> -> memref<1x128xi32, #tpu.memory_space<vmem>>
        %dma_start3A_856 = tpu.memref_squeeze %dma_start3A_855 : memref<1x128xi32, #tpu.memory_space<vmem>> -> memref<128xi32, #tpu.memory_space<vmem>>
        %dma_start3A_857 = arith.constant 0 : i32
        %dma_start3A_858 = arith.constant 0 : i32
        %dma_start3A_859 = tpu.memref_slice %arg12[%dma_start3A_857, %dma_start3A_858] : memref<10240x128xf32, #tpu.memory_space<vmem_shared>> -> memref<10240x128xf32, #tpu.memory_space<vmem_shared>>
        tpu.enqueue_indirect_dma source(%arg9 : memref<128x128xf32, #tpu.memory_space<vmem>>) target(%dma_start3A_859 : memref<10240x128xf32, #tpu.memory_space<vmem_shared>>) offsets(%dma_start3A_856 : memref<128xi32, #tpu.memory_space<vmem>>) semaphore(%run_scoped3A_853 : memref<!tpu.dma_semaphore, #tpu.memory_space<semaphore_mem>>) {add = true}
        %dma_wait3A_860 = arith.constant 0 : i32
        %dma_wait3A_861 = tpu.memref_slice %arg8[%run_scoped3A_384, %dma_wait3A_860] : memref<8x128xi32, #tpu.memory_space<vmem>> -> memref<1x128xi32, #tpu.memory_space<vmem>>
        %dma_wait3A_862 = tpu.memref_squeeze %dma_wait3A_861 : memref<1x128xi32, #tpu.memory_space<vmem>> -> memref<128xi32, #tpu.memory_space<vmem>>
        %dma_wait3A_863 = arith.constant 0 : i32
        %dma_wait3A_864 = arith.constant 0 : i32
        %dma_wait3A_865 = tpu.memref_slice %arg12[%dma_wait3A_863, %dma_wait3A_864] : memref<10240x128xf32, #tpu.memory_space<vmem_shared>> -> memref<10240x128xf32, #tpu.memory_space<vmem_shared>>
        tpu.wait_indirect_dma semaphore(%run_scoped3A_853 : memref<!tpu.dma_semaphore, #tpu.memory_space<semaphore_mem>>) src(%arg9 : memref<128x128xf32, #tpu.memory_space<vmem>>) dst(%dma_wait3A_865 : memref<10240x128xf32, #tpu.memory_space<vmem_shared>>)
        tpu.yield
      }) : () -> ()
      %dma_start3A_385 = arith.constant 4 : i32
      %dma_start3A_386 = arith.constant 0 : i32
      %dma_start3A_387 = tpu.memref_slice %arg7[%dma_start3A_385, %dma_start3A_386] : memref<8x128xi32, #tpu.memory_space<vmem>> -> memref<1x128xi32, #tpu.memory_space<vmem>>
      %dma_start3A_388 = tpu.memref_squeeze %dma_start3A_387 : memref<1x128xi32, #tpu.memory_space<vmem>> -> memref<128xi32, #tpu.memory_space<vmem>>
      %dma_start3A_389 = arith.constant 0 : i32
      %dma_start3A_390 = arith.constant 0 : i32
      %dma_start3A_391 = tpu.memref_slice %arg2[%dma_start3A_389, %dma_start3A_390] : memref<10000x128xf32, #tpu.memory_space<hbm>> -> memref<10000x128xf32, #tpu.memory_space<hbm>>
      tpu.enqueue_indirect_dma source(%dma_start3A_391 : memref<10000x128xf32, #tpu.memory_space<hbm>>) target(%arg9 : memref<128x128xf32, #tpu.memory_space<vmem>>) offsets(%dma_start3A_388 : memref<128xi32, #tpu.memory_space<vmem>>) semaphore(%arg13 : memref<!tpu.dma_semaphore, #tpu.memory_space<semaphore_mem>>)
      %get3A_392 = arith.constant 3 : i32
      %get3A_393 = arith.index_cast %get3A_392 : i32 to index
      %get3A_394 = arith.constant 0 : index
      %get3A_395 = tpu.vector_load %arg8[%get3A_393, %get3A_394] {strides = array<i32>} : memref<8x128xi32, #tpu.memory_space<vmem>>, vector<16xi32>,
      %shift_right_logical3A_396 = arith.constant 7 : i32
      %shift_right_logical3A_397 = vector.broadcast %shift_right_logical3A_396 : i32 to vector<16xi32>
      %shift_right_logical3A_398 = arith.shrui %get3A_395, %shift_right_logical3A_397 : vector<16xi32>
      %and3A_399 = arith.constant 127 : i32
      %and3A_400 = vector.broadcast %and3A_399 : i32 to vector<16xi32>
      %and3A_401 = arith.andi %get3A_395, %and3A_400 : vector<16xi32>
      tpu.vector_store_idx %arg11[%shift_right_logical3A_398, %and3A_401], %broadcast_in_dim3A_32 {add = true} : memref<80x128xf32, #tpu.memory_space<vmem>>[vector<16xi32>, vector<16xi32>], vector<16xf32>,
      %get3A_402 = arith.constant 3 : i32
      %get3A_403 = arith.index_cast %get3A_402 : i32 to index
      %get3A_404 = arith.constant 16 : index
      %get3A_405 = tpu.vector_load %arg8[%get3A_403, %get3A_404] {strides = array<i32>} : memref<8x128xi32, #tpu.memory_space<vmem>>, vector<16xi32>,
      %shift_right_logical3A_406 = arith.constant 7 : i32
      %shift_right_logical3A_407 = vector.broadcast %shift_right_logical3A_406 : i32 to vector<16xi32>
      %shift_right_logical3A_408 = arith.shrui %get3A_405, %shift_right_logical3A_407 : vector<16xi32>
      %and3A_409 = arith.constant 127 : i32
      %and3A_410 = vector.broadcast %and3A_409 : i32 to vector<16xi32>
      %and3A_411 = arith.andi %get3A_405, %and3A_410 : vector<16xi32>
      tpu.vector_store_idx %arg11[%shift_right_logical3A_408, %and3A_411], %broadcast_in_dim3A_32 {add = true} : memref<80x128xf32, #tpu.memory_space<vmem>>[vector<16xi32>, vector<16xi32>], vector<16xf32>,
      %get3A_412 = arith.constant 3 : i32
      %get3A_413 = arith.index_cast %get3A_412 : i32 to index
      %get3A_414 = arith.constant 32 : index
      %get3A_415 = tpu.vector_load %arg8[%get3A_413, %get3A_414] {strides = array<i32>} : memref<8x128xi32, #tpu.memory_space<vmem>>, vector<16xi32>,
      %shift_right_logical3A_416 = arith.constant 7 : i32
      %shift_right_logical3A_417 = vector.broadcast %shift_right_logical3A_416 : i32 to vector<16xi32>
      %shift_right_logical3A_418 = arith.shrui %get3A_415, %shift_right_logical3A_417 : vector<16xi32>
      %and3A_419 = arith.constant 127 : i32
      %and3A_420 = vector.broadcast %and3A_419 : i32 to vector<16xi32>
      %and3A_421 = arith.andi %get3A_415, %and3A_420 : vector<16xi32>
      tpu.vector_store_idx %arg11[%shift_right_logical3A_418, %and3A_421], %broadcast_in_dim3A_32 {add = true} : memref<80x128xf32, #tpu.memory_space<vmem>>[vector<16xi32>, vector<16xi32>], vector<16xf32>,
      %get3A_422 = arith.constant 3 : i32
      %get3A_423 = arith.index_cast %get3A_422 : i32 to index
      %get3A_424 = arith.constant 48 : index
      %get3A_425 = tpu.vector_load %arg8[%get3A_423, %get3A_424] {strides = array<i32>} : memref<8x128xi32, #tpu.memory_space<vmem>>, vector<16xi32>,
      %shift_right_logical3A_426 = arith.constant 7 : i32
      %shift_right_logical3A_427 = vector.broadcast %shift_right_logical3A_426 : i32 to vector<16xi32>
      %shift_right_logical3A_428 = arith.shrui %get3A_425, %shift_right_logical3A_427 : vector<16xi32>
      %and3A_429 = arith.constant 127 : i32
      %and3A_430 = vector.broadcast %and3A_429 : i32 to vector<16xi32>
      %and3A_431 = arith.andi %get3A_425, %and3A_430 : vector<16xi32>
      tpu.vector_store_idx %arg11[%shift_right_logical3A_428, %and3A_431], %broadcast_in_dim3A_32 {add = true} : memref<80x128xf32, #tpu.memory_space<vmem>>[vector<16xi32>, vector<16xi32>], vector<16xf32>,
      %get3A_432 = arith.constant 3 : i32
      %get3A_433 = arith.index_cast %get3A_432 : i32 to index
      %get3A_434 = arith.constant 64 : index
      %get3A_435 = tpu.vector_load %arg8[%get3A_433, %get3A_434] {strides = array<i32>} : memref<8x128xi32, #tpu.memory_space<vmem>>, vector<16xi32>,
      %shift_right_logical3A_436 = arith.constant 7 : i32
      %shift_right_logical3A_437 = vector.broadcast %shift_right_logical3A_436 : i32 to vector<16xi32>
      %shift_right_logical3A_438 = arith.shrui %get3A_435, %shift_right_logical3A_437 : vector<16xi32>
      %and3A_439 = arith.constant 127 : i32
      %and3A_440 = vector.broadcast %and3A_439 : i32 to vector<16xi32>
      %and3A_441 = arith.andi %get3A_435, %and3A_440 : vector<16xi32>
      tpu.vector_store_idx %arg11[%shift_right_logical3A_438, %and3A_441], %broadcast_in_dim3A_32 {add = true} : memref<80x128xf32, #tpu.memory_space<vmem>>[vector<16xi32>, vector<16xi32>], vector<16xf32>,
      %get3A_442 = arith.constant 3 : i32
      %get3A_443 = arith.index_cast %get3A_442 : i32 to index
      %get3A_444 = arith.constant 80 : index
      %get3A_445 = tpu.vector_load %arg8[%get3A_443, %get3A_444] {strides = array<i32>} : memref<8x128xi32, #tpu.memory_space<vmem>>, vector<16xi32>,
      %shift_right_logical3A_446 = arith.constant 7 : i32
      %shift_right_logical3A_447 = vector.broadcast %shift_right_logical3A_446 : i32 to vector<16xi32>
      %shift_right_logical3A_448 = arith.shrui %get3A_445, %shift_right_logical3A_447 : vector<16xi32>
      %and3A_449 = arith.constant 127 : i32
      %and3A_450 = vector.broadcast %and3A_449 : i32 to vector<16xi32>
      %and3A_451 = arith.andi %get3A_445, %and3A_450 : vector<16xi32>
      tpu.vector_store_idx %arg11[%shift_right_logical3A_448, %and3A_451], %broadcast_in_dim3A_32 {add = true} : memref<80x128xf32, #tpu.memory_space<vmem>>[vector<16xi32>, vector<16xi32>], vector<16xf32>,
      %get3A_452 = arith.constant 3 : i32
      %get3A_453 = arith.index_cast %get3A_452 : i32 to index
      %get3A_454 = arith.constant 96 : index
      %get3A_455 = tpu.vector_load %arg8[%get3A_453, %get3A_454] {strides = array<i32>} : memref<8x128xi32, #tpu.memory_space<vmem>>, vector<16xi32>,
      %shift_right_logical3A_456 = arith.constant 7 : i32
      %shift_right_logical3A_457 = vector.broadcast %shift_right_logical3A_456 : i32 to vector<16xi32>
      %shift_right_logical3A_458 = arith.shrui %get3A_455, %shift_right_logical3A_457 : vector<16xi32>
      %and3A_459 = arith.constant 127 : i32
      %and3A_460 = vector.broadcast %and3A_459 : i32 to vector<16xi32>
      %and3A_461 = arith.andi %get3A_455, %and3A_460 : vector<16xi32>
      tpu.vector_store_idx %arg11[%shift_right_logical3A_458, %and3A_461], %broadcast_in_dim3A_32 {add = true} : memref<80x128xf32, #tpu.memory_space<vmem>>[vector<16xi32>, vector<16xi32>], vector<16xf32>,
      %get3A_462 = arith.constant 3 : i32
      %get3A_463 = arith.index_cast %get3A_462 : i32 to index
      %get3A_464 = arith.constant 112 : index
      %get3A_465 = tpu.vector_load %arg8[%get3A_463, %get3A_464] {strides = array<i32>} : memref<8x128xi32, #tpu.memory_space<vmem>>, vector<16xi32>,
      %shift_right_logical3A_466 = arith.constant 7 : i32
      %shift_right_logical3A_467 = vector.broadcast %shift_right_logical3A_466 : i32 to vector<16xi32>
      %shift_right_logical3A_468 = arith.shrui %get3A_465, %shift_right_logical3A_467 : vector<16xi32>
      %and3A_469 = arith.constant 127 : i32
      %and3A_470 = vector.broadcast %and3A_469 : i32 to vector<16xi32>
      %and3A_471 = arith.andi %get3A_465, %and3A_470 : vector<16xi32>
      tpu.vector_store_idx %arg11[%shift_right_logical3A_468, %and3A_471], %broadcast_in_dim3A_32 {add = true} : memref<80x128xf32, #tpu.memory_space<vmem>>[vector<16xi32>, vector<16xi32>], vector<16xf32>,
      %dma_wait3A_472 = arith.constant 3 : i32
      %dma_wait3A_473 = arith.constant 0 : i32
      %dma_wait3A_474 = tpu.memref_slice %arg7[%dma_wait3A_472, %dma_wait3A_473] : memref<8x128xi32, #tpu.memory_space<vmem>> -> memref<1x128xi32, #tpu.memory_space<vmem>>
      %dma_wait3A_475 = tpu.memref_squeeze %dma_wait3A_474 : memref<1x128xi32, #tpu.memory_space<vmem>> -> memref<128xi32, #tpu.memory_space<vmem>>
      %dma_wait3A_476 = arith.constant 0 : i32
      %dma_wait3A_477 = arith.constant 0 : i32
      %dma_wait3A_478 = tpu.memref_slice %arg2[%dma_wait3A_476, %dma_wait3A_477] : memref<10000x128xf32, #tpu.memory_space<hbm>> -> memref<10000x128xf32, #tpu.memory_space<hbm>>
      tpu.wait_indirect_dma semaphore(%arg14 : memref<!tpu.dma_semaphore, #tpu.memory_space<semaphore_mem>>) src(%dma_wait3A_478 : memref<10000x128xf32, #tpu.memory_space<hbm>>) dst(%arg10 : memref<128x128xf32, #tpu.memory_space<vmem>>)
      %run_scoped3A_479 = arith.constant 3 : i32
      "tpu.region"() ({
        %run_scoped3A_853 = tpu.sem_alloc : memref<!tpu.dma_semaphore, #tpu.memory_space<semaphore_mem>>
        %dma_start3A_854 = arith.constant 0 : i32
        %dma_start3A_855 = tpu.memref_slice %arg8[%run_scoped3A_479, %dma_start3A_854] : memref<8x128xi32, #tpu.memory_space<vmem>> -> memref<1x128xi32, #tpu.memory_space<vmem>>
        %dma_start3A_856 = tpu.memref_squeeze %dma_start3A_855 : memref<1x128xi32, #tpu.memory_space<vmem>> -> memref<128xi32, #tpu.memory_space<vmem>>
        %dma_start3A_857 = arith.constant 0 : i32
        %dma_start3A_858 = arith.constant 0 : i32
        %dma_start3A_859 = tpu.memref_slice %arg12[%dma_start3A_857, %dma_start3A_858] : memref<10240x128xf32, #tpu.memory_space<vmem_shared>> -> memref<10240x128xf32, #tpu.memory_space<vmem_shared>>
        tpu.enqueue_indirect_dma source(%arg10 : memref<128x128xf32, #tpu.memory_space<vmem>>) target(%dma_start3A_859 : memref<10240x128xf32, #tpu.memory_space<vmem_shared>>) offsets(%dma_start3A_856 : memref<128xi32, #tpu.memory_space<vmem>>) semaphore(%run_scoped3A_853 : memref<!tpu.dma_semaphore, #tpu.memory_space<semaphore_mem>>) {add = true}
        %dma_wait3A_860 = arith.constant 0 : i32
        %dma_wait3A_861 = tpu.memref_slice %arg8[%run_scoped3A_479, %dma_wait3A_860] : memref<8x128xi32, #tpu.memory_space<vmem>> -> memref<1x128xi32, #tpu.memory_space<vmem>>
        %dma_wait3A_862 = tpu.memref_squeeze %dma_wait3A_861 : memref<1x128xi32, #tpu.memory_space<vmem>> -> memref<128xi32, #tpu.memory_space<vmem>>
        %dma_wait3A_863 = arith.constant 0 : i32
        %dma_wait3A_864 = arith.constant 0 : i32
        %dma_wait3A_865 = tpu.memref_slice %arg12[%dma_wait3A_863, %dma_wait3A_864] : memref<10240x128xf32, #tpu.memory_space<vmem_shared>> -> memref<10240x128xf32, #tpu.memory_space<vmem_shared>>
        tpu.wait_indirect_dma semaphore(%run_scoped3A_853 : memref<!tpu.dma_semaphore, #tpu.memory_space<semaphore_mem>>) src(%arg10 : memref<128x128xf32, #tpu.memory_space<vmem>>) dst(%dma_wait3A_865 : memref<10240x128xf32, #tpu.memory_space<vmem_shared>>)
        tpu.yield
      }) : () -> ()
      %dma_start3A_480 = arith.constant 5 : i32
      %dma_start3A_481 = arith.constant 0 : i32
      %dma_start3A_482 = tpu.memref_slice %arg7[%dma_start3A_480, %dma_start3A_481] : memref<8x128xi32, #tpu.memory_space<vmem>> -> memref<1x128xi32, #tpu.memory_space<vmem>>
      %dma_start3A_483 = tpu.memref_squeeze %dma_start3A_482 : memref<1x128xi32, #tpu.memory_space<vmem>> -> memref<128xi32, #tpu.memory_space<vmem>>
      %dma_start3A_484 = arith.constant 0 : i32
      %dma_start3A_485 = arith.constant 0 : i32
      %dma_start3A_486 = tpu.memref_slice %arg2[%dma_start3A_484, %dma_start3A_485] : memref<10000x128xf32, #tpu.memory_space<hbm>> -> memref<10000x128xf32, #tpu.memory_space<hbm>>
      tpu.enqueue_indirect_dma source(%dma_start3A_486 : memref<10000x128xf32, #tpu.memory_space<hbm>>) target(%arg10 : memref<128x128xf32, #tpu.memory_space<vmem>>) offsets(%dma_start3A_483 : memref<128xi32, #tpu.memory_space<vmem>>) semaphore(%arg14 : memref<!tpu.dma_semaphore, #tpu.memory_space<semaphore_mem>>)
      %get3A_487 = arith.constant 4 : i32
      %get3A_488 = arith.index_cast %get3A_487 : i32 to index
      %get3A_489 = arith.constant 0 : index
      %get3A_490 = tpu.vector_load %arg8[%get3A_488, %get3A_489] {strides = array<i32>} : memref<8x128xi32, #tpu.memory_space<vmem>>, vector<16xi32>,
      %shift_right_logical3A_491 = arith.constant 7 : i32
      %shift_right_logical3A_492 = vector.broadcast %shift_right_logical3A_491 : i32 to vector<16xi32>
      %shift_right_logical3A_493 = arith.shrui %get3A_490, %shift_right_logical3A_492 : vector<16xi32>
      %and3A_494 = arith.constant 127 : i32
      %and3A_495 = vector.broadcast %and3A_494 : i32 to vector<16xi32>
      %and3A_496 = arith.andi %get3A_490, %and3A_495 : vector<16xi32>
      tpu.vector_store_idx %arg11[%shift_right_logical3A_493, %and3A_496], %broadcast_in_dim3A_32 {add = true} : memref<80x128xf32, #tpu.memory_space<vmem>>[vector<16xi32>, vector<16xi32>], vector<16xf32>,
      %get3A_497 = arith.constant 4 : i32
      %get3A_498 = arith.index_cast %get3A_497 : i32 to index
      %get3A_499 = arith.constant 16 : index
      %get3A_500 = tpu.vector_load %arg8[%get3A_498, %get3A_499] {strides = array<i32>} : memref<8x128xi32, #tpu.memory_space<vmem>>, vector<16xi32>,
      %shift_right_logical3A_501 = arith.constant 7 : i32
      %shift_right_logical3A_502 = vector.broadcast %shift_right_logical3A_501 : i32 to vector<16xi32>
      %shift_right_logical3A_503 = arith.shrui %get3A_500, %shift_right_logical3A_502 : vector<16xi32>
      %and3A_504 = arith.constant 127 : i32
      %and3A_505 = vector.broadcast %and3A_504 : i32 to vector<16xi32>
      %and3A_506 = arith.andi %get3A_500, %and3A_505 : vector<16xi32>
      tpu.vector_store_idx %arg11[%shift_right_logical3A_503, %and3A_506], %broadcast_in_dim3A_32 {add = true} : memref<80x128xf32, #tpu.memory_space<vmem>>[vector<16xi32>, vector<16xi32>], vector<16xf32>,
      %get3A_507 = arith.constant 4 : i32
      %get3A_508 = arith.index_cast %get3A_507 : i32 to index
      %get3A_509 = arith.constant 32 : index
      %get3A_510 = tpu.vector_load %arg8[%get3A_508, %get3A_509] {strides = array<i32>} : memref<8x128xi32, #tpu.memory_space<vmem>>, vector<16xi32>,
      %shift_right_logical3A_511 = arith.constant 7 : i32
      %shift_right_logical3A_512 = vector.broadcast %shift_right_logical3A_511 : i32 to vector<16xi32>
      %shift_right_logical3A_513 = arith.shrui %get3A_510, %shift_right_logical3A_512 : vector<16xi32>
      %and3A_514 = arith.constant 127 : i32
      %and3A_515 = vector.broadcast %and3A_514 : i32 to vector<16xi32>
      %and3A_516 = arith.andi %get3A_510, %and3A_515 : vector<16xi32>
      tpu.vector_store_idx %arg11[%shift_right_logical3A_513, %and3A_516], %broadcast_in_dim3A_32 {add = true} : memref<80x128xf32, #tpu.memory_space<vmem>>[vector<16xi32>, vector<16xi32>], vector<16xf32>,
      %get3A_517 = arith.constant 4 : i32
      %get3A_518 = arith.index_cast %get3A_517 : i32 to index
      %get3A_519 = arith.constant 48 : index
      %get3A_520 = tpu.vector_load %arg8[%get3A_518, %get3A_519] {strides = array<i32>} : memref<8x128xi32, #tpu.memory_space<vmem>>, vector<16xi32>,
      %shift_right_logical3A_521 = arith.constant 7 : i32
      %shift_right_logical3A_522 = vector.broadcast %shift_right_logical3A_521 : i32 to vector<16xi32>
      %shift_right_logical3A_523 = arith.shrui %get3A_520, %shift_right_logical3A_522 : vector<16xi32>
      %and3A_524 = arith.constant 127 : i32
      %and3A_525 = vector.broadcast %and3A_524 : i32 to vector<16xi32>
      %and3A_526 = arith.andi %get3A_520, %and3A_525 : vector<16xi32>
      tpu.vector_store_idx %arg11[%shift_right_logical3A_523, %and3A_526], %broadcast_in_dim3A_32 {add = true} : memref<80x128xf32, #tpu.memory_space<vmem>>[vector<16xi32>, vector<16xi32>], vector<16xf32>,
      %get3A_527 = arith.constant 4 : i32
      %get3A_528 = arith.index_cast %get3A_527 : i32 to index
      %get3A_529 = arith.constant 64 : index
      %get3A_530 = tpu.vector_load %arg8[%get3A_528, %get3A_529] {strides = array<i32>} : memref<8x128xi32, #tpu.memory_space<vmem>>, vector<16xi32>,
      %shift_right_logical3A_531 = arith.constant 7 : i32
      %shift_right_logical3A_532 = vector.broadcast %shift_right_logical3A_531 : i32 to vector<16xi32>
      %shift_right_logical3A_533 = arith.shrui %get3A_530, %shift_right_logical3A_532 : vector<16xi32>
      %and3A_534 = arith.constant 127 : i32
      %and3A_535 = vector.broadcast %and3A_534 : i32 to vector<16xi32>
      %and3A_536 = arith.andi %get3A_530, %and3A_535 : vector<16xi32>
      tpu.vector_store_idx %arg11[%shift_right_logical3A_533, %and3A_536], %broadcast_in_dim3A_32 {add = true} : memref<80x128xf32, #tpu.memory_space<vmem>>[vector<16xi32>, vector<16xi32>], vector<16xf32>,
      %get3A_537 = arith.constant 4 : i32
      %get3A_538 = arith.index_cast %get3A_537 : i32 to index
      %get3A_539 = arith.constant 80 : index
      %get3A_540 = tpu.vector_load %arg8[%get3A_538, %get3A_539] {strides = array<i32>} : memref<8x128xi32, #tpu.memory_space<vmem>>, vector<16xi32>,
      %shift_right_logical3A_541 = arith.constant 7 : i32
      %shift_right_logical3A_542 = vector.broadcast %shift_right_logical3A_541 : i32 to vector<16xi32>
      %shift_right_logical3A_543 = arith.shrui %get3A_540, %shift_right_logical3A_542 : vector<16xi32>
      %and3A_544 = arith.constant 127 : i32
      %and3A_545 = vector.broadcast %and3A_544 : i32 to vector<16xi32>
      %and3A_546 = arith.andi %get3A_540, %and3A_545 : vector<16xi32>
      tpu.vector_store_idx %arg11[%shift_right_logical3A_543, %and3A_546], %broadcast_in_dim3A_32 {add = true} : memref<80x128xf32, #tpu.memory_space<vmem>>[vector<16xi32>, vector<16xi32>], vector<16xf32>,
      %get3A_547 = arith.constant 4 : i32
      %get3A_548 = arith.index_cast %get3A_547 : i32 to index
      %get3A_549 = arith.constant 96 : index
      %get3A_550 = tpu.vector_load %arg8[%get3A_548, %get3A_549] {strides = array<i32>} : memref<8x128xi32, #tpu.memory_space<vmem>>, vector<16xi32>,
      %shift_right_logical3A_551 = arith.constant 7 : i32
      %shift_right_logical3A_552 = vector.broadcast %shift_right_logical3A_551 : i32 to vector<16xi32>
      %shift_right_logical3A_553 = arith.shrui %get3A_550, %shift_right_logical3A_552 : vector<16xi32>
      %and3A_554 = arith.constant 127 : i32
      %and3A_555 = vector.broadcast %and3A_554 : i32 to vector<16xi32>
      %and3A_556 = arith.andi %get3A_550, %and3A_555 : vector<16xi32>
      tpu.vector_store_idx %arg11[%shift_right_logical3A_553, %and3A_556], %broadcast_in_dim3A_32 {add = true} : memref<80x128xf32, #tpu.memory_space<vmem>>[vector<16xi32>, vector<16xi32>], vector<16xf32>,
      %get3A_557 = arith.constant 4 : i32
      %get3A_558 = arith.index_cast %get3A_557 : i32 to index
      %get3A_559 = arith.constant 112 : index
      %get3A_560 = tpu.vector_load %arg8[%get3A_558, %get3A_559] {strides = array<i32>} : memref<8x128xi32, #tpu.memory_space<vmem>>, vector<16xi32>,
      %shift_right_logical3A_561 = arith.constant 7 : i32
      %shift_right_logical3A_562 = vector.broadcast %shift_right_logical3A_561 : i32 to vector<16xi32>
      %shift_right_logical3A_563 = arith.shrui %get3A_560, %shift_right_logical3A_562 : vector<16xi32>
      %and3A_564 = arith.constant 127 : i32
      %and3A_565 = vector.broadcast %and3A_564 : i32 to vector<16xi32>
      %and3A_566 = arith.andi %get3A_560, %and3A_565 : vector<16xi32>
      tpu.vector_store_idx %arg11[%shift_right_logical3A_563, %and3A_566], %broadcast_in_dim3A_32 {add = true} : memref<80x128xf32, #tpu.memory_space<vmem>>[vector<16xi32>, vector<16xi32>], vector<16xf32>,
      %dma_wait3A_567 = arith.constant 4 : i32
      %dma_wait3A_568 = arith.constant 0 : i32
      %dma_wait3A_569 = tpu.memref_slice %arg7[%dma_wait3A_567, %dma_wait3A_568] : memref<8x128xi32, #tpu.memory_space<vmem>> -> memref<1x128xi32, #tpu.memory_space<vmem>>
      %dma_wait3A_570 = tpu.memref_squeeze %dma_wait3A_569 : memref<1x128xi32, #tpu.memory_space<vmem>> -> memref<128xi32, #tpu.memory_space<vmem>>
      %dma_wait3A_571 = arith.constant 0 : i32
      %dma_wait3A_572 = arith.constant 0 : i32
      %dma_wait3A_573 = tpu.memref_slice %arg2[%dma_wait3A_571, %dma_wait3A_572] : memref<10000x128xf32, #tpu.memory_space<hbm>> -> memref<10000x128xf32, #tpu.memory_space<hbm>>
      tpu.wait_indirect_dma semaphore(%arg13 : memref<!tpu.dma_semaphore, #tpu.memory_space<semaphore_mem>>) src(%dma_wait3A_573 : memref<10000x128xf32, #tpu.memory_space<hbm>>) dst(%arg9 : memref<128x128xf32, #tpu.memory_space<vmem>>)
      %run_scoped3A_574 = arith.constant 4 : i32
      "tpu.region"() ({
        %run_scoped3A_853 = tpu.sem_alloc : memref<!tpu.dma_semaphore, #tpu.memory_space<semaphore_mem>>
        %dma_start3A_854 = arith.constant 0 : i32
        %dma_start3A_855 = tpu.memref_slice %arg8[%run_scoped3A_574, %dma_start3A_854] : memref<8x128xi32, #tpu.memory_space<vmem>> -> memref<1x128xi32, #tpu.memory_space<vmem>>
        %dma_start3A_856 = tpu.memref_squeeze %dma_start3A_855 : memref<1x128xi32, #tpu.memory_space<vmem>> -> memref<128xi32, #tpu.memory_space<vmem>>
        %dma_start3A_857 = arith.constant 0 : i32
        %dma_start3A_858 = arith.constant 0 : i32
        %dma_start3A_859 = tpu.memref_slice %arg12[%dma_start3A_857, %dma_start3A_858] : memref<10240x128xf32, #tpu.memory_space<vmem_shared>> -> memref<10240x128xf32, #tpu.memory_space<vmem_shared>>
        tpu.enqueue_indirect_dma source(%arg9 : memref<128x128xf32, #tpu.memory_space<vmem>>) target(%dma_start3A_859 : memref<10240x128xf32, #tpu.memory_space<vmem_shared>>) offsets(%dma_start3A_856 : memref<128xi32, #tpu.memory_space<vmem>>) semaphore(%run_scoped3A_853 : memref<!tpu.dma_semaphore, #tpu.memory_space<semaphore_mem>>) {add = true}
        %dma_wait3A_860 = arith.constant 0 : i32
        %dma_wait3A_861 = tpu.memref_slice %arg8[%run_scoped3A_574, %dma_wait3A_860] : memref<8x128xi32, #tpu.memory_space<vmem>> -> memref<1x128xi32, #tpu.memory_space<vmem>>
        %dma_wait3A_862 = tpu.memref_squeeze %dma_wait3A_861 : memref<1x128xi32, #tpu.memory_space<vmem>> -> memref<128xi32, #tpu.memory_space<vmem>>
        %dma_wait3A_863 = arith.constant 0 : i32
        %dma_wait3A_864 = arith.constant 0 : i32
        %dma_wait3A_865 = tpu.memref_slice %arg12[%dma_wait3A_863, %dma_wait3A_864] : memref<10240x128xf32, #tpu.memory_space<vmem_shared>> -> memref<10240x128xf32, #tpu.memory_space<vmem_shared>>
        tpu.wait_indirect_dma semaphore(%run_scoped3A_853 : memref<!tpu.dma_semaphore, #tpu.memory_space<semaphore_mem>>) src(%arg9 : memref<128x128xf32, #tpu.memory_space<vmem>>) dst(%dma_wait3A_865 : memref<10240x128xf32, #tpu.memory_space<vmem_shared>>)
        tpu.yield
      }) : () -> ()
      %dma_start3A_575 = arith.constant 6 : i32
      %dma_start3A_576 = arith.constant 0 : i32
      %dma_start3A_577 = tpu.memref_slice %arg7[%dma_start3A_575, %dma_start3A_576] : memref<8x128xi32, #tpu.memory_space<vmem>> -> memref<1x128xi32, #tpu.memory_space<vmem>>
      %dma_start3A_578 = tpu.memref_squeeze %dma_start3A_577 : memref<1x128xi32, #tpu.memory_space<vmem>> -> memref<128xi32, #tpu.memory_space<vmem>>
      %dma_start3A_579 = arith.constant 0 : i32
      %dma_start3A_580 = arith.constant 0 : i32
      %dma_start3A_581 = tpu.memref_slice %arg2[%dma_start3A_579, %dma_start3A_580] : memref<10000x128xf32, #tpu.memory_space<hbm>> -> memref<10000x128xf32, #tpu.memory_space<hbm>>
      tpu.enqueue_indirect_dma source(%dma_start3A_581 : memref<10000x128xf32, #tpu.memory_space<hbm>>) target(%arg9 : memref<128x128xf32, #tpu.memory_space<vmem>>) offsets(%dma_start3A_578 : memref<128xi32, #tpu.memory_space<vmem>>) semaphore(%arg13 : memref<!tpu.dma_semaphore, #tpu.memory_space<semaphore_mem>>)
      %get3A_582 = arith.constant 5 : i32
      %get3A_583 = arith.index_cast %get3A_582 : i32 to index
      %get3A_584 = arith.constant 0 : index
      %get3A_585 = tpu.vector_load %arg8[%get3A_583, %get3A_584] {strides = array<i32>} : memref<8x128xi32, #tpu.memory_space<vmem>>, vector<16xi32>,
      %shift_right_logical3A_586 = arith.constant 7 : i32
      %shift_right_logical3A_587 = vector.broadcast %shift_right_logical3A_586 : i32 to vector<16xi32>
      %shift_right_logical3A_588 = arith.shrui %get3A_585, %shift_right_logical3A_587 : vector<16xi32>
      %and3A_589 = arith.constant 127 : i32
      %and3A_590 = vector.broadcast %and3A_589 : i32 to vector<16xi32>
      %and3A_591 = arith.andi %get3A_585, %and3A_590 : vector<16xi32>
      tpu.vector_store_idx %arg11[%shift_right_logical3A_588, %and3A_591], %broadcast_in_dim3A_32 {add = true} : memref<80x128xf32, #tpu.memory_space<vmem>>[vector<16xi32>, vector<16xi32>], vector<16xf32>,
      %get3A_592 = arith.constant 5 : i32
      %get3A_593 = arith.index_cast %get3A_592 : i32 to index
      %get3A_594 = arith.constant 16 : index
      %get3A_595 = tpu.vector_load %arg8[%get3A_593, %get3A_594] {strides = array<i32>} : memref<8x128xi32, #tpu.memory_space<vmem>>, vector<16xi32>,
      %shift_right_logical3A_596 = arith.constant 7 : i32
      %shift_right_logical3A_597 = vector.broadcast %shift_right_logical3A_596 : i32 to vector<16xi32>
      %shift_right_logical3A_598 = arith.shrui %get3A_595, %shift_right_logical3A_597 : vector<16xi32>
      %and3A_599 = arith.constant 127 : i32
      %and3A_600 = vector.broadcast %and3A_599 : i32 to vector<16xi32>
      %and3A_601 = arith.andi %get3A_595, %and3A_600 : vector<16xi32>
      tpu.vector_store_idx %arg11[%shift_right_logical3A_598, %and3A_601], %broadcast_in_dim3A_32 {add = true} : memref<80x128xf32, #tpu.memory_space<vmem>>[vector<16xi32>, vector<16xi32>], vector<16xf32>,
      %get3A_602 = arith.constant 5 : i32
      %get3A_603 = arith.index_cast %get3A_602 : i32 to index
      %get3A_604 = arith.constant 32 : index
      %get3A_605 = tpu.vector_load %arg8[%get3A_603, %get3A_604] {strides = array<i32>} : memref<8x128xi32, #tpu.memory_space<vmem>>, vector<16xi32>,
      %shift_right_logical3A_606 = arith.constant 7 : i32
      %shift_right_logical3A_607 = vector.broadcast %shift_right_logical3A_606 : i32 to vector<16xi32>
      %shift_right_logical3A_608 = arith.shrui %get3A_605, %shift_right_logical3A_607 : vector<16xi32>
      %and3A_609 = arith.constant 127 : i32
      %and3A_610 = vector.broadcast %and3A_609 : i32 to vector<16xi32>
      %and3A_611 = arith.andi %get3A_605, %and3A_610 : vector<16xi32>
      tpu.vector_store_idx %arg11[%shift_right_logical3A_608, %and3A_611], %broadcast_in_dim3A_32 {add = true} : memref<80x128xf32, #tpu.memory_space<vmem>>[vector<16xi32>, vector<16xi32>], vector<16xf32>,
      %get3A_612 = arith.constant 5 : i32
      %get3A_613 = arith.index_cast %get3A_612 : i32 to index
      %get3A_614 = arith.constant 48 : index
      %get3A_615 = tpu.vector_load %arg8[%get3A_613, %get3A_614] {strides = array<i32>} : memref<8x128xi32, #tpu.memory_space<vmem>>, vector<16xi32>,
      %shift_right_logical3A_616 = arith.constant 7 : i32
      %shift_right_logical3A_617 = vector.broadcast %shift_right_logical3A_616 : i32 to vector<16xi32>
      %shift_right_logical3A_618 = arith.shrui %get3A_615, %shift_right_logical3A_617 : vector<16xi32>
      %and3A_619 = arith.constant 127 : i32
      %and3A_620 = vector.broadcast %and3A_619 : i32 to vector<16xi32>
      %and3A_621 = arith.andi %get3A_615, %and3A_620 : vector<16xi32>
      tpu.vector_store_idx %arg11[%shift_right_logical3A_618, %and3A_621], %broadcast_in_dim3A_32 {add = true} : memref<80x128xf32, #tpu.memory_space<vmem>>[vector<16xi32>, vector<16xi32>], vector<16xf32>,
      %get3A_622 = arith.constant 5 : i32
      %get3A_623 = arith.index_cast %get3A_622 : i32 to index
      %get3A_624 = arith.constant 64 : index
      %get3A_625 = tpu.vector_load %arg8[%get3A_623, %get3A_624] {strides = array<i32>} : memref<8x128xi32, #tpu.memory_space<vmem>>, vector<16xi32>,
      %shift_right_logical3A_626 = arith.constant 7 : i32
      %shift_right_logical3A_627 = vector.broadcast %shift_right_logical3A_626 : i32 to vector<16xi32>
      %shift_right_logical3A_628 = arith.shrui %get3A_625, %shift_right_logical3A_627 : vector<16xi32>
      %and3A_629 = arith.constant 127 : i32
      %and3A_630 = vector.broadcast %and3A_629 : i32 to vector<16xi32>
      %and3A_631 = arith.andi %get3A_625, %and3A_630 : vector<16xi32>
      tpu.vector_store_idx %arg11[%shift_right_logical3A_628, %and3A_631], %broadcast_in_dim3A_32 {add = true} : memref<80x128xf32, #tpu.memory_space<vmem>>[vector<16xi32>, vector<16xi32>], vector<16xf32>,
      %get3A_632 = arith.constant 5 : i32
      %get3A_633 = arith.index_cast %get3A_632 : i32 to index
      %get3A_634 = arith.constant 80 : index
      %get3A_635 = tpu.vector_load %arg8[%get3A_633, %get3A_634] {strides = array<i32>} : memref<8x128xi32, #tpu.memory_space<vmem>>, vector<16xi32>,
      %shift_right_logical3A_636 = arith.constant 7 : i32
      %shift_right_logical3A_637 = vector.broadcast %shift_right_logical3A_636 : i32 to vector<16xi32>
      %shift_right_logical3A_638 = arith.shrui %get3A_635, %shift_right_logical3A_637 : vector<16xi32>
      %and3A_639 = arith.constant 127 : i32
      %and3A_640 = vector.broadcast %and3A_639 : i32 to vector<16xi32>
      %and3A_641 = arith.andi %get3A_635, %and3A_640 : vector<16xi32>
      tpu.vector_store_idx %arg11[%shift_right_logical3A_638, %and3A_641], %broadcast_in_dim3A_32 {add = true} : memref<80x128xf32, #tpu.memory_space<vmem>>[vector<16xi32>, vector<16xi32>], vector<16xf32>,
      %get3A_642 = arith.constant 5 : i32
      %get3A_643 = arith.index_cast %get3A_642 : i32 to index
      %get3A_644 = arith.constant 96 : index
      %get3A_645 = tpu.vector_load %arg8[%get3A_643, %get3A_644] {strides = array<i32>} : memref<8x128xi32, #tpu.memory_space<vmem>>, vector<16xi32>,
      %shift_right_logical3A_646 = arith.constant 7 : i32
      %shift_right_logical3A_647 = vector.broadcast %shift_right_logical3A_646 : i32 to vector<16xi32>
      %shift_right_logical3A_648 = arith.shrui %get3A_645, %shift_right_logical3A_647 : vector<16xi32>
      %and3A_649 = arith.constant 127 : i32
      %and3A_650 = vector.broadcast %and3A_649 : i32 to vector<16xi32>
      %and3A_651 = arith.andi %get3A_645, %and3A_650 : vector<16xi32>
      tpu.vector_store_idx %arg11[%shift_right_logical3A_648, %and3A_651], %broadcast_in_dim3A_32 {add = true} : memref<80x128xf32, #tpu.memory_space<vmem>>[vector<16xi32>, vector<16xi32>], vector<16xf32>,
      %get3A_652 = arith.constant 5 : i32
      %get3A_653 = arith.index_cast %get3A_652 : i32 to index
      %get3A_654 = arith.constant 112 : index
      %get3A_655 = tpu.vector_load %arg8[%get3A_653, %get3A_654] {strides = array<i32>} : memref<8x128xi32, #tpu.memory_space<vmem>>, vector<16xi32>,
      %shift_right_logical3A_656 = arith.constant 7 : i32
      %shift_right_logical3A_657 = vector.broadcast %shift_right_logical3A_656 : i32 to vector<16xi32>
      %shift_right_logical3A_658 = arith.shrui %get3A_655, %shift_right_logical3A_657 : vector<16xi32>
      %and3A_659 = arith.constant 127 : i32
      %and3A_660 = vector.broadcast %and3A_659 : i32 to vector<16xi32>
      %and3A_661 = arith.andi %get3A_655, %and3A_660 : vector<16xi32>
      tpu.vector_store_idx %arg11[%shift_right_logical3A_658, %and3A_661], %broadcast_in_dim3A_32 {add = true} : memref<80x128xf32, #tpu.memory_space<vmem>>[vector<16xi32>, vector<16xi32>], vector<16xf32>,
      %dma_wait3A_662 = arith.constant 5 : i32
      %dma_wait3A_663 = arith.constant 0 : i32
      %dma_wait3A_664 = tpu.memref_slice %arg7[%dma_wait3A_662, %dma_wait3A_663] : memref<8x128xi32, #tpu.memory_space<vmem>> -> memref<1x128xi32, #tpu.memory_space<vmem>>
      %dma_wait3A_665 = tpu.memref_squeeze %dma_wait3A_664 : memref<1x128xi32, #tpu.memory_space<vmem>> -> memref<128xi32, #tpu.memory_space<vmem>>
      %dma_wait3A_666 = arith.constant 0 : i32
      %dma_wait3A_667 = arith.constant 0 : i32
      %dma_wait3A_668 = tpu.memref_slice %arg2[%dma_wait3A_666, %dma_wait3A_667] : memref<10000x128xf32, #tpu.memory_space<hbm>> -> memref<10000x128xf32, #tpu.memory_space<hbm>>
      tpu.wait_indirect_dma semaphore(%arg14 : memref<!tpu.dma_semaphore, #tpu.memory_space<semaphore_mem>>) src(%dma_wait3A_668 : memref<10000x128xf32, #tpu.memory_space<hbm>>) dst(%arg10 : memref<128x128xf32, #tpu.memory_space<vmem>>)
      %run_scoped3A_669 = arith.constant 5 : i32
      "tpu.region"() ({
        %run_scoped3A_853 = tpu.sem_alloc : memref<!tpu.dma_semaphore, #tpu.memory_space<semaphore_mem>>
        %dma_start3A_854 = arith.constant 0 : i32
        %dma_start3A_855 = tpu.memref_slice %arg8[%run_scoped3A_669, %dma_start3A_854] : memref<8x128xi32, #tpu.memory_space<vmem>> -> memref<1x128xi32, #tpu.memory_space<vmem>>
        %dma_start3A_856 = tpu.memref_squeeze %dma_start3A_855 : memref<1x128xi32, #tpu.memory_space<vmem>> -> memref<128xi32, #tpu.memory_space<vmem>>
        %dma_start3A_857 = arith.constant 0 : i32
        %dma_start3A_858 = arith.constant 0 : i32
        %dma_start3A_859 = tpu.memref_slice %arg12[%dma_start3A_857, %dma_start3A_858] : memref<10240x128xf32, #tpu.memory_space<vmem_shared>> -> memref<10240x128xf32, #tpu.memory_space<vmem_shared>>
        tpu.enqueue_indirect_dma source(%arg10 : memref<128x128xf32, #tpu.memory_space<vmem>>) target(%dma_start3A_859 : memref<10240x128xf32, #tpu.memory_space<vmem_shared>>) offsets(%dma_start3A_856 : memref<128xi32, #tpu.memory_space<vmem>>) semaphore(%run_scoped3A_853 : memref<!tpu.dma_semaphore, #tpu.memory_space<semaphore_mem>>) {add = true}
        %dma_wait3A_860 = arith.constant 0 : i32
        %dma_wait3A_861 = tpu.memref_slice %arg8[%run_scoped3A_669, %dma_wait3A_860] : memref<8x128xi32, #tpu.memory_space<vmem>> -> memref<1x128xi32, #tpu.memory_space<vmem>>
        %dma_wait3A_862 = tpu.memref_squeeze %dma_wait3A_861 : memref<1x128xi32, #tpu.memory_space<vmem>> -> memref<128xi32, #tpu.memory_space<vmem>>
        %dma_wait3A_863 = arith.constant 0 : i32
        %dma_wait3A_864 = arith.constant 0 : i32
        %dma_wait3A_865 = tpu.memref_slice %arg12[%dma_wait3A_863, %dma_wait3A_864] : memref<10240x128xf32, #tpu.memory_space<vmem_shared>> -> memref<10240x128xf32, #tpu.memory_space<vmem_shared>>
        tpu.wait_indirect_dma semaphore(%run_scoped3A_853 : memref<!tpu.dma_semaphore, #tpu.memory_space<semaphore_mem>>) src(%arg10 : memref<128x128xf32, #tpu.memory_space<vmem>>) dst(%dma_wait3A_865 : memref<10240x128xf32, #tpu.memory_space<vmem_shared>>)
        tpu.yield
      }) : () -> ()
      %dma_start3A_670 = arith.constant 7 : i32
      %dma_start3A_671 = arith.constant 0 : i32
      %dma_start3A_672 = tpu.memref_slice %arg7[%dma_start3A_670, %dma_start3A_671] : memref<8x128xi32, #tpu.memory_space<vmem>> -> memref<1x128xi32, #tpu.memory_space<vmem>>
      %dma_start3A_673 = tpu.memref_squeeze %dma_start3A_672 : memref<1x128xi32, #tpu.memory_space<vmem>> -> memref<128xi32, #tpu.memory_space<vmem>>
      %dma_start3A_674 = arith.constant 0 : i32
      %dma_start3A_675 = arith.constant 0 : i32
      %dma_start3A_676 = tpu.memref_slice %arg2[%dma_start3A_674, %dma_start3A_675] : memref<10000x128xf32, #tpu.memory_space<hbm>> -> memref<10000x128xf32, #tpu.memory_space<hbm>>
      tpu.enqueue_indirect_dma source(%dma_start3A_676 : memref<10000x128xf32, #tpu.memory_space<hbm>>) target(%arg10 : memref<128x128xf32, #tpu.memory_space<vmem>>) offsets(%dma_start3A_673 : memref<128xi32, #tpu.memory_space<vmem>>) semaphore(%arg14 : memref<!tpu.dma_semaphore, #tpu.memory_space<semaphore_mem>>)
      %get3A_677 = arith.constant 6 : i32
      %get3A_678 = arith.index_cast %get3A_677 : i32 to index
      %get3A_679 = arith.constant 0 : index
      %get3A_680 = tpu.vector_load %arg8[%get3A_678, %get3A_679] {strides = array<i32>} : memref<8x128xi32, #tpu.memory_space<vmem>>, vector<16xi32>,
      %shift_right_logical3A_681 = arith.constant 7 : i32
      %shift_right_logical3A_682 = vector.broadcast %shift_right_logical3A_681 : i32 to vector<16xi32>
      %shift_right_logical3A_683 = arith.shrui %get3A_680, %shift_right_logical3A_682 : vector<16xi32>
      %and3A_684 = arith.constant 127 : i32
      %and3A_685 = vector.broadcast %and3A_684 : i32 to vector<16xi32>
      %and3A_686 = arith.andi %get3A_680, %and3A_685 : vector<16xi32>
      tpu.vector_store_idx %arg11[%shift_right_logical3A_683, %and3A_686], %broadcast_in_dim3A_32 {add = true} : memref<80x128xf32, #tpu.memory_space<vmem>>[vector<16xi32>, vector<16xi32>], vector<16xf32>,
      %get3A_687 = arith.constant 6 : i32
      %get3A_688 = arith.index_cast %get3A_687 : i32 to index
      %get3A_689 = arith.constant 16 : index
      %get3A_690 = tpu.vector_load %arg8[%get3A_688, %get3A_689] {strides = array<i32>} : memref<8x128xi32, #tpu.memory_space<vmem>>, vector<16xi32>,
      %shift_right_logical3A_691 = arith.constant 7 : i32
      %shift_right_logical3A_692 = vector.broadcast %shift_right_logical3A_691 : i32 to vector<16xi32>
      %shift_right_logical3A_693 = arith.shrui %get3A_690, %shift_right_logical3A_692 : vector<16xi32>
      %and3A_694 = arith.constant 127 : i32
      %and3A_695 = vector.broadcast %and3A_694 : i32 to vector<16xi32>
      %and3A_696 = arith.andi %get3A_690, %and3A_695 : vector<16xi32>
      tpu.vector_store_idx %arg11[%shift_right_logical3A_693, %and3A_696], %broadcast_in_dim3A_32 {add = true} : memref<80x128xf32, #tpu.memory_space<vmem>>[vector<16xi32>, vector<16xi32>], vector<16xf32>,
      %get3A_697 = arith.constant 6 : i32
      %get3A_698 = arith.index_cast %get3A_697 : i32 to index
      %get3A_699 = arith.constant 32 : index
      %get3A_700 = tpu.vector_load %arg8[%get3A_698, %get3A_699] {strides = array<i32>} : memref<8x128xi32, #tpu.memory_space<vmem>>, vector<16xi32>,
      %shift_right_logical3A_701 = arith.constant 7 : i32
      %shift_right_logical3A_702 = vector.broadcast %shift_right_logical3A_701 : i32 to vector<16xi32>
      %shift_right_logical3A_703 = arith.shrui %get3A_700, %shift_right_logical3A_702 : vector<16xi32>
      %and3A_704 = arith.constant 127 : i32
      %and3A_705 = vector.broadcast %and3A_704 : i32 to vector<16xi32>
      %and3A_706 = arith.andi %get3A_700, %and3A_705 : vector<16xi32>
      tpu.vector_store_idx %arg11[%shift_right_logical3A_703, %and3A_706], %broadcast_in_dim3A_32 {add = true} : memref<80x128xf32, #tpu.memory_space<vmem>>[vector<16xi32>, vector<16xi32>], vector<16xf32>,
      %get3A_707 = arith.constant 6 : i32
      %get3A_708 = arith.index_cast %get3A_707 : i32 to index
      %get3A_709 = arith.constant 48 : index
      %get3A_710 = tpu.vector_load %arg8[%get3A_708, %get3A_709] {strides = array<i32>} : memref<8x128xi32, #tpu.memory_space<vmem>>, vector<16xi32>,
      %shift_right_logical3A_711 = arith.constant 7 : i32
      %shift_right_logical3A_712 = vector.broadcast %shift_right_logical3A_711 : i32 to vector<16xi32>
      %shift_right_logical3A_713 = arith.shrui %get3A_710, %shift_right_logical3A_712 : vector<16xi32>
      %and3A_714 = arith.constant 127 : i32
      %and3A_715 = vector.broadcast %and3A_714 : i32 to vector<16xi32>
      %and3A_716 = arith.andi %get3A_710, %and3A_715 : vector<16xi32>
      tpu.vector_store_idx %arg11[%shift_right_logical3A_713, %and3A_716], %broadcast_in_dim3A_32 {add = true} : memref<80x128xf32, #tpu.memory_space<vmem>>[vector<16xi32>, vector<16xi32>], vector<16xf32>,
      %get3A_717 = arith.constant 6 : i32
      %get3A_718 = arith.index_cast %get3A_717 : i32 to index
      %get3A_719 = arith.constant 64 : index
      %get3A_720 = tpu.vector_load %arg8[%get3A_718, %get3A_719] {strides = array<i32>} : memref<8x128xi32, #tpu.memory_space<vmem>>, vector<16xi32>,
      %shift_right_logical3A_721 = arith.constant 7 : i32
      %shift_right_logical3A_722 = vector.broadcast %shift_right_logical3A_721 : i32 to vector<16xi32>
      %shift_right_logical3A_723 = arith.shrui %get3A_720, %shift_right_logical3A_722 : vector<16xi32>
      %and3A_724 = arith.constant 127 : i32
      %and3A_725 = vector.broadcast %and3A_724 : i32 to vector<16xi32>
      %and3A_726 = arith.andi %get3A_720, %and3A_725 : vector<16xi32>
      tpu.vector_store_idx %arg11[%shift_right_logical3A_723, %and3A_726], %broadcast_in_dim3A_32 {add = true} : memref<80x128xf32, #tpu.memory_space<vmem>>[vector<16xi32>, vector<16xi32>], vector<16xf32>,
      %get3A_727 = arith.constant 6 : i32
      %get3A_728 = arith.index_cast %get3A_727 : i32 to index
      %get3A_729 = arith.constant 80 : index
      %get3A_730 = tpu.vector_load %arg8[%get3A_728, %get3A_729] {strides = array<i32>} : memref<8x128xi32, #tpu.memory_space<vmem>>, vector<16xi32>,
      %shift_right_logical3A_731 = arith.constant 7 : i32
      %shift_right_logical3A_732 = vector.broadcast %shift_right_logical3A_731 : i32 to vector<16xi32>
      %shift_right_logical3A_733 = arith.shrui %get3A_730, %shift_right_logical3A_732 : vector<16xi32>
      %and3A_734 = arith.constant 127 : i32
      %and3A_735 = vector.broadcast %and3A_734 : i32 to vector<16xi32>
      %and3A_736 = arith.andi %get3A_730, %and3A_735 : vector<16xi32>
      tpu.vector_store_idx %arg11[%shift_right_logical3A_733, %and3A_736], %broadcast_in_dim3A_32 {add = true} : memref<80x128xf32, #tpu.memory_space<vmem>>[vector<16xi32>, vector<16xi32>], vector<16xf32>,
      %get3A_737 = arith.constant 6 : i32
      %get3A_738 = arith.index_cast %get3A_737 : i32 to index
      %get3A_739 = arith.constant 96 : index
      %get3A_740 = tpu.vector_load %arg8[%get3A_738, %get3A_739] {strides = array<i32>} : memref<8x128xi32, #tpu.memory_space<vmem>>, vector<16xi32>,
      %shift_right_logical3A_741 = arith.constant 7 : i32
      %shift_right_logical3A_742 = vector.broadcast %shift_right_logical3A_741 : i32 to vector<16xi32>
      %shift_right_logical3A_743 = arith.shrui %get3A_740, %shift_right_logical3A_742 : vector<16xi32>
      %and3A_744 = arith.constant 127 : i32
      %and3A_745 = vector.broadcast %and3A_744 : i32 to vector<16xi32>
      %and3A_746 = arith.andi %get3A_740, %and3A_745 : vector<16xi32>
      tpu.vector_store_idx %arg11[%shift_right_logical3A_743, %and3A_746], %broadcast_in_dim3A_32 {add = true} : memref<80x128xf32, #tpu.memory_space<vmem>>[vector<16xi32>, vector<16xi32>], vector<16xf32>,
      %get3A_747 = arith.constant 6 : i32
      %get3A_748 = arith.index_cast %get3A_747 : i32 to index
      %get3A_749 = arith.constant 112 : index
      %get3A_750 = tpu.vector_load %arg8[%get3A_748, %get3A_749] {strides = array<i32>} : memref<8x128xi32, #tpu.memory_space<vmem>>, vector<16xi32>,
      %shift_right_logical3A_751 = arith.constant 7 : i32
      %shift_right_logical3A_752 = vector.broadcast %shift_right_logical3A_751 : i32 to vector<16xi32>
      %shift_right_logical3A_753 = arith.shrui %get3A_750, %shift_right_logical3A_752 : vector<16xi32>
      %and3A_754 = arith.constant 127 : i32
      %and3A_755 = vector.broadcast %and3A_754 : i32 to vector<16xi32>
      %and3A_756 = arith.andi %get3A_750, %and3A_755 : vector<16xi32>
      tpu.vector_store_idx %arg11[%shift_right_logical3A_753, %and3A_756], %broadcast_in_dim3A_32 {add = true} : memref<80x128xf32, #tpu.memory_space<vmem>>[vector<16xi32>, vector<16xi32>], vector<16xf32>,
      %dma_wait3A_757 = arith.constant 6 : i32
      %dma_wait3A_758 = arith.constant 0 : i32
      %dma_wait3A_759 = tpu.memref_slice %arg7[%dma_wait3A_757, %dma_wait3A_758] : memref<8x128xi32, #tpu.memory_space<vmem>> -> memref<1x128xi32, #tpu.memory_space<vmem>>
      %dma_wait3A_760 = tpu.memref_squeeze %dma_wait3A_759 : memref<1x128xi32, #tpu.memory_space<vmem>> -> memref<128xi32, #tpu.memory_space<vmem>>
      %dma_wait3A_761 = arith.constant 0 : i32
      %dma_wait3A_762 = arith.constant 0 : i32
      %dma_wait3A_763 = tpu.memref_slice %arg2[%dma_wait3A_761, %dma_wait3A_762] : memref<10000x128xf32, #tpu.memory_space<hbm>> -> memref<10000x128xf32, #tpu.memory_space<hbm>>
      tpu.wait_indirect_dma semaphore(%arg13 : memref<!tpu.dma_semaphore, #tpu.memory_space<semaphore_mem>>) src(%dma_wait3A_763 : memref<10000x128xf32, #tpu.memory_space<hbm>>) dst(%arg9 : memref<128x128xf32, #tpu.memory_space<vmem>>)
      %run_scoped3A_764 = arith.constant 6 : i32
      "tpu.region"() ({
        %run_scoped3A_853 = tpu.sem_alloc : memref<!tpu.dma_semaphore, #tpu.memory_space<semaphore_mem>>
        %dma_start3A_854 = arith.constant 0 : i32
        %dma_start3A_855 = tpu.memref_slice %arg8[%run_scoped3A_764, %dma_start3A_854] : memref<8x128xi32, #tpu.memory_space<vmem>> -> memref<1x128xi32, #tpu.memory_space<vmem>>
        %dma_start3A_856 = tpu.memref_squeeze %dma_start3A_855 : memref<1x128xi32, #tpu.memory_space<vmem>> -> memref<128xi32, #tpu.memory_space<vmem>>
        %dma_start3A_857 = arith.constant 0 : i32
        %dma_start3A_858 = arith.constant 0 : i32
        %dma_start3A_859 = tpu.memref_slice %arg12[%dma_start3A_857, %dma_start3A_858] : memref<10240x128xf32, #tpu.memory_space<vmem_shared>> -> memref<10240x128xf32, #tpu.memory_space<vmem_shared>>
        tpu.enqueue_indirect_dma source(%arg9 : memref<128x128xf32, #tpu.memory_space<vmem>>) target(%dma_start3A_859 : memref<10240x128xf32, #tpu.memory_space<vmem_shared>>) offsets(%dma_start3A_856 : memref<128xi32, #tpu.memory_space<vmem>>) semaphore(%run_scoped3A_853 : memref<!tpu.dma_semaphore, #tpu.memory_space<semaphore_mem>>) {add = true}
        %dma_wait3A_860 = arith.constant 0 : i32
        %dma_wait3A_861 = tpu.memref_slice %arg8[%run_scoped3A_764, %dma_wait3A_860] : memref<8x128xi32, #tpu.memory_space<vmem>> -> memref<1x128xi32, #tpu.memory_space<vmem>>
        %dma_wait3A_862 = tpu.memref_squeeze %dma_wait3A_861 : memref<1x128xi32, #tpu.memory_space<vmem>> -> memref<128xi32, #tpu.memory_space<vmem>>
        %dma_wait3A_863 = arith.constant 0 : i32
        %dma_wait3A_864 = arith.constant 0 : i32
        %dma_wait3A_865 = tpu.memref_slice %arg12[%dma_wait3A_863, %dma_wait3A_864] : memref<10240x128xf32, #tpu.memory_space<vmem_shared>> -> memref<10240x128xf32, #tpu.memory_space<vmem_shared>>
        tpu.wait_indirect_dma semaphore(%run_scoped3A_853 : memref<!tpu.dma_semaphore, #tpu.memory_space<semaphore_mem>>) src(%arg9 : memref<128x128xf32, #tpu.memory_space<vmem>>) dst(%dma_wait3A_865 : memref<10240x128xf32, #tpu.memory_space<vmem_shared>>)
        tpu.yield
      }) : () -> ()
      %get3A_765 = arith.constant 7 : i32
      %get3A_766 = arith.index_cast %get3A_765 : i32 to index
      %get3A_767 = arith.constant 0 : index
      %get3A_768 = tpu.vector_load %arg8[%get3A_766, %get3A_767] {strides = array<i32>} : memref<8x128xi32, #tpu.memory_space<vmem>>, vector<16xi32>,
      %shift_right_logical3A_769 = arith.constant 7 : i32
      %shift_right_logical3A_770 = vector.broadcast %shift_right_logical3A_769 : i32 to vector<16xi32>
      %shift_right_logical3A_771 = arith.shrui %get3A_768, %shift_right_logical3A_770 : vector<16xi32>
      %and3A_772 = arith.constant 127 : i32
      %and3A_773 = vector.broadcast %and3A_772 : i32 to vector<16xi32>
      %and3A_774 = arith.andi %get3A_768, %and3A_773 : vector<16xi32>
      tpu.vector_store_idx %arg11[%shift_right_logical3A_771, %and3A_774], %broadcast_in_dim3A_32 {add = true} : memref<80x128xf32, #tpu.memory_space<vmem>>[vector<16xi32>, vector<16xi32>], vector<16xf32>,
      %get3A_775 = arith.constant 7 : i32
      %get3A_776 = arith.index_cast %get3A_775 : i32 to index
      %get3A_777 = arith.constant 16 : index
      %get3A_778 = tpu.vector_load %arg8[%get3A_776, %get3A_777] {strides = array<i32>} : memref<8x128xi32, #tpu.memory_space<vmem>>, vector<16xi32>,
      %shift_right_logical3A_779 = arith.constant 7 : i32
      %shift_right_logical3A_780 = vector.broadcast %shift_right_logical3A_779 : i32 to vector<16xi32>
      %shift_right_logical3A_781 = arith.shrui %get3A_778, %shift_right_logical3A_780 : vector<16xi32>
      %and3A_782 = arith.constant 127 : i32
      %and3A_783 = vector.broadcast %and3A_782 : i32 to vector<16xi32>
      %and3A_784 = arith.andi %get3A_778, %and3A_783 : vector<16xi32>
      tpu.vector_store_idx %arg11[%shift_right_logical3A_781, %and3A_784], %broadcast_in_dim3A_32 {add = true} : memref<80x128xf32, #tpu.memory_space<vmem>>[vector<16xi32>, vector<16xi32>], vector<16xf32>,
      %get3A_785 = arith.constant 7 : i32
      %get3A_786 = arith.index_cast %get3A_785 : i32 to index
      %get3A_787 = arith.constant 32 : index
      %get3A_788 = tpu.vector_load %arg8[%get3A_786, %get3A_787] {strides = array<i32>} : memref<8x128xi32, #tpu.memory_space<vmem>>, vector<16xi32>,
      %shift_right_logical3A_789 = arith.constant 7 : i32
      %shift_right_logical3A_790 = vector.broadcast %shift_right_logical3A_789 : i32 to vector<16xi32>
      %shift_right_logical3A_791 = arith.shrui %get3A_788, %shift_right_logical3A_790 : vector<16xi32>
      %and3A_792 = arith.constant 127 : i32
      %and3A_793 = vector.broadcast %and3A_792 : i32 to vector<16xi32>
      %and3A_794 = arith.andi %get3A_788, %and3A_793 : vector<16xi32>
      tpu.vector_store_idx %arg11[%shift_right_logical3A_791, %and3A_794], %broadcast_in_dim3A_32 {add = true} : memref<80x128xf32, #tpu.memory_space<vmem>>[vector<16xi32>, vector<16xi32>], vector<16xf32>,
      %get3A_795 = arith.constant 7 : i32
      %get3A_796 = arith.index_cast %get3A_795 : i32 to index
      %get3A_797 = arith.constant 48 : index
      %get3A_798 = tpu.vector_load %arg8[%get3A_796, %get3A_797] {strides = array<i32>} : memref<8x128xi32, #tpu.memory_space<vmem>>, vector<16xi32>,
      %shift_right_logical3A_799 = arith.constant 7 : i32
      %shift_right_logical3A_800 = vector.broadcast %shift_right_logical3A_799 : i32 to vector<16xi32>
      %shift_right_logical3A_801 = arith.shrui %get3A_798, %shift_right_logical3A_800 : vector<16xi32>
      %and3A_802 = arith.constant 127 : i32
      %and3A_803 = vector.broadcast %and3A_802 : i32 to vector<16xi32>
      %and3A_804 = arith.andi %get3A_798, %and3A_803 : vector<16xi32>
      tpu.vector_store_idx %arg11[%shift_right_logical3A_801, %and3A_804], %broadcast_in_dim3A_32 {add = true} : memref<80x128xf32, #tpu.memory_space<vmem>>[vector<16xi32>, vector<16xi32>], vector<16xf32>,
      %get3A_805 = arith.constant 7 : i32
      %get3A_806 = arith.index_cast %get3A_805 : i32 to index
      %get3A_807 = arith.constant 64 : index
      %get3A_808 = tpu.vector_load %arg8[%get3A_806, %get3A_807] {strides = array<i32>} : memref<8x128xi32, #tpu.memory_space<vmem>>, vector<16xi32>,
      %shift_right_logical3A_809 = arith.constant 7 : i32
      %shift_right_logical3A_810 = vector.broadcast %shift_right_logical3A_809 : i32 to vector<16xi32>
      %shift_right_logical3A_811 = arith.shrui %get3A_808, %shift_right_logical3A_810 : vector<16xi32>
      %and3A_812 = arith.constant 127 : i32
      %and3A_813 = vector.broadcast %and3A_812 : i32 to vector<16xi32>
      %and3A_814 = arith.andi %get3A_808, %and3A_813 : vector<16xi32>
      tpu.vector_store_idx %arg11[%shift_right_logical3A_811, %and3A_814], %broadcast_in_dim3A_32 {add = true} : memref<80x128xf32, #tpu.memory_space<vmem>>[vector<16xi32>, vector<16xi32>], vector<16xf32>,
      %get3A_815 = arith.constant 7 : i32
      %get3A_816 = arith.index_cast %get3A_815 : i32 to index
      %get3A_817 = arith.constant 80 : index
      %get3A_818 = tpu.vector_load %arg8[%get3A_816, %get3A_817] {strides = array<i32>} : memref<8x128xi32, #tpu.memory_space<vmem>>, vector<16xi32>,
      %shift_right_logical3A_819 = arith.constant 7 : i32
      %shift_right_logical3A_820 = vector.broadcast %shift_right_logical3A_819 : i32 to vector<16xi32>
      %shift_right_logical3A_821 = arith.shrui %get3A_818, %shift_right_logical3A_820 : vector<16xi32>
      %and3A_822 = arith.constant 127 : i32
      %and3A_823 = vector.broadcast %and3A_822 : i32 to vector<16xi32>
      %and3A_824 = arith.andi %get3A_818, %and3A_823 : vector<16xi32>
      tpu.vector_store_idx %arg11[%shift_right_logical3A_821, %and3A_824], %broadcast_in_dim3A_32 {add = true} : memref<80x128xf32, #tpu.memory_space<vmem>>[vector<16xi32>, vector<16xi32>], vector<16xf32>,
      %get3A_825 = arith.constant 7 : i32
      %get3A_826 = arith.index_cast %get3A_825 : i32 to index
      %get3A_827 = arith.constant 96 : index
      %get3A_828 = tpu.vector_load %arg8[%get3A_826, %get3A_827] {strides = array<i32>} : memref<8x128xi32, #tpu.memory_space<vmem>>, vector<16xi32>,
      %shift_right_logical3A_829 = arith.constant 7 : i32
      %shift_right_logical3A_830 = vector.broadcast %shift_right_logical3A_829 : i32 to vector<16xi32>
      %shift_right_logical3A_831 = arith.shrui %get3A_828, %shift_right_logical3A_830 : vector<16xi32>
      %and3A_832 = arith.constant 127 : i32
      %and3A_833 = vector.broadcast %and3A_832 : i32 to vector<16xi32>
      %and3A_834 = arith.andi %get3A_828, %and3A_833 : vector<16xi32>
      tpu.vector_store_idx %arg11[%shift_right_logical3A_831, %and3A_834], %broadcast_in_dim3A_32 {add = true} : memref<80x128xf32, #tpu.memory_space<vmem>>[vector<16xi32>, vector<16xi32>], vector<16xf32>,
      %get3A_835 = arith.constant 7 : i32
      %get3A_836 = arith.index_cast %get3A_835 : i32 to index
      %get3A_837 = arith.constant 112 : index
      %get3A_838 = tpu.vector_load %arg8[%get3A_836, %get3A_837] {strides = array<i32>} : memref<8x128xi32, #tpu.memory_space<vmem>>, vector<16xi32>,
      %shift_right_logical3A_839 = arith.constant 7 : i32
      %shift_right_logical3A_840 = vector.broadcast %shift_right_logical3A_839 : i32 to vector<16xi32>
      %shift_right_logical3A_841 = arith.shrui %get3A_838, %shift_right_logical3A_840 : vector<16xi32>
      %and3A_842 = arith.constant 127 : i32
      %and3A_843 = vector.broadcast %and3A_842 : i32 to vector<16xi32>
      %and3A_844 = arith.andi %get3A_838, %and3A_843 : vector<16xi32>
      tpu.vector_store_idx %arg11[%shift_right_logical3A_841, %and3A_844], %broadcast_in_dim3A_32 {add = true} : memref<80x128xf32, #tpu.memory_space<vmem>>[vector<16xi32>, vector<16xi32>], vector<16xf32>,
      %dma_wait3A_845 = arith.constant 7 : i32
      %dma_wait3A_846 = arith.constant 0 : i32
      %dma_wait3A_847 = tpu.memref_slice %arg7[%dma_wait3A_845, %dma_wait3A_846] : memref<8x128xi32, #tpu.memory_space<vmem>> -> memref<1x128xi32, #tpu.memory_space<vmem>>
      %dma_wait3A_848 = tpu.memref_squeeze %dma_wait3A_847 : memref<1x128xi32, #tpu.memory_space<vmem>> -> memref<128xi32, #tpu.memory_space<vmem>>
      %dma_wait3A_849 = arith.constant 0 : i32
      %dma_wait3A_850 = arith.constant 0 : i32
      %dma_wait3A_851 = tpu.memref_slice %arg2[%dma_wait3A_849, %dma_wait3A_850] : memref<10000x128xf32, #tpu.memory_space<hbm>> -> memref<10000x128xf32, #tpu.memory_space<hbm>>
      tpu.wait_indirect_dma semaphore(%arg14 : memref<!tpu.dma_semaphore, #tpu.memory_space<semaphore_mem>>) src(%dma_wait3A_851 : memref<10000x128xf32, #tpu.memory_space<hbm>>) dst(%arg10 : memref<128x128xf32, #tpu.memory_space<vmem>>)
      %run_scoped3A_852 = arith.constant 7 : i32
      "tpu.region"() ({
        %run_scoped3A_853 = tpu.sem_alloc : memref<!tpu.dma_semaphore, #tpu.memory_space<semaphore_mem>>
        %dma_start3A_854 = arith.constant 0 : i32
        %dma_start3A_855 = tpu.memref_slice %arg8[%run_scoped3A_852, %dma_start3A_854] : memref<8x128xi32, #tpu.memory_space<vmem>> -> memref<1x128xi32, #tpu.memory_space<vmem>>
        %dma_start3A_856 = tpu.memref_squeeze %dma_start3A_855 : memref<1x128xi32, #tpu.memory_space<vmem>> -> memref<128xi32, #tpu.memory_space<vmem>>
        %dma_start3A_857 = arith.constant 0 : i32
        %dma_start3A_858 = arith.constant 0 : i32
        %dma_start3A_859 = tpu.memref_slice %arg12[%dma_start3A_857, %dma_start3A_858] : memref<10240x128xf32, #tpu.memory_space<vmem_shared>> -> memref<10240x128xf32, #tpu.memory_space<vmem_shared>>
        tpu.enqueue_indirect_dma source(%arg10 : memref<128x128xf32, #tpu.memory_space<vmem>>) target(%dma_start3A_859 : memref<10240x128xf32, #tpu.memory_space<vmem_shared>>) offsets(%dma_start3A_856 : memref<128xi32, #tpu.memory_space<vmem>>) semaphore(%run_scoped3A_853 : memref<!tpu.dma_semaphore, #tpu.memory_space<semaphore_mem>>) {add = true}
        %dma_wait3A_860 = arith.constant 0 : i32
        %dma_wait3A_861 = tpu.memref_slice %arg8[%run_scoped3A_852, %dma_wait3A_860] : memref<8x128xi32, #tpu.memory_space<vmem>> -> memref<1x128xi32, #tpu.memory_space<vmem>>
        %dma_wait3A_862 = tpu.memref_squeeze %dma_wait3A_861 : memref<1x128xi32, #tpu.memory_space<vmem>> -> memref<128xi32, #tpu.memory_space<vmem>>
        %dma_wait3A_863 = arith.constant 0 : i32
        %dma_wait3A_864 = arith.constant 0 : i32
        %dma_wait3A_865 = tpu.memref_slice %arg12[%dma_wait3A_863, %dma_wait3A_864] : memref<10240x128xf32, #tpu.memory_space<vmem_shared>> -> memref<10240x128xf32, #tpu.memory_space<vmem_shared>>
        tpu.wait_indirect_dma semaphore(%run_scoped3A_853 : memref<!tpu.dma_semaphore, #tpu.memory_space<semaphore_mem>>) src(%arg10 : memref<128x128xf32, #tpu.memory_space<vmem>>) dst(%dma_wait3A_865 : memref<10240x128xf32, #tpu.memory_space<vmem_shared>>)
        tpu.yield
      }) : () -> ()
    }
    %while3A_41 = arith.constant 1 : i32
    scf.for %while3A_53 = %while3A_39 to %while3A_35 step %while3A_41  : i32 {
      %jit3A_54 = arith.constant 8 : i32
      %div3A = arith.divsi %select_n3A, %jit3A_54 : i32
      %sign3A = arith.constant 0 : i32
      %sign3A_55 = arith.cmpi sgt, %select_n3A, %sign3A : i32
      %sign3A_56 = arith.extui %sign3A_55 : i1 to i32
      %sign3A_57 = arith.constant 0 : i32
      %sign3A_58 = arith.cmpi slt, %select_n3A, %sign3A_57 : i32
      %sign3A_59 = arith.extui %sign3A_58 : i1 to i32
      %sign3A_60 = arith.subi %sign3A_56, %sign3A_59 : i32
      %sign3A_61 = arith.constant 0 : i32
      %sign3A_62 = arith.cmpi sgt, %jit3A_54, %sign3A_61 : i32
      %sign3A_63 = arith.extui %sign3A_62 : i1 to i32
      %sign3A_64 = arith.constant 0 : i32
      %sign3A_65 = arith.cmpi slt, %jit3A_54, %sign3A_64 : i32
      %sign3A_66 = arith.extui %sign3A_65 : i1 to i32
      %sign3A_67 = arith.subi %sign3A_63, %sign3A_66 : i32
      %ne3A = arith.cmpi ne, %sign3A_60, %sign3A_67 : i32
      %rem3A = arith.remsi %select_n3A, %jit3A_54 : i32
      %ne3A_68 = arith.constant 0 : i32
      %ne3A_69 = arith.cmpi ne, %rem3A, %ne3A_68 : i32
      %and3A = arith.andi %ne3A, %ne3A_69 : i1
      %sub3A = arith.constant 1 : i32
      %sub3A_70 = arith.subi %div3A, %sub3A : i32
      %select_n3A_71 = arith.select %and3A, %sub3A_70, %div3A : i32
      %add3A_72 = arith.addi %select_n3A_71, %while3A_53 : i32
      "tpu.region"() ({
        %run_scoped3A_853 = tpu.sem_alloc : memref<!tpu.dma_semaphore, #tpu.memory_space<semaphore_mem>>
        %dma_start3A_854 = arith.constant 0 : i32
        %dma_start3A_855 = arith.constant 0 : i32
        %dma_start3A_856 = tpu.memref_slice %arg3[%add3A_72, %dma_start3A_854, %dma_start3A_855] : memref<320x8x128xi32, #tpu.memory_space<hbm>> -> memref<1x8x128xi32, #tpu.memory_space<hbm>>
        %dma_start3A_857 = tpu.memref_squeeze %dma_start3A_856 : memref<1x8x128xi32, #tpu.memory_space<hbm>> -> memref<8x128xi32, #tpu.memory_space<hbm>>
        %dma_start3A_858 = arith.constant 0 : i32
        %dma_start3A_859 = arith.constant 0 : i32
        %dma_start3A_860 = tpu.memref_slice %arg3[%add3A_72, %dma_start3A_858, %dma_start3A_859] : memref<320x8x128xi32, #tpu.memory_space<hbm>> -> memref<1x8x128xi32, #tpu.memory_space<hbm>>
        %dma_start3A_861 = tpu.memref_squeeze %dma_start3A_860 : memref<1x8x128xi32, #tpu.memory_space<hbm>> -> memref<8x128xi32, #tpu.memory_space<hbm>>
        tpu.enqueue_dma source(%dma_start3A_861 : memref<8x128xi32, #tpu.memory_space<hbm>>) target(%arg7 : memref<8x128xi32, #tpu.memory_space<vmem>>) target_semaphore(%run_scoped3A_853 : memref<!tpu.dma_semaphore, #tpu.memory_space<semaphore_mem>>)
        %dma_wait3A_862 = arith.constant 0 : i32
        %dma_wait3A_863 = arith.constant 0 : i32
        %dma_wait3A_864 = tpu.memref_slice %arg3[%add3A_72, %dma_wait3A_862, %dma_wait3A_863] : memref<320x8x128xi32, #tpu.memory_space<hbm>> -> memref<1x8x128xi32, #tpu.memory_space<hbm>>
        %dma_wait3A_865 = tpu.memref_squeeze %dma_wait3A_864 : memref<1x8x128xi32, #tpu.memory_space<hbm>> -> memref<8x128xi32, #tpu.memory_space<hbm>>
        %dma_wait3A_866 = arith.constant 0 : i32
        %dma_wait3A_867 = arith.constant 0 : i32
        %dma_wait3A_868 = tpu.memref_slice %arg3[%add3A_72, %dma_wait3A_866, %dma_wait3A_867] : memref<320x8x128xi32, #tpu.memory_space<hbm>> -> memref<1x8x128xi32, #tpu.memory_space<hbm>>
        %dma_wait3A_869 = tpu.memref_squeeze %dma_wait3A_868 : memref<1x8x128xi32, #tpu.memory_space<hbm>> -> memref<8x128xi32, #tpu.memory_space<hbm>>
        tpu.wait_dma2 semaphore(%run_scoped3A_853 : memref<!tpu.dma_semaphore, #tpu.memory_space<semaphore_mem>>) src(%dma_wait3A_869 : memref<8x128xi32, #tpu.memory_space<hbm>>) dst(%arg7 : memref<8x128xi32, #tpu.memory_space<vmem>>)
        tpu.yield
      }) : () -> ()
      %jit3A_73 = arith.constant 8 : i32
      %div3A_74 = arith.divsi %select_n3A, %jit3A_73 : i32
      %sign3A_75 = arith.constant 0 : i32
      %sign3A_76 = arith.cmpi sgt, %select_n3A, %sign3A_75 : i32
      %sign3A_77 = arith.extui %sign3A_76 : i1 to i32
      %sign3A_78 = arith.constant 0 : i32
      %sign3A_79 = arith.cmpi slt, %select_n3A, %sign3A_78 : i32
      %sign3A_80 = arith.extui %sign3A_79 : i1 to i32
      %sign3A_81 = arith.subi %sign3A_77, %sign3A_80 : i32
      %sign3A_82 = arith.constant 0 : i32
      %sign3A_83 = arith.cmpi sgt, %jit3A_73, %sign3A_82 : i32
      %sign3A_84 = arith.extui %sign3A_83 : i1 to i32
      %sign3A_85 = arith.constant 0 : i32
      %sign3A_86 = arith.cmpi slt, %jit3A_73, %sign3A_85 : i32
      %sign3A_87 = arith.extui %sign3A_86 : i1 to i32
      %sign3A_88 = arith.subi %sign3A_84, %sign3A_87 : i32
      %ne3A_89 = arith.cmpi ne, %sign3A_81, %sign3A_88 : i32
      %rem3A_90 = arith.remsi %select_n3A, %jit3A_73 : i32
      %ne3A_91 = arith.constant 0 : i32
      %ne3A_92 = arith.cmpi ne, %rem3A_90, %ne3A_91 : i32
      %and3A_93 = arith.andi %ne3A_89, %ne3A_92 : i1
      %sub3A_94 = arith.constant 1 : i32
      %sub3A_95 = arith.subi %div3A_74, %sub3A_94 : i32
      %select_n3A_96 = arith.select %and3A_93, %sub3A_95, %div3A_74 : i32
      %add3A_97 = arith.addi %select_n3A_96, %while3A_53 : i32
      "tpu.region"() ({
        %run_scoped3A_853 = tpu.sem_alloc : memref<!tpu.dma_semaphore, #tpu.memory_space<semaphore_mem>>
        %dma_start3A_854 = arith.constant 0 : i32
        %dma_start3A_855 = arith.constant 0 : i32
        %dma_start3A_856 = tpu.memref_slice %arg4[%add3A_97, %dma_start3A_854, %dma_start3A_855] : memref<320x8x128xi32, #tpu.memory_space<hbm>> -> memref<1x8x128xi32, #tpu.memory_space<hbm>>
        %dma_start3A_857 = tpu.memref_squeeze %dma_start3A_856 : memref<1x8x128xi32, #tpu.memory_space<hbm>> -> memref<8x128xi32, #tpu.memory_space<hbm>>
        %dma_start3A_858 = arith.constant 0 : i32
        %dma_start3A_859 = arith.constant 0 : i32
        %dma_start3A_860 = tpu.memref_slice %arg4[%add3A_97, %dma_start3A_858, %dma_start3A_859] : memref<320x8x128xi32, #tpu.memory_space<hbm>> -> memref<1x8x128xi32, #tpu.memory_space<hbm>>
        %dma_start3A_861 = tpu.memref_squeeze %dma_start3A_860 : memref<1x8x128xi32, #tpu.memory_space<hbm>> -> memref<8x128xi32, #tpu.memory_space<hbm>>
        tpu.enqueue_dma source(%dma_start3A_861 : memref<8x128xi32, #tpu.memory_space<hbm>>) target(%arg8 : memref<8x128xi32, #tpu.memory_space<vmem>>) target_semaphore(%run_scoped3A_853 : memref<!tpu.dma_semaphore, #tpu.memory_space<semaphore_mem>>)
        %dma_wait3A_862 = arith.constant 0 : i32
        %dma_wait3A_863 = arith.constant 0 : i32
        %dma_wait3A_864 = tpu.memref_slice %arg4[%add3A_97, %dma_wait3A_862, %dma_wait3A_863] : memref<320x8x128xi32, #tpu.memory_space<hbm>> -> memref<1x8x128xi32, #tpu.memory_space<hbm>>
        %dma_wait3A_865 = tpu.memref_squeeze %dma_wait3A_864 : memref<1x8x128xi32, #tpu.memory_space<hbm>> -> memref<8x128xi32, #tpu.memory_space<hbm>>
        %dma_wait3A_866 = arith.constant 0 : i32
        %dma_wait3A_867 = arith.constant 0 : i32
        %dma_wait3A_868 = tpu.memref_slice %arg4[%add3A_97, %dma_wait3A_866, %dma_wait3A_867] : memref<320x8x128xi32, #tpu.memory_space<hbm>> -> memref<1x8x128xi32, #tpu.memory_space<hbm>>
        %dma_wait3A_869 = tpu.memref_squeeze %dma_wait3A_868 : memref<1x8x128xi32, #tpu.memory_space<hbm>> -> memref<8x128xi32, #tpu.memory_space<hbm>>
        tpu.wait_dma2 semaphore(%run_scoped3A_853 : memref<!tpu.dma_semaphore, #tpu.memory_space<semaphore_mem>>) src(%dma_wait3A_869 : memref<8x128xi32, #tpu.memory_space<hbm>>) dst(%arg8 : memref<8x128xi32, #tpu.memory_space<vmem>>)
        tpu.yield
      }) : () -> ()
      %dma_start3A = arith.constant 0 : i32
      %dma_start3A_98 = arith.constant 0 : i32
      %dma_start3A_99 = tpu.memref_slice %arg7[%dma_start3A, %dma_start3A_98] : memref<8x128xi32, #tpu.memory_space<vmem>> -> memref<1x128xi32, #tpu.memory_space<vmem>>
      %dma_start3A_100 = tpu.memref_squeeze %dma_start3A_99 : memref<1x128xi32, #tpu.memory_space<vmem>> -> memref<128xi32, #tpu.memory_space<vmem>>
      %dma_start3A_101 = arith.constant 0 : i32
      %dma_start3A_102 = arith.constant 0 : i32
      %dma_start3A_103 = tpu.memref_slice %arg2[%dma_start3A_101, %dma_start3A_102] : memref<10000x128xf32, #tpu.memory_space<hbm>> -> memref<10000x128xf32, #tpu.memory_space<hbm>>
      tpu.enqueue_indirect_dma source(%dma_start3A_103 : memref<10000x128xf32, #tpu.memory_space<hbm>>) target(%arg9 : memref<128x128xf32, #tpu.memory_space<vmem>>) offsets(%dma_start3A_100 : memref<128xi32, #tpu.memory_space<vmem>>) semaphore(%arg13 : memref<!tpu.dma_semaphore, #tpu.memory_space<semaphore_mem>>)
      %dma_start3A_104 = arith.constant 1 : i32
      %dma_start3A_105 = arith.constant 0 : i32
      %dma_start3A_106 = tpu.memref_slice %arg7[%dma_start3A_104, %dma_start3A_105] : memref<8x128xi32, #tpu.memory_space<vmem>> -> memref<1x128xi32, #tpu.memory_space<vmem>>
      %dma_start3A_107 = tpu.memref_squeeze %dma_start3A_106 : memref<1x128xi32, #tpu.memory_space<vmem>> -> memref<128xi32, #tpu.memory_space<vmem>>
      %dma_start3A_108 = arith.constant 0 : i32
      %dma_start3A_109 = arith.constant 0 : i32
      %dma_start3A_110 = tpu.memref_slice %arg2[%dma_start3A_108, %dma_start3A_109] : memref<10000x128xf32, #tpu.memory_space<hbm>> -> memref<10000x128xf32, #tpu.memory_space<hbm>>
      tpu.enqueue_indirect_dma source(%dma_start3A_110 : memref<10000x128xf32, #tpu.memory_space<hbm>>) target(%arg10 : memref<128x128xf32, #tpu.memory_space<vmem>>) offsets(%dma_start3A_107 : memref<128xi32, #tpu.memory_space<vmem>>) semaphore(%arg14 : memref<!tpu.dma_semaphore, #tpu.memory_space<semaphore_mem>>)
      %get3A = arith.constant 0 : i32
      %get3A_111 = arith.index_cast %get3A : i32 to index
      %get3A_112 = arith.constant 0 : index
      %get3A_113 = tpu.vector_load %arg8[%get3A_111, %get3A_112] {strides = array<i32>} : memref<8x128xi32, #tpu.memory_space<vmem>>, vector<16xi32>,
      %shift_right_logical3A = arith.constant 7 : i32
      %shift_right_logical3A_114 = vector.broadcast %shift_right_logical3A : i32 to vector<16xi32>
      %shift_right_logical3A_115 = arith.shrui %get3A_113, %shift_right_logical3A_114 : vector<16xi32>
      %and3A_116 = arith.constant 127 : i32
      %and3A_117 = vector.broadcast %and3A_116 : i32 to vector<16xi32>
      %and3A_118 = arith.andi %get3A_113, %and3A_117 : vector<16xi32>
      tpu.vector_store_idx %arg11[%shift_right_logical3A_115, %and3A_118], %broadcast_in_dim3A_32 {add = true} : memref<80x128xf32, #tpu.memory_space<vmem>>[vector<16xi32>, vector<16xi32>], vector<16xf32>,
      %get3A_119 = arith.constant 0 : i32
      %get3A_120 = arith.index_cast %get3A_119 : i32 to index
      %get3A_121 = arith.constant 16 : index
      %get3A_122 = tpu.vector_load %arg8[%get3A_120, %get3A_121] {strides = array<i32>} : memref<8x128xi32, #tpu.memory_space<vmem>>, vector<16xi32>,
      %shift_right_logical3A_123 = arith.constant 7 : i32
      %shift_right_logical3A_124 = vector.broadcast %shift_right_logical3A_123 : i32 to vector<16xi32>
      %shift_right_logical3A_125 = arith.shrui %get3A_122, %shift_right_logical3A_124 : vector<16xi32>
      %and3A_126 = arith.constant 127 : i32
      %and3A_127 = vector.broadcast %and3A_126 : i32 to vector<16xi32>
      %and3A_128 = arith.andi %get3A_122, %and3A_127 : vector<16xi32>
      tpu.vector_store_idx %arg11[%shift_right_logical3A_125, %and3A_128], %broadcast_in_dim3A_32 {add = true} : memref<80x128xf32, #tpu.memory_space<vmem>>[vector<16xi32>, vector<16xi32>], vector<16xf32>,
      %get3A_129 = arith.constant 0 : i32
      %get3A_130 = arith.index_cast %get3A_129 : i32 to index
      %get3A_131 = arith.constant 32 : index
      %get3A_132 = tpu.vector_load %arg8[%get3A_130, %get3A_131] {strides = array<i32>} : memref<8x128xi32, #tpu.memory_space<vmem>>, vector<16xi32>,
      %shift_right_logical3A_133 = arith.constant 7 : i32
      %shift_right_logical3A_134 = vector.broadcast %shift_right_logical3A_133 : i32 to vector<16xi32>
      %shift_right_logical3A_135 = arith.shrui %get3A_132, %shift_right_logical3A_134 : vector<16xi32>
      %and3A_136 = arith.constant 127 : i32
      %and3A_137 = vector.broadcast %and3A_136 : i32 to vector<16xi32>
      %and3A_138 = arith.andi %get3A_132, %and3A_137 : vector<16xi32>
      tpu.vector_store_idx %arg11[%shift_right_logical3A_135, %and3A_138], %broadcast_in_dim3A_32 {add = true} : memref<80x128xf32, #tpu.memory_space<vmem>>[vector<16xi32>, vector<16xi32>], vector<16xf32>,
      %get3A_139 = arith.constant 0 : i32
      %get3A_140 = arith.index_cast %get3A_139 : i32 to index
      %get3A_141 = arith.constant 48 : index
      %get3A_142 = tpu.vector_load %arg8[%get3A_140, %get3A_141] {strides = array<i32>} : memref<8x128xi32, #tpu.memory_space<vmem>>, vector<16xi32>,
      %shift_right_logical3A_143 = arith.constant 7 : i32
      %shift_right_logical3A_144 = vector.broadcast %shift_right_logical3A_143 : i32 to vector<16xi32>
      %shift_right_logical3A_145 = arith.shrui %get3A_142, %shift_right_logical3A_144 : vector<16xi32>
      %and3A_146 = arith.constant 127 : i32
      %and3A_147 = vector.broadcast %and3A_146 : i32 to vector<16xi32>
      %and3A_148 = arith.andi %get3A_142, %and3A_147 : vector<16xi32>
      tpu.vector_store_idx %arg11[%shift_right_logical3A_145, %and3A_148], %broadcast_in_dim3A_32 {add = true} : memref<80x128xf32, #tpu.memory_space<vmem>>[vector<16xi32>, vector<16xi32>], vector<16xf32>,
      %get3A_149 = arith.constant 0 : i32
      %get3A_150 = arith.index_cast %get3A_149 : i32 to index
      %get3A_151 = arith.constant 64 : index
      %get3A_152 = tpu.vector_load %arg8[%get3A_150, %get3A_151] {strides = array<i32>} : memref<8x128xi32, #tpu.memory_space<vmem>>, vector<16xi32>,
      %shift_right_logical3A_153 = arith.constant 7 : i32
      %shift_right_logical3A_154 = vector.broadcast %shift_right_logical3A_153 : i32 to vector<16xi32>
      %shift_right_logical3A_155 = arith.shrui %get3A_152, %shift_right_logical3A_154 : vector<16xi32>
      %and3A_156 = arith.constant 127 : i32
      %and3A_157 = vector.broadcast %and3A_156 : i32 to vector<16xi32>
      %and3A_158 = arith.andi %get3A_152, %and3A_157 : vector<16xi32>
      tpu.vector_store_idx %arg11[%shift_right_logical3A_155, %and3A_158], %broadcast_in_dim3A_32 {add = true} : memref<80x128xf32, #tpu.memory_space<vmem>>[vector<16xi32>, vector<16xi32>], vector<16xf32>,
      %get3A_159 = arith.constant 0 : i32
      %get3A_160 = arith.index_cast %get3A_159 : i32 to index
      %get3A_161 = arith.constant 80 : index
      %get3A_162 = tpu.vector_load %arg8[%get3A_160, %get3A_161] {strides = array<i32>} : memref<8x128xi32, #tpu.memory_space<vmem>>, vector<16xi32>,
      %shift_right_logical3A_163 = arith.constant 7 : i32
      %shift_right_logical3A_164 = vector.broadcast %shift_right_logical3A_163 : i32 to vector<16xi32>
      %shift_right_logical3A_165 = arith.shrui %get3A_162, %shift_right_logical3A_164 : vector<16xi32>
      %and3A_166 = arith.constant 127 : i32
      %and3A_167 = vector.broadcast %and3A_166 : i32 to vector<16xi32>
      %and3A_168 = arith.andi %get3A_162, %and3A_167 : vector<16xi32>
      tpu.vector_store_idx %arg11[%shift_right_logical3A_165, %and3A_168], %broadcast_in_dim3A_32 {add = true} : memref<80x128xf32, #tpu.memory_space<vmem>>[vector<16xi32>, vector<16xi32>], vector<16xf32>,
      %get3A_169 = arith.constant 0 : i32
      %get3A_170 = arith.index_cast %get3A_169 : i32 to index
      %get3A_171 = arith.constant 96 : index
      %get3A_172 = tpu.vector_load %arg8[%get3A_170, %get3A_171] {strides = array<i32>} : memref<8x128xi32, #tpu.memory_space<vmem>>, vector<16xi32>,
      %shift_right_logical3A_173 = arith.constant 7 : i32
      %shift_right_logical3A_174 = vector.broadcast %shift_right_logical3A_173 : i32 to vector<16xi32>
      %shift_right_logical3A_175 = arith.shrui %get3A_172, %shift_right_logical3A_174 : vector<16xi32>
      %and3A_176 = arith.constant 127 : i32
      %and3A_177 = vector.broadcast %and3A_176 : i32 to vector<16xi32>
      %and3A_178 = arith.andi %get3A_172, %and3A_177 : vector<16xi32>
      tpu.vector_store_idx %arg11[%shift_right_logical3A_175, %and3A_178], %broadcast_in_dim3A_32 {add = true} : memref<80x128xf32, #tpu.memory_space<vmem>>[vector<16xi32>, vector<16xi32>], vector<16xf32>,
      %get3A_179 = arith.constant 0 : i32
      %get3A_180 = arith.index_cast %get3A_179 : i32 to index
      %get3A_181 = arith.constant 112 : index
      %get3A_182 = tpu.vector_load %arg8[%get3A_180, %get3A_181] {strides = array<i32>} : memref<8x128xi32, #tpu.memory_space<vmem>>, vector<16xi32>,
      %shift_right_logical3A_183 = arith.constant 7 : i32
      %shift_right_logical3A_184 = vector.broadcast %shift_right_logical3A_183 : i32 to vector<16xi32>
      %shift_right_logical3A_185 = arith.shrui %get3A_182, %shift_right_logical3A_184 : vector<16xi32>
      %and3A_186 = arith.constant 127 : i32
      %and3A_187 = vector.broadcast %and3A_186 : i32 to vector<16xi32>
      %and3A_188 = arith.andi %get3A_182, %and3A_187 : vector<16xi32>
      tpu.vector_store_idx %arg11[%shift_right_logical3A_185, %and3A_188], %broadcast_in_dim3A_32 {add = true} : memref<80x128xf32, #tpu.memory_space<vmem>>[vector<16xi32>, vector<16xi32>], vector<16xf32>,
      %dma_wait3A = arith.constant 0 : i32
      %dma_wait3A_189 = arith.constant 0 : i32
      %dma_wait3A_190 = tpu.memref_slice %arg7[%dma_wait3A, %dma_wait3A_189] : memref<8x128xi32, #tpu.memory_space<vmem>> -> memref<1x128xi32, #tpu.memory_space<vmem>>
      %dma_wait3A_191 = tpu.memref_squeeze %dma_wait3A_190 : memref<1x128xi32, #tpu.memory_space<vmem>> -> memref<128xi32, #tpu.memory_space<vmem>>
      %dma_wait3A_192 = arith.constant 0 : i32
      %dma_wait3A_193 = arith.constant 0 : i32
      %dma_wait3A_194 = tpu.memref_slice %arg2[%dma_wait3A_192, %dma_wait3A_193] : memref<10000x128xf32, #tpu.memory_space<hbm>> -> memref<10000x128xf32, #tpu.memory_space<hbm>>
      tpu.wait_indirect_dma semaphore(%arg13 : memref<!tpu.dma_semaphore, #tpu.memory_space<semaphore_mem>>) src(%dma_wait3A_194 : memref<10000x128xf32, #tpu.memory_space<hbm>>) dst(%arg9 : memref<128x128xf32, #tpu.memory_space<vmem>>)
      %run_scoped3A = arith.constant 0 : i32
      "tpu.region"() ({
        %run_scoped3A_853 = tpu.sem_alloc : memref<!tpu.dma_semaphore, #tpu.memory_space<semaphore_mem>>
        %dma_start3A_854 = arith.constant 0 : i32
        %dma_start3A_855 = tpu.memref_slice %arg8[%run_scoped3A, %dma_start3A_854] : memref<8x128xi32, #tpu.memory_space<vmem>> -> memref<1x128xi32, #tpu.memory_space<vmem>>
        %dma_start3A_856 = tpu.memref_squeeze %dma_start3A_855 : memref<1x128xi32, #tpu.memory_space<vmem>> -> memref<128xi32, #tpu.memory_space<vmem>>
        %dma_start3A_857 = arith.constant 0 : i32
        %dma_start3A_858 = arith.constant 0 : i32
        %dma_start3A_859 = tpu.memref_slice %arg12[%dma_start3A_857, %dma_start3A_858] : memref<10240x128xf32, #tpu.memory_space<vmem_shared>> -> memref<10240x128xf32, #tpu.memory_space<vmem_shared>>
        tpu.enqueue_indirect_dma source(%arg9 : memref<128x128xf32, #tpu.memory_space<vmem>>) target(%dma_start3A_859 : memref<10240x128xf32, #tpu.memory_space<vmem_shared>>) offsets(%dma_start3A_856 : memref<128xi32, #tpu.memory_space<vmem>>) semaphore(%run_scoped3A_853 : memref<!tpu.dma_semaphore, #tpu.memory_space<semaphore_mem>>) {add = true}
        %dma_wait3A_860 = arith.constant 0 : i32
        %dma_wait3A_861 = tpu.memref_slice %arg8[%run_scoped3A, %dma_wait3A_860] : memref<8x128xi32, #tpu.memory_space<vmem>> -> memref<1x128xi32, #tpu.memory_space<vmem>>
        %dma_wait3A_862 = tpu.memref_squeeze %dma_wait3A_861 : memref<1x128xi32, #tpu.memory_space<vmem>> -> memref<128xi32, #tpu.memory_space<vmem>>
        %dma_wait3A_863 = arith.constant 0 : i32
        %dma_wait3A_864 = arith.constant 0 : i32
        %dma_wait3A_865 = tpu.memref_slice %arg12[%dma_wait3A_863, %dma_wait3A_864] : memref<10240x128xf32, #tpu.memory_space<vmem_shared>> -> memref<10240x128xf32, #tpu.memory_space<vmem_shared>>
        tpu.wait_indirect_dma semaphore(%run_scoped3A_853 : memref<!tpu.dma_semaphore, #tpu.memory_space<semaphore_mem>>) src(%arg9 : memref<128x128xf32, #tpu.memory_space<vmem>>) dst(%dma_wait3A_865 : memref<10240x128xf32, #tpu.memory_space<vmem_shared>>)
        tpu.yield
      }) : () -> ()
      %dma_start3A_195 = arith.constant 2 : i32
      %dma_start3A_196 = arith.constant 0 : i32
      %dma_start3A_197 = tpu.memref_slice %arg7[%dma_start3A_195, %dma_start3A_196] : memref<8x128xi32, #tpu.memory_space<vmem>> -> memref<1x128xi32, #tpu.memory_space<vmem>>
      %dma_start3A_198 = tpu.memref_squeeze %dma_start3A_197 : memref<1x128xi32, #tpu.memory_space<vmem>> -> memref<128xi32, #tpu.memory_space<vmem>>
      %dma_start3A_199 = arith.constant 0 : i32
      %dma_start3A_200 = arith.constant 0 : i32
      %dma_start3A_201 = tpu.memref_slice %arg2[%dma_start3A_199, %dma_start3A_200] : memref<10000x128xf32, #tpu.memory_space<hbm>> -> memref<10000x128xf32, #tpu.memory_space<hbm>>
      tpu.enqueue_indirect_dma source(%dma_start3A_201 : memref<10000x128xf32, #tpu.memory_space<hbm>>) target(%arg9 : memref<128x128xf32, #tpu.memory_space<vmem>>) offsets(%dma_start3A_198 : memref<128xi32, #tpu.memory_space<vmem>>) semaphore(%arg13 : memref<!tpu.dma_semaphore, #tpu.memory_space<semaphore_mem>>)
      %get3A_202 = arith.constant 1 : i32
      %get3A_203 = arith.index_cast %get3A_202 : i32 to index
      %get3A_204 = arith.constant 0 : index
      %get3A_205 = tpu.vector_load %arg8[%get3A_203, %get3A_204] {strides = array<i32>} : memref<8x128xi32, #tpu.memory_space<vmem>>, vector<16xi32>,
      %shift_right_logical3A_206 = arith.constant 7 : i32
      %shift_right_logical3A_207 = vector.broadcast %shift_right_logical3A_206 : i32 to vector<16xi32>
      %shift_right_logical3A_208 = arith.shrui %get3A_205, %shift_right_logical3A_207 : vector<16xi32>
      %and3A_209 = arith.constant 127 : i32
      %and3A_210 = vector.broadcast %and3A_209 : i32 to vector<16xi32>
      %and3A_211 = arith.andi %get3A_205, %and3A_210 : vector<16xi32>
      tpu.vector_store_idx %arg11[%shift_right_logical3A_208, %and3A_211], %broadcast_in_dim3A_32 {add = true} : memref<80x128xf32, #tpu.memory_space<vmem>>[vector<16xi32>, vector<16xi32>], vector<16xf32>,
      %get3A_212 = arith.constant 1 : i32
      %get3A_213 = arith.index_cast %get3A_212 : i32 to index
      %get3A_214 = arith.constant 16 : index
      %get3A_215 = tpu.vector_load %arg8[%get3A_213, %get3A_214] {strides = array<i32>} : memref<8x128xi32, #tpu.memory_space<vmem>>, vector<16xi32>,
      %shift_right_logical3A_216 = arith.constant 7 : i32
      %shift_right_logical3A_217 = vector.broadcast %shift_right_logical3A_216 : i32 to vector<16xi32>
      %shift_right_logical3A_218 = arith.shrui %get3A_215, %shift_right_logical3A_217 : vector<16xi32>
      %and3A_219 = arith.constant 127 : i32
      %and3A_220 = vector.broadcast %and3A_219 : i32 to vector<16xi32>
      %and3A_221 = arith.andi %get3A_215, %and3A_220 : vector<16xi32>
      tpu.vector_store_idx %arg11[%shift_right_logical3A_218, %and3A_221], %broadcast_in_dim3A_32 {add = true} : memref<80x128xf32, #tpu.memory_space<vmem>>[vector<16xi32>, vector<16xi32>], vector<16xf32>,
      %get3A_222 = arith.constant 1 : i32
      %get3A_223 = arith.index_cast %get3A_222 : i32 to index
      %get3A_224 = arith.constant 32 : index
      %get3A_225 = tpu.vector_load %arg8[%get3A_223, %get3A_224] {strides = array<i32>} : memref<8x128xi32, #tpu.memory_space<vmem>>, vector<16xi32>,
      %shift_right_logical3A_226 = arith.constant 7 : i32
      %shift_right_logical3A_227 = vector.broadcast %shift_right_logical3A_226 : i32 to vector<16xi32>
      %shift_right_logical3A_228 = arith.shrui %get3A_225, %shift_right_logical3A_227 : vector<16xi32>
      %and3A_229 = arith.constant 127 : i32
      %and3A_230 = vector.broadcast %and3A_229 : i32 to vector<16xi32>
      %and3A_231 = arith.andi %get3A_225, %and3A_230 : vector<16xi32>
      tpu.vector_store_idx %arg11[%shift_right_logical3A_228, %and3A_231], %broadcast_in_dim3A_32 {add = true} : memref<80x128xf32, #tpu.memory_space<vmem>>[vector<16xi32>, vector<16xi32>], vector<16xf32>,
      %get3A_232 = arith.constant 1 : i32
      %get3A_233 = arith.index_cast %get3A_232 : i32 to index
      %get3A_234 = arith.constant 48 : index
      %get3A_235 = tpu.vector_load %arg8[%get3A_233, %get3A_234] {strides = array<i32>} : memref<8x128xi32, #tpu.memory_space<vmem>>, vector<16xi32>,
      %shift_right_logical3A_236 = arith.constant 7 : i32
      %shift_right_logical3A_237 = vector.broadcast %shift_right_logical3A_236 : i32 to vector<16xi32>
      %shift_right_logical3A_238 = arith.shrui %get3A_235, %shift_right_logical3A_237 : vector<16xi32>
      %and3A_239 = arith.constant 127 : i32
      %and3A_240 = vector.broadcast %and3A_239 : i32 to vector<16xi32>
      %and3A_241 = arith.andi %get3A_235, %and3A_240 : vector<16xi32>
      tpu.vector_store_idx %arg11[%shift_right_logical3A_238, %and3A_241], %broadcast_in_dim3A_32 {add = true} : memref<80x128xf32, #tpu.memory_space<vmem>>[vector<16xi32>, vector<16xi32>], vector<16xf32>,
      %get3A_242 = arith.constant 1 : i32
      %get3A_243 = arith.index_cast %get3A_242 : i32 to index
      %get3A_244 = arith.constant 64 : index
      %get3A_245 = tpu.vector_load %arg8[%get3A_243, %get3A_244] {strides = array<i32>} : memref<8x128xi32, #tpu.memory_space<vmem>>, vector<16xi32>,
      %shift_right_logical3A_246 = arith.constant 7 : i32
      %shift_right_logical3A_247 = vector.broadcast %shift_right_logical3A_246 : i32 to vector<16xi32>
      %shift_right_logical3A_248 = arith.shrui %get3A_245, %shift_right_logical3A_247 : vector<16xi32>
      %and3A_249 = arith.constant 127 : i32
      %and3A_250 = vector.broadcast %and3A_249 : i32 to vector<16xi32>
      %and3A_251 = arith.andi %get3A_245, %and3A_250 : vector<16xi32>
      tpu.vector_store_idx %arg11[%shift_right_logical3A_248, %and3A_251], %broadcast_in_dim3A_32 {add = true} : memref<80x128xf32, #tpu.memory_space<vmem>>[vector<16xi32>, vector<16xi32>], vector<16xf32>,
      %get3A_252 = arith.constant 1 : i32
      %get3A_253 = arith.index_cast %get3A_252 : i32 to index
      %get3A_254 = arith.constant 80 : index
      %get3A_255 = tpu.vector_load %arg8[%get3A_253, %get3A_254] {strides = array<i32>} : memref<8x128xi32, #tpu.memory_space<vmem>>, vector<16xi32>,
      %shift_right_logical3A_256 = arith.constant 7 : i32
      %shift_right_logical3A_257 = vector.broadcast %shift_right_logical3A_256 : i32 to vector<16xi32>
      %shift_right_logical3A_258 = arith.shrui %get3A_255, %shift_right_logical3A_257 : vector<16xi32>
      %and3A_259 = arith.constant 127 : i32
      %and3A_260 = vector.broadcast %and3A_259 : i32 to vector<16xi32>
      %and3A_261 = arith.andi %get3A_255, %and3A_260 : vector<16xi32>
      tpu.vector_store_idx %arg11[%shift_right_logical3A_258, %and3A_261], %broadcast_in_dim3A_32 {add = true} : memref<80x128xf32, #tpu.memory_space<vmem>>[vector<16xi32>, vector<16xi32>], vector<16xf32>,
      %get3A_262 = arith.constant 1 : i32
      %get3A_263 = arith.index_cast %get3A_262 : i32 to index
      %get3A_264 = arith.constant 96 : index
      %get3A_265 = tpu.vector_load %arg8[%get3A_263, %get3A_264] {strides = array<i32>} : memref<8x128xi32, #tpu.memory_space<vmem>>, vector<16xi32>,
      %shift_right_logical3A_266 = arith.constant 7 : i32
      %shift_right_logical3A_267 = vector.broadcast %shift_right_logical3A_266 : i32 to vector<16xi32>
      %shift_right_logical3A_268 = arith.shrui %get3A_265, %shift_right_logical3A_267 : vector<16xi32>
      %and3A_269 = arith.constant 127 : i32
      %and3A_270 = vector.broadcast %and3A_269 : i32 to vector<16xi32>
      %and3A_271 = arith.andi %get3A_265, %and3A_270 : vector<16xi32>
      tpu.vector_store_idx %arg11[%shift_right_logical3A_268, %and3A_271], %broadcast_in_dim3A_32 {add = true} : memref<80x128xf32, #tpu.memory_space<vmem>>[vector<16xi32>, vector<16xi32>], vector<16xf32>,
      %get3A_272 = arith.constant 1 : i32
      %get3A_273 = arith.index_cast %get3A_272 : i32 to index
      %get3A_274 = arith.constant 112 : index
      %get3A_275 = tpu.vector_load %arg8[%get3A_273, %get3A_274] {strides = array<i32>} : memref<8x128xi32, #tpu.memory_space<vmem>>, vector<16xi32>,
      %shift_right_logical3A_276 = arith.constant 7 : i32
      %shift_right_logical3A_277 = vector.broadcast %shift_right_logical3A_276 : i32 to vector<16xi32>
      %shift_right_logical3A_278 = arith.shrui %get3A_275, %shift_right_logical3A_277 : vector<16xi32>
      %and3A_279 = arith.constant 127 : i32
      %and3A_280 = vector.broadcast %and3A_279 : i32 to vector<16xi32>
      %and3A_281 = arith.andi %get3A_275, %and3A_280 : vector<16xi32>
      tpu.vector_store_idx %arg11[%shift_right_logical3A_278, %and3A_281], %broadcast_in_dim3A_32 {add = true} : memref<80x128xf32, #tpu.memory_space<vmem>>[vector<16xi32>, vector<16xi32>], vector<16xf32>,
      %dma_wait3A_282 = arith.constant 1 : i32
      %dma_wait3A_283 = arith.constant 0 : i32
      %dma_wait3A_284 = tpu.memref_slice %arg7[%dma_wait3A_282, %dma_wait3A_283] : memref<8x128xi32, #tpu.memory_space<vmem>> -> memref<1x128xi32, #tpu.memory_space<vmem>>
      %dma_wait3A_285 = tpu.memref_squeeze %dma_wait3A_284 : memref<1x128xi32, #tpu.memory_space<vmem>> -> memref<128xi32, #tpu.memory_space<vmem>>
      %dma_wait3A_286 = arith.constant 0 : i32
      %dma_wait3A_287 = arith.constant 0 : i32
      %dma_wait3A_288 = tpu.memref_slice %arg2[%dma_wait3A_286, %dma_wait3A_287] : memref<10000x128xf32, #tpu.memory_space<hbm>> -> memref<10000x128xf32, #tpu.memory_space<hbm>>
      tpu.wait_indirect_dma semaphore(%arg14 : memref<!tpu.dma_semaphore, #tpu.memory_space<semaphore_mem>>) src(%dma_wait3A_288 : memref<10000x128xf32, #tpu.memory_space<hbm>>) dst(%arg10 : memref<128x128xf32, #tpu.memory_space<vmem>>)
      %run_scoped3A_289 = arith.constant 1 : i32
      "tpu.region"() ({
        %run_scoped3A_853 = tpu.sem_alloc : memref<!tpu.dma_semaphore, #tpu.memory_space<semaphore_mem>>
        %dma_start3A_854 = arith.constant 0 : i32
        %dma_start3A_855 = tpu.memref_slice %arg8[%run_scoped3A_289, %dma_start3A_854] : memref<8x128xi32, #tpu.memory_space<vmem>> -> memref<1x128xi32, #tpu.memory_space<vmem>>
        %dma_start3A_856 = tpu.memref_squeeze %dma_start3A_855 : memref<1x128xi32, #tpu.memory_space<vmem>> -> memref<128xi32, #tpu.memory_space<vmem>>
        %dma_start3A_857 = arith.constant 0 : i32
        %dma_start3A_858 = arith.constant 0 : i32
        %dma_start3A_859 = tpu.memref_slice %arg12[%dma_start3A_857, %dma_start3A_858] : memref<10240x128xf32, #tpu.memory_space<vmem_shared>> -> memref<10240x128xf32, #tpu.memory_space<vmem_shared>>
        tpu.enqueue_indirect_dma source(%arg10 : memref<128x128xf32, #tpu.memory_space<vmem>>) target(%dma_start3A_859 : memref<10240x128xf32, #tpu.memory_space<vmem_shared>>) offsets(%dma_start3A_856 : memref<128xi32, #tpu.memory_space<vmem>>) semaphore(%run_scoped3A_853 : memref<!tpu.dma_semaphore, #tpu.memory_space<semaphore_mem>>) {add = true}
        %dma_wait3A_860 = arith.constant 0 : i32
        %dma_wait3A_861 = tpu.memref_slice %arg8[%run_scoped3A_289, %dma_wait3A_860] : memref<8x128xi32, #tpu.memory_space<vmem>> -> memref<1x128xi32, #tpu.memory_space<vmem>>
        %dma_wait3A_862 = tpu.memref_squeeze %dma_wait3A_861 : memref<1x128xi32, #tpu.memory_space<vmem>> -> memref<128xi32, #tpu.memory_space<vmem>>
        %dma_wait3A_863 = arith.constant 0 : i32
        %dma_wait3A_864 = arith.constant 0 : i32
        %dma_wait3A_865 = tpu.memref_slice %arg12[%dma_wait3A_863, %dma_wait3A_864] : memref<10240x128xf32, #tpu.memory_space<vmem_shared>> -> memref<10240x128xf32, #tpu.memory_space<vmem_shared>>
        tpu.wait_indirect_dma semaphore(%run_scoped3A_853 : memref<!tpu.dma_semaphore, #tpu.memory_space<semaphore_mem>>) src(%arg10 : memref<128x128xf32, #tpu.memory_space<vmem>>) dst(%dma_wait3A_865 : memref<10240x128xf32, #tpu.memory_space<vmem_shared>>)
        tpu.yield
      }) : () -> ()
      %dma_start3A_290 = arith.constant 3 : i32
      %dma_start3A_291 = arith.constant 0 : i32
      %dma_start3A_292 = tpu.memref_slice %arg7[%dma_start3A_290, %dma_start3A_291] : memref<8x128xi32, #tpu.memory_space<vmem>> -> memref<1x128xi32, #tpu.memory_space<vmem>>
      %dma_start3A_293 = tpu.memref_squeeze %dma_start3A_292 : memref<1x128xi32, #tpu.memory_space<vmem>> -> memref<128xi32, #tpu.memory_space<vmem>>
      %dma_start3A_294 = arith.constant 0 : i32
      %dma_start3A_295 = arith.constant 0 : i32
      %dma_start3A_296 = tpu.memref_slice %arg2[%dma_start3A_294, %dma_start3A_295] : memref<10000x128xf32, #tpu.memory_space<hbm>> -> memref<10000x128xf32, #tpu.memory_space<hbm>>
      tpu.enqueue_indirect_dma source(%dma_start3A_296 : memref<10000x128xf32, #tpu.memory_space<hbm>>) target(%arg10 : memref<128x128xf32, #tpu.memory_space<vmem>>) offsets(%dma_start3A_293 : memref<128xi32, #tpu.memory_space<vmem>>) semaphore(%arg14 : memref<!tpu.dma_semaphore, #tpu.memory_space<semaphore_mem>>)
      %get3A_297 = arith.constant 2 : i32
      %get3A_298 = arith.index_cast %get3A_297 : i32 to index
      %get3A_299 = arith.constant 0 : index
      %get3A_300 = tpu.vector_load %arg8[%get3A_298, %get3A_299] {strides = array<i32>} : memref<8x128xi32, #tpu.memory_space<vmem>>, vector<16xi32>,
      %shift_right_logical3A_301 = arith.constant 7 : i32
      %shift_right_logical3A_302 = vector.broadcast %shift_right_logical3A_301 : i32 to vector<16xi32>
      %shift_right_logical3A_303 = arith.shrui %get3A_300, %shift_right_logical3A_302 : vector<16xi32>
      %and3A_304 = arith.constant 127 : i32
      %and3A_305 = vector.broadcast %and3A_304 : i32 to vector<16xi32>
      %and3A_306 = arith.andi %get3A_300, %and3A_305 : vector<16xi32>
      tpu.vector_store_idx %arg11[%shift_right_logical3A_303, %and3A_306], %broadcast_in_dim3A_32 {add = true} : memref<80x128xf32, #tpu.memory_space<vmem>>[vector<16xi32>, vector<16xi32>], vector<16xf32>,
      %get3A_307 = arith.constant 2 : i32
      %get3A_308 = arith.index_cast %get3A_307 : i32 to index
      %get3A_309 = arith.constant 16 : index
      %get3A_310 = tpu.vector_load %arg8[%get3A_308, %get3A_309] {strides = array<i32>} : memref<8x128xi32, #tpu.memory_space<vmem>>, vector<16xi32>,
      %shift_right_logical3A_311 = arith.constant 7 : i32
      %shift_right_logical3A_312 = vector.broadcast %shift_right_logical3A_311 : i32 to vector<16xi32>
      %shift_right_logical3A_313 = arith.shrui %get3A_310, %shift_right_logical3A_312 : vector<16xi32>
      %and3A_314 = arith.constant 127 : i32
      %and3A_315 = vector.broadcast %and3A_314 : i32 to vector<16xi32>
      %and3A_316 = arith.andi %get3A_310, %and3A_315 : vector<16xi32>
      tpu.vector_store_idx %arg11[%shift_right_logical3A_313, %and3A_316], %broadcast_in_dim3A_32 {add = true} : memref<80x128xf32, #tpu.memory_space<vmem>>[vector<16xi32>, vector<16xi32>], vector<16xf32>,
      %get3A_317 = arith.constant 2 : i32
      %get3A_318 = arith.index_cast %get3A_317 : i32 to index
      %get3A_319 = arith.constant 32 : index
      %get3A_320 = tpu.vector_load %arg8[%get3A_318, %get3A_319] {strides = array<i32>} : memref<8x128xi32, #tpu.memory_space<vmem>>, vector<16xi32>,
      %shift_right_logical3A_321 = arith.constant 7 : i32
      %shift_right_logical3A_322 = vector.broadcast %shift_right_logical3A_321 : i32 to vector<16xi32>
      %shift_right_logical3A_323 = arith.shrui %get3A_320, %shift_right_logical3A_322 : vector<16xi32>
      %and3A_324 = arith.constant 127 : i32
      %and3A_325 = vector.broadcast %and3A_324 : i32 to vector<16xi32>
      %and3A_326 = arith.andi %get3A_320, %and3A_325 : vector<16xi32>
      tpu.vector_store_idx %arg11[%shift_right_logical3A_323, %and3A_326], %broadcast_in_dim3A_32 {add = true} : memref<80x128xf32, #tpu.memory_space<vmem>>[vector<16xi32>, vector<16xi32>], vector<16xf32>,
      %get3A_327 = arith.constant 2 : i32
      %get3A_328 = arith.index_cast %get3A_327 : i32 to index
      %get3A_329 = arith.constant 48 : index
      %get3A_330 = tpu.vector_load %arg8[%get3A_328, %get3A_329] {strides = array<i32>} : memref<8x128xi32, #tpu.memory_space<vmem>>, vector<16xi32>,
      %shift_right_logical3A_331 = arith.constant 7 : i32
      %shift_right_logical3A_332 = vector.broadcast %shift_right_logical3A_331 : i32 to vector<16xi32>
      %shift_right_logical3A_333 = arith.shrui %get3A_330, %shift_right_logical3A_332 : vector<16xi32>
      %and3A_334 = arith.constant 127 : i32
      %and3A_335 = vector.broadcast %and3A_334 : i32 to vector<16xi32>
      %and3A_336 = arith.andi %get3A_330, %and3A_335 : vector<16xi32>
      tpu.vector_store_idx %arg11[%shift_right_logical3A_333, %and3A_336], %broadcast_in_dim3A_32 {add = true} : memref<80x128xf32, #tpu.memory_space<vmem>>[vector<16xi32>, vector<16xi32>], vector<16xf32>,
      %get3A_337 = arith.constant 2 : i32
      %get3A_338 = arith.index_cast %get3A_337 : i32 to index
      %get3A_339 = arith.constant 64 : index
      %get3A_340 = tpu.vector_load %arg8[%get3A_338, %get3A_339] {strides = array<i32>} : memref<8x128xi32, #tpu.memory_space<vmem>>, vector<16xi32>,
      %shift_right_logical3A_341 = arith.constant 7 : i32
      %shift_right_logical3A_342 = vector.broadcast %shift_right_logical3A_341 : i32 to vector<16xi32>
      %shift_right_logical3A_343 = arith.shrui %get3A_340, %shift_right_logical3A_342 : vector<16xi32>
      %and3A_344 = arith.constant 127 : i32
      %and3A_345 = vector.broadcast %and3A_344 : i32 to vector<16xi32>
      %and3A_346 = arith.andi %get3A_340, %and3A_345 : vector<16xi32>
      tpu.vector_store_idx %arg11[%shift_right_logical3A_343, %and3A_346], %broadcast_in_dim3A_32 {add = true} : memref<80x128xf32, #tpu.memory_space<vmem>>[vector<16xi32>, vector<16xi32>], vector<16xf32>,
      %get3A_347 = arith.constant 2 : i32
      %get3A_348 = arith.index_cast %get3A_347 : i32 to index
      %get3A_349 = arith.constant 80 : index
      %get3A_350 = tpu.vector_load %arg8[%get3A_348, %get3A_349] {strides = array<i32>} : memref<8x128xi32, #tpu.memory_space<vmem>>, vector<16xi32>,
      %shift_right_logical3A_351 = arith.constant 7 : i32
      %shift_right_logical3A_352 = vector.broadcast %shift_right_logical3A_351 : i32 to vector<16xi32>
      %shift_right_logical3A_353 = arith.shrui %get3A_350, %shift_right_logical3A_352 : vector<16xi32>
      %and3A_354 = arith.constant 127 : i32
      %and3A_355 = vector.broadcast %and3A_354 : i32 to vector<16xi32>
      %and3A_356 = arith.andi %get3A_350, %and3A_355 : vector<16xi32>
      tpu.vector_store_idx %arg11[%shift_right_logical3A_353, %and3A_356], %broadcast_in_dim3A_32 {add = true} : memref<80x128xf32, #tpu.memory_space<vmem>>[vector<16xi32>, vector<16xi32>], vector<16xf32>,
      %get3A_357 = arith.constant 2 : i32
      %get3A_358 = arith.index_cast %get3A_357 : i32 to index
      %get3A_359 = arith.constant 96 : index
      %get3A_360 = tpu.vector_load %arg8[%get3A_358, %get3A_359] {strides = array<i32>} : memref<8x128xi32, #tpu.memory_space<vmem>>, vector<16xi32>,
      %shift_right_logical3A_361 = arith.constant 7 : i32
      %shift_right_logical3A_362 = vector.broadcast %shift_right_logical3A_361 : i32 to vector<16xi32>
      %shift_right_logical3A_363 = arith.shrui %get3A_360, %shift_right_logical3A_362 : vector<16xi32>
      %and3A_364 = arith.constant 127 : i32
      %and3A_365 = vector.broadcast %and3A_364 : i32 to vector<16xi32>
      %and3A_366 = arith.andi %get3A_360, %and3A_365 : vector<16xi32>
      tpu.vector_store_idx %arg11[%shift_right_logical3A_363, %and3A_366], %broadcast_in_dim3A_32 {add = true} : memref<80x128xf32, #tpu.memory_space<vmem>>[vector<16xi32>, vector<16xi32>], vector<16xf32>,
      %get3A_367 = arith.constant 2 : i32
      %get3A_368 = arith.index_cast %get3A_367 : i32 to index
      %get3A_369 = arith.constant 112 : index
      %get3A_370 = tpu.vector_load %arg8[%get3A_368, %get3A_369] {strides = array<i32>} : memref<8x128xi32, #tpu.memory_space<vmem>>, vector<16xi32>,
      %shift_right_logical3A_371 = arith.constant 7 : i32
      %shift_right_logical3A_372 = vector.broadcast %shift_right_logical3A_371 : i32 to vector<16xi32>
      %shift_right_logical3A_373 = arith.shrui %get3A_370, %shift_right_logical3A_372 : vector<16xi32>
      %and3A_374 = arith.constant 127 : i32
      %and3A_375 = vector.broadcast %and3A_374 : i32 to vector<16xi32>
      %and3A_376 = arith.andi %get3A_370, %and3A_375 : vector<16xi32>
      tpu.vector_store_idx %arg11[%shift_right_logical3A_373, %and3A_376], %broadcast_in_dim3A_32 {add = true} : memref<80x128xf32, #tpu.memory_space<vmem>>[vector<16xi32>, vector<16xi32>], vector<16xf32>,
      %dma_wait3A_377 = arith.constant 2 : i32
      %dma_wait3A_378 = arith.constant 0 : i32
      %dma_wait3A_379 = tpu.memref_slice %arg7[%dma_wait3A_377, %dma_wait3A_378] : memref<8x128xi32, #tpu.memory_space<vmem>> -> memref<1x128xi32, #tpu.memory_space<vmem>>
      %dma_wait3A_380 = tpu.memref_squeeze %dma_wait3A_379 : memref<1x128xi32, #tpu.memory_space<vmem>> -> memref<128xi32, #tpu.memory_space<vmem>>
      %dma_wait3A_381 = arith.constant 0 : i32
      %dma_wait3A_382 = arith.constant 0 : i32
      %dma_wait3A_383 = tpu.memref_slice %arg2[%dma_wait3A_381, %dma_wait3A_382] : memref<10000x128xf32, #tpu.memory_space<hbm>> -> memref<10000x128xf32, #tpu.memory_space<hbm>>
      tpu.wait_indirect_dma semaphore(%arg13 : memref<!tpu.dma_semaphore, #tpu.memory_space<semaphore_mem>>) src(%dma_wait3A_383 : memref<10000x128xf32, #tpu.memory_space<hbm>>) dst(%arg9 : memref<128x128xf32, #tpu.memory_space<vmem>>)
      %run_scoped3A_384 = arith.constant 2 : i32
      "tpu.region"() ({
        %run_scoped3A_853 = tpu.sem_alloc : memref<!tpu.dma_semaphore, #tpu.memory_space<semaphore_mem>>
        %dma_start3A_854 = arith.constant 0 : i32
        %dma_start3A_855 = tpu.memref_slice %arg8[%run_scoped3A_384, %dma_start3A_854] : memref<8x128xi32, #tpu.memory_space<vmem>> -> memref<1x128xi32, #tpu.memory_space<vmem>>
        %dma_start3A_856 = tpu.memref_squeeze %dma_start3A_855 : memref<1x128xi32, #tpu.memory_space<vmem>> -> memref<128xi32, #tpu.memory_space<vmem>>
        %dma_start3A_857 = arith.constant 0 : i32
        %dma_start3A_858 = arith.constant 0 : i32
        %dma_start3A_859 = tpu.memref_slice %arg12[%dma_start3A_857, %dma_start3A_858] : memref<10240x128xf32, #tpu.memory_space<vmem_shared>> -> memref<10240x128xf32, #tpu.memory_space<vmem_shared>>
        tpu.enqueue_indirect_dma source(%arg9 : memref<128x128xf32, #tpu.memory_space<vmem>>) target(%dma_start3A_859 : memref<10240x128xf32, #tpu.memory_space<vmem_shared>>) offsets(%dma_start3A_856 : memref<128xi32, #tpu.memory_space<vmem>>) semaphore(%run_scoped3A_853 : memref<!tpu.dma_semaphore, #tpu.memory_space<semaphore_mem>>) {add = true}
        %dma_wait3A_860 = arith.constant 0 : i32
        %dma_wait3A_861 = tpu.memref_slice %arg8[%run_scoped3A_384, %dma_wait3A_860] : memref<8x128xi32, #tpu.memory_space<vmem>> -> memref<1x128xi32, #tpu.memory_space<vmem>>
        %dma_wait3A_862 = tpu.memref_squeeze %dma_wait3A_861 : memref<1x128xi32, #tpu.memory_space<vmem>> -> memref<128xi32, #tpu.memory_space<vmem>>
        %dma_wait3A_863 = arith.constant 0 : i32
        %dma_wait3A_864 = arith.constant 0 : i32
        %dma_wait3A_865 = tpu.memref_slice %arg12[%dma_wait3A_863, %dma_wait3A_864] : memref<10240x128xf32, #tpu.memory_space<vmem_shared>> -> memref<10240x128xf32, #tpu.memory_space<vmem_shared>>
        tpu.wait_indirect_dma semaphore(%run_scoped3A_853 : memref<!tpu.dma_semaphore, #tpu.memory_space<semaphore_mem>>) src(%arg9 : memref<128x128xf32, #tpu.memory_space<vmem>>) dst(%dma_wait3A_865 : memref<10240x128xf32, #tpu.memory_space<vmem_shared>>)
        tpu.yield
      }) : () -> ()
      %dma_start3A_385 = arith.constant 4 : i32
      %dma_start3A_386 = arith.constant 0 : i32
      %dma_start3A_387 = tpu.memref_slice %arg7[%dma_start3A_385, %dma_start3A_386] : memref<8x128xi32, #tpu.memory_space<vmem>> -> memref<1x128xi32, #tpu.memory_space<vmem>>
      %dma_start3A_388 = tpu.memref_squeeze %dma_start3A_387 : memref<1x128xi32, #tpu.memory_space<vmem>> -> memref<128xi32, #tpu.memory_space<vmem>>
      %dma_start3A_389 = arith.constant 0 : i32
      %dma_start3A_390 = arith.constant 0 : i32
      %dma_start3A_391 = tpu.memref_slice %arg2[%dma_start3A_389, %dma_start3A_390] : memref<10000x128xf32, #tpu.memory_space<hbm>> -> memref<10000x128xf32, #tpu.memory_space<hbm>>
      tpu.enqueue_indirect_dma source(%dma_start3A_391 : memref<10000x128xf32, #tpu.memory_space<hbm>>) target(%arg9 : memref<128x128xf32, #tpu.memory_space<vmem>>) offsets(%dma_start3A_388 : memref<128xi32, #tpu.memory_space<vmem>>) semaphore(%arg13 : memref<!tpu.dma_semaphore, #tpu.memory_space<semaphore_mem>>)
      %get3A_392 = arith.constant 3 : i32
      %get3A_393 = arith.index_cast %get3A_392 : i32 to index
      %get3A_394 = arith.constant 0 : index
      %get3A_395 = tpu.vector_load %arg8[%get3A_393, %get3A_394] {strides = array<i32>} : memref<8x128xi32, #tpu.memory_space<vmem>>, vector<16xi32>,
      %shift_right_logical3A_396 = arith.constant 7 : i32
      %shift_right_logical3A_397 = vector.broadcast %shift_right_logical3A_396 : i32 to vector<16xi32>
      %shift_right_logical3A_398 = arith.shrui %get3A_395, %shift_right_logical3A_397 : vector<16xi32>
      %and3A_399 = arith.constant 127 : i32
      %and3A_400 = vector.broadcast %and3A_399 : i32 to vector<16xi32>
      %and3A_401 = arith.andi %get3A_395, %and3A_400 : vector<16xi32>
      tpu.vector_store_idx %arg11[%shift_right_logical3A_398, %and3A_401], %broadcast_in_dim3A_32 {add = true} : memref<80x128xf32, #tpu.memory_space<vmem>>[vector<16xi32>, vector<16xi32>], vector<16xf32>,
      %get3A_402 = arith.constant 3 : i32
      %get3A_403 = arith.index_cast %get3A_402 : i32 to index
      %get3A_404 = arith.constant 16 : index
      %get3A_405 = tpu.vector_load %arg8[%get3A_403, %get3A_404] {strides = array<i32>} : memref<8x128xi32, #tpu.memory_space<vmem>>, vector<16xi32>,
      %shift_right_logical3A_406 = arith.constant 7 : i32
      %shift_right_logical3A_407 = vector.broadcast %shift_right_logical3A_406 : i32 to vector<16xi32>
      %shift_right_logical3A_408 = arith.shrui %get3A_405, %shift_right_logical3A_407 : vector<16xi32>
      %and3A_409 = arith.constant 127 : i32
      %and3A_410 = vector.broadcast %and3A_409 : i32 to vector<16xi32>
      %and3A_411 = arith.andi %get3A_405, %and3A_410 : vector<16xi32>
      tpu.vector_store_idx %arg11[%shift_right_logical3A_408, %and3A_411], %broadcast_in_dim3A_32 {add = true} : memref<80x128xf32, #tpu.memory_space<vmem>>[vector<16xi32>, vector<16xi32>], vector<16xf32>,
      %get3A_412 = arith.constant 3 : i32
      %get3A_413 = arith.index_cast %get3A_412 : i32 to index
      %get3A_414 = arith.constant 32 : index
      %get3A_415 = tpu.vector_load %arg8[%get3A_413, %get3A_414] {strides = array<i32>} : memref<8x128xi32, #tpu.memory_space<vmem>>, vector<16xi32>,
      %shift_right_logical3A_416 = arith.constant 7 : i32
      %shift_right_logical3A_417 = vector.broadcast %shift_right_logical3A_416 : i32 to vector<16xi32>
      %shift_right_logical3A_418 = arith.shrui %get3A_415, %shift_right_logical3A_417 : vector<16xi32>
      %and3A_419 = arith.constant 127 : i32
      %and3A_420 = vector.broadcast %and3A_419 : i32 to vector<16xi32>
      %and3A_421 = arith.andi %get3A_415, %and3A_420 : vector<16xi32>
      tpu.vector_store_idx %arg11[%shift_right_logical3A_418, %and3A_421], %broadcast_in_dim3A_32 {add = true} : memref<80x128xf32, #tpu.memory_space<vmem>>[vector<16xi32>, vector<16xi32>], vector<16xf32>,
      %get3A_422 = arith.constant 3 : i32
      %get3A_423 = arith.index_cast %get3A_422 : i32 to index
      %get3A_424 = arith.constant 48 : index
      %get3A_425 = tpu.vector_load %arg8[%get3A_423, %get3A_424] {strides = array<i32>} : memref<8x128xi32, #tpu.memory_space<vmem>>, vector<16xi32>,
      %shift_right_logical3A_426 = arith.constant 7 : i32
      %shift_right_logical3A_427 = vector.broadcast %shift_right_logical3A_426 : i32 to vector<16xi32>
      %shift_right_logical3A_428 = arith.shrui %get3A_425, %shift_right_logical3A_427 : vector<16xi32>
      %and3A_429 = arith.constant 127 : i32
      %and3A_430 = vector.broadcast %and3A_429 : i32 to vector<16xi32>
      %and3A_431 = arith.andi %get3A_425, %and3A_430 : vector<16xi32>
      tpu.vector_store_idx %arg11[%shift_right_logical3A_428, %and3A_431], %broadcast_in_dim3A_32 {add = true} : memref<80x128xf32, #tpu.memory_space<vmem>>[vector<16xi32>, vector<16xi32>], vector<16xf32>,
      %get3A_432 = arith.constant 3 : i32
      %get3A_433 = arith.index_cast %get3A_432 : i32 to index
      %get3A_434 = arith.constant 64 : index
      %get3A_435 = tpu.vector_load %arg8[%get3A_433, %get3A_434] {strides = array<i32>} : memref<8x128xi32, #tpu.memory_space<vmem>>, vector<16xi32>,
      %shift_right_logical3A_436 = arith.constant 7 : i32
      %shift_right_logical3A_437 = vector.broadcast %shift_right_logical3A_436 : i32 to vector<16xi32>
      %shift_right_logical3A_438 = arith.shrui %get3A_435, %shift_right_logical3A_437 : vector<16xi32>
      %and3A_439 = arith.constant 127 : i32
      %and3A_440 = vector.broadcast %and3A_439 : i32 to vector<16xi32>
      %and3A_441 = arith.andi %get3A_435, %and3A_440 : vector<16xi32>
      tpu.vector_store_idx %arg11[%shift_right_logical3A_438, %and3A_441], %broadcast_in_dim3A_32 {add = true} : memref<80x128xf32, #tpu.memory_space<vmem>>[vector<16xi32>, vector<16xi32>], vector<16xf32>,
      %get3A_442 = arith.constant 3 : i32
      %get3A_443 = arith.index_cast %get3A_442 : i32 to index
      %get3A_444 = arith.constant 80 : index
      %get3A_445 = tpu.vector_load %arg8[%get3A_443, %get3A_444] {strides = array<i32>} : memref<8x128xi32, #tpu.memory_space<vmem>>, vector<16xi32>,
      %shift_right_logical3A_446 = arith.constant 7 : i32
      %shift_right_logical3A_447 = vector.broadcast %shift_right_logical3A_446 : i32 to vector<16xi32>
      %shift_right_logical3A_448 = arith.shrui %get3A_445, %shift_right_logical3A_447 : vector<16xi32>
      %and3A_449 = arith.constant 127 : i32
      %and3A_450 = vector.broadcast %and3A_449 : i32 to vector<16xi32>
      %and3A_451 = arith.andi %get3A_445, %and3A_450 : vector<16xi32>
      tpu.vector_store_idx %arg11[%shift_right_logical3A_448, %and3A_451], %broadcast_in_dim3A_32 {add = true} : memref<80x128xf32, #tpu.memory_space<vmem>>[vector<16xi32>, vector<16xi32>], vector<16xf32>,
      %get3A_452 = arith.constant 3 : i32
      %get3A_453 = arith.index_cast %get3A_452 : i32 to index
      %get3A_454 = arith.constant 96 : index
      %get3A_455 = tpu.vector_load %arg8[%get3A_453, %get3A_454] {strides = array<i32>} : memref<8x128xi32, #tpu.memory_space<vmem>>, vector<16xi32>,
      %shift_right_logical3A_456 = arith.constant 7 : i32
      %shift_right_logical3A_457 = vector.broadcast %shift_right_logical3A_456 : i32 to vector<16xi32>
      %shift_right_logical3A_458 = arith.shrui %get3A_455, %shift_right_logical3A_457 : vector<16xi32>
      %and3A_459 = arith.constant 127 : i32
      %and3A_460 = vector.broadcast %and3A_459 : i32 to vector<16xi32>
      %and3A_461 = arith.andi %get3A_455, %and3A_460 : vector<16xi32>
      tpu.vector_store_idx %arg11[%shift_right_logical3A_458, %and3A_461], %broadcast_in_dim3A_32 {add = true} : memref<80x128xf32, #tpu.memory_space<vmem>>[vector<16xi32>, vector<16xi32>], vector<16xf32>,
      %get3A_462 = arith.constant 3 : i32
      %get3A_463 = arith.index_cast %get3A_462 : i32 to index
      %get3A_464 = arith.constant 112 : index
      %get3A_465 = tpu.vector_load %arg8[%get3A_463, %get3A_464] {strides = array<i32>} : memref<8x128xi32, #tpu.memory_space<vmem>>, vector<16xi32>,
      %shift_right_logical3A_466 = arith.constant 7 : i32
      %shift_right_logical3A_467 = vector.broadcast %shift_right_logical3A_466 : i32 to vector<16xi32>
      %shift_right_logical3A_468 = arith.shrui %get3A_465, %shift_right_logical3A_467 : vector<16xi32>
      %and3A_469 = arith.constant 127 : i32
      %and3A_470 = vector.broadcast %and3A_469 : i32 to vector<16xi32>
      %and3A_471 = arith.andi %get3A_465, %and3A_470 : vector<16xi32>
      tpu.vector_store_idx %arg11[%shift_right_logical3A_468, %and3A_471], %broadcast_in_dim3A_32 {add = true} : memref<80x128xf32, #tpu.memory_space<vmem>>[vector<16xi32>, vector<16xi32>], vector<16xf32>,
      %dma_wait3A_472 = arith.constant 3 : i32
      %dma_wait3A_473 = arith.constant 0 : i32
      %dma_wait3A_474 = tpu.memref_slice %arg7[%dma_wait3A_472, %dma_wait3A_473] : memref<8x128xi32, #tpu.memory_space<vmem>> -> memref<1x128xi32, #tpu.memory_space<vmem>>
      %dma_wait3A_475 = tpu.memref_squeeze %dma_wait3A_474 : memref<1x128xi32, #tpu.memory_space<vmem>> -> memref<128xi32, #tpu.memory_space<vmem>>
      %dma_wait3A_476 = arith.constant 0 : i32
      %dma_wait3A_477 = arith.constant 0 : i32
      %dma_wait3A_478 = tpu.memref_slice %arg2[%dma_wait3A_476, %dma_wait3A_477] : memref<10000x128xf32, #tpu.memory_space<hbm>> -> memref<10000x128xf32, #tpu.memory_space<hbm>>
      tpu.wait_indirect_dma semaphore(%arg14 : memref<!tpu.dma_semaphore, #tpu.memory_space<semaphore_mem>>) src(%dma_wait3A_478 : memref<10000x128xf32, #tpu.memory_space<hbm>>) dst(%arg10 : memref<128x128xf32, #tpu.memory_space<vmem>>)
      %run_scoped3A_479 = arith.constant 3 : i32
      "tpu.region"() ({
        %run_scoped3A_853 = tpu.sem_alloc : memref<!tpu.dma_semaphore, #tpu.memory_space<semaphore_mem>>
        %dma_start3A_854 = arith.constant 0 : i32
        %dma_start3A_855 = tpu.memref_slice %arg8[%run_scoped3A_479, %dma_start3A_854] : memref<8x128xi32, #tpu.memory_space<vmem>> -> memref<1x128xi32, #tpu.memory_space<vmem>>
        %dma_start3A_856 = tpu.memref_squeeze %dma_start3A_855 : memref<1x128xi32, #tpu.memory_space<vmem>> -> memref<128xi32, #tpu.memory_space<vmem>>
        %dma_start3A_857 = arith.constant 0 : i32
        %dma_start3A_858 = arith.constant 0 : i32
        %dma_start3A_859 = tpu.memref_slice %arg12[%dma_start3A_857, %dma_start3A_858] : memref<10240x128xf32, #tpu.memory_space<vmem_shared>> -> memref<10240x128xf32, #tpu.memory_space<vmem_shared>>
        tpu.enqueue_indirect_dma source(%arg10 : memref<128x128xf32, #tpu.memory_space<vmem>>) target(%dma_start3A_859 : memref<10240x128xf32, #tpu.memory_space<vmem_shared>>) offsets(%dma_start3A_856 : memref<128xi32, #tpu.memory_space<vmem>>) semaphore(%run_scoped3A_853 : memref<!tpu.dma_semaphore, #tpu.memory_space<semaphore_mem>>) {add = true}
        %dma_wait3A_860 = arith.constant 0 : i32
        %dma_wait3A_861 = tpu.memref_slice %arg8[%run_scoped3A_479, %dma_wait3A_860] : memref<8x128xi32, #tpu.memory_space<vmem>> -> memref<1x128xi32, #tpu.memory_space<vmem>>
        %dma_wait3A_862 = tpu.memref_squeeze %dma_wait3A_861 : memref<1x128xi32, #tpu.memory_space<vmem>> -> memref<128xi32, #tpu.memory_space<vmem>>
        %dma_wait3A_863 = arith.constant 0 : i32
        %dma_wait3A_864 = arith.constant 0 : i32
        %dma_wait3A_865 = tpu.memref_slice %arg12[%dma_wait3A_863, %dma_wait3A_864] : memref<10240x128xf32, #tpu.memory_space<vmem_shared>> -> memref<10240x128xf32, #tpu.memory_space<vmem_shared>>
        tpu.wait_indirect_dma semaphore(%run_scoped3A_853 : memref<!tpu.dma_semaphore, #tpu.memory_space<semaphore_mem>>) src(%arg10 : memref<128x128xf32, #tpu.memory_space<vmem>>) dst(%dma_wait3A_865 : memref<10240x128xf32, #tpu.memory_space<vmem_shared>>)
        tpu.yield
      }) : () -> ()
      %dma_start3A_480 = arith.constant 5 : i32
      %dma_start3A_481 = arith.constant 0 : i32
      %dma_start3A_482 = tpu.memref_slice %arg7[%dma_start3A_480, %dma_start3A_481] : memref<8x128xi32, #tpu.memory_space<vmem>> -> memref<1x128xi32, #tpu.memory_space<vmem>>
      %dma_start3A_483 = tpu.memref_squeeze %dma_start3A_482 : memref<1x128xi32, #tpu.memory_space<vmem>> -> memref<128xi32, #tpu.memory_space<vmem>>
      %dma_start3A_484 = arith.constant 0 : i32
      %dma_start3A_485 = arith.constant 0 : i32
      %dma_start3A_486 = tpu.memref_slice %arg2[%dma_start3A_484, %dma_start3A_485] : memref<10000x128xf32, #tpu.memory_space<hbm>> -> memref<10000x128xf32, #tpu.memory_space<hbm>>
      tpu.enqueue_indirect_dma source(%dma_start3A_486 : memref<10000x128xf32, #tpu.memory_space<hbm>>) target(%arg10 : memref<128x128xf32, #tpu.memory_space<vmem>>) offsets(%dma_start3A_483 : memref<128xi32, #tpu.memory_space<vmem>>) semaphore(%arg14 : memref<!tpu.dma_semaphore, #tpu.memory_space<semaphore_mem>>)
      %get3A_487 = arith.constant 4 : i32
      %get3A_488 = arith.index_cast %get3A_487 : i32 to index
      %get3A_489 = arith.constant 0 : index
      %get3A_490 = tpu.vector_load %arg8[%get3A_488, %get3A_489] {strides = array<i32>} : memref<8x128xi32, #tpu.memory_space<vmem>>, vector<16xi32>,
      %shift_right_logical3A_491 = arith.constant 7 : i32
      %shift_right_logical3A_492 = vector.broadcast %shift_right_logical3A_491 : i32 to vector<16xi32>
      %shift_right_logical3A_493 = arith.shrui %get3A_490, %shift_right_logical3A_492 : vector<16xi32>
      %and3A_494 = arith.constant 127 : i32
      %and3A_495 = vector.broadcast %and3A_494 : i32 to vector<16xi32>
      %and3A_496 = arith.andi %get3A_490, %and3A_495 : vector<16xi32>
      tpu.vector_store_idx %arg11[%shift_right_logical3A_493, %and3A_496], %broadcast_in_dim3A_32 {add = true} : memref<80x128xf32, #tpu.memory_space<vmem>>[vector<16xi32>, vector<16xi32>], vector<16xf32>,
      %get3A_497 = arith.constant 4 : i32
      %get3A_498 = arith.index_cast %get3A_497 : i32 to index
      %get3A_499 = arith.constant 16 : index
      %get3A_500 = tpu.vector_load %arg8[%get3A_498, %get3A_499] {strides = array<i32>} : memref<8x128xi32, #tpu.memory_space<vmem>>, vector<16xi32>,
      %shift_right_logical3A_501 = arith.constant 7 : i32
      %shift_right_logical3A_502 = vector.broadcast %shift_right_logical3A_501 : i32 to vector<16xi32>
      %shift_right_logical3A_503 = arith.shrui %get3A_500, %shift_right_logical3A_502 : vector<16xi32>
      %and3A_504 = arith.constant 127 : i32
      %and3A_505 = vector.broadcast %and3A_504 : i32 to vector<16xi32>
      %and3A_506 = arith.andi %get3A_500, %and3A_505 : vector<16xi32>
      tpu.vector_store_idx %arg11[%shift_right_logical3A_503, %and3A_506], %broadcast_in_dim3A_32 {add = true} : memref<80x128xf32, #tpu.memory_space<vmem>>[vector<16xi32>, vector<16xi32>], vector<16xf32>,
      %get3A_507 = arith.constant 4 : i32
      %get3A_508 = arith.index_cast %get3A_507 : i32 to index
      %get3A_509 = arith.constant 32 : index
      %get3A_510 = tpu.vector_load %arg8[%get3A_508, %get3A_509] {strides = array<i32>} : memref<8x128xi32, #tpu.memory_space<vmem>>, vector<16xi32>,
      %shift_right_logical3A_511 = arith.constant 7 : i32
      %shift_right_logical3A_512 = vector.broadcast %shift_right_logical3A_511 : i32 to vector<16xi32>
      %shift_right_logical3A_513 = arith.shrui %get3A_510, %shift_right_logical3A_512 : vector<16xi32>
      %and3A_514 = arith.constant 127 : i32
      %and3A_515 = vector.broadcast %and3A_514 : i32 to vector<16xi32>
      %and3A_516 = arith.andi %get3A_510, %and3A_515 : vector<16xi32>
      tpu.vector_store_idx %arg11[%shift_right_logical3A_513, %and3A_516], %broadcast_in_dim3A_32 {add = true} : memref<80x128xf32, #tpu.memory_space<vmem>>[vector<16xi32>, vector<16xi32>], vector<16xf32>,
      %get3A_517 = arith.constant 4 : i32
      %get3A_518 = arith.index_cast %get3A_517 : i32 to index
      %get3A_519 = arith.constant 48 : index
      %get3A_520 = tpu.vector_load %arg8[%get3A_518, %get3A_519] {strides = array<i32>} : memref<8x128xi32, #tpu.memory_space<vmem>>, vector<16xi32>,
      %shift_right_logical3A_521 = arith.constant 7 : i32
      %shift_right_logical3A_522 = vector.broadcast %shift_right_logical3A_521 : i32 to vector<16xi32>
      %shift_right_logical3A_523 = arith.shrui %get3A_520, %shift_right_logical3A_522 : vector<16xi32>
      %and3A_524 = arith.constant 127 : i32
      %and3A_525 = vector.broadcast %and3A_524 : i32 to vector<16xi32>
      %and3A_526 = arith.andi %get3A_520, %and3A_525 : vector<16xi32>
      tpu.vector_store_idx %arg11[%shift_right_logical3A_523, %and3A_526], %broadcast_in_dim3A_32 {add = true} : memref<80x128xf32, #tpu.memory_space<vmem>>[vector<16xi32>, vector<16xi32>], vector<16xf32>,
      %get3A_527 = arith.constant 4 : i32
      %get3A_528 = arith.index_cast %get3A_527 : i32 to index
      %get3A_529 = arith.constant 64 : index
      %get3A_530 = tpu.vector_load %arg8[%get3A_528, %get3A_529] {strides = array<i32>} : memref<8x128xi32, #tpu.memory_space<vmem>>, vector<16xi32>,
      %shift_right_logical3A_531 = arith.constant 7 : i32
      %shift_right_logical3A_532 = vector.broadcast %shift_right_logical3A_531 : i32 to vector<16xi32>
      %shift_right_logical3A_533 = arith.shrui %get3A_530, %shift_right_logical3A_532 : vector<16xi32>
      %and3A_534 = arith.constant 127 : i32
      %and3A_535 = vector.broadcast %and3A_534 : i32 to vector<16xi32>
      %and3A_536 = arith.andi %get3A_530, %and3A_535 : vector<16xi32>
      tpu.vector_store_idx %arg11[%shift_right_logical3A_533, %and3A_536], %broadcast_in_dim3A_32 {add = true} : memref<80x128xf32, #tpu.memory_space<vmem>>[vector<16xi32>, vector<16xi32>], vector<16xf32>,
      %get3A_537 = arith.constant 4 : i32
      %get3A_538 = arith.index_cast %get3A_537 : i32 to index
      %get3A_539 = arith.constant 80 : index
      %get3A_540 = tpu.vector_load %arg8[%get3A_538, %get3A_539] {strides = array<i32>} : memref<8x128xi32, #tpu.memory_space<vmem>>, vector<16xi32>,
      %shift_right_logical3A_541 = arith.constant 7 : i32
      %shift_right_logical3A_542 = vector.broadcast %shift_right_logical3A_541 : i32 to vector<16xi32>
      %shift_right_logical3A_543 = arith.shrui %get3A_540, %shift_right_logical3A_542 : vector<16xi32>
      %and3A_544 = arith.constant 127 : i32
      %and3A_545 = vector.broadcast %and3A_544 : i32 to vector<16xi32>
      %and3A_546 = arith.andi %get3A_540, %and3A_545 : vector<16xi32>
      tpu.vector_store_idx %arg11[%shift_right_logical3A_543, %and3A_546], %broadcast_in_dim3A_32 {add = true} : memref<80x128xf32, #tpu.memory_space<vmem>>[vector<16xi32>, vector<16xi32>], vector<16xf32>,
      %get3A_547 = arith.constant 4 : i32
      %get3A_548 = arith.index_cast %get3A_547 : i32 to index
      %get3A_549 = arith.constant 96 : index
      %get3A_550 = tpu.vector_load %arg8[%get3A_548, %get3A_549] {strides = array<i32>} : memref<8x128xi32, #tpu.memory_space<vmem>>, vector<16xi32>,
      %shift_right_logical3A_551 = arith.constant 7 : i32
      %shift_right_logical3A_552 = vector.broadcast %shift_right_logical3A_551 : i32 to vector<16xi32>
      %shift_right_logical3A_553 = arith.shrui %get3A_550, %shift_right_logical3A_552 : vector<16xi32>
      %and3A_554 = arith.constant 127 : i32
      %and3A_555 = vector.broadcast %and3A_554 : i32 to vector<16xi32>
      %and3A_556 = arith.andi %get3A_550, %and3A_555 : vector<16xi32>
      tpu.vector_store_idx %arg11[%shift_right_logical3A_553, %and3A_556], %broadcast_in_dim3A_32 {add = true} : memref<80x128xf32, #tpu.memory_space<vmem>>[vector<16xi32>, vector<16xi32>], vector<16xf32>,
      %get3A_557 = arith.constant 4 : i32
      %get3A_558 = arith.index_cast %get3A_557 : i32 to index
      %get3A_559 = arith.constant 112 : index
      %get3A_560 = tpu.vector_load %arg8[%get3A_558, %get3A_559] {strides = array<i32>} : memref<8x128xi32, #tpu.memory_space<vmem>>, vector<16xi32>,
      %shift_right_logical3A_561 = arith.constant 7 : i32
      %shift_right_logical3A_562 = vector.broadcast %shift_right_logical3A_561 : i32 to vector<16xi32>
      %shift_right_logical3A_563 = arith.shrui %get3A_560, %shift_right_logical3A_562 : vector<16xi32>
      %and3A_564 = arith.constant 127 : i32
      %and3A_565 = vector.broadcast %and3A_564 : i32 to vector<16xi32>
      %and3A_566 = arith.andi %get3A_560, %and3A_565 : vector<16xi32>
      tpu.vector_store_idx %arg11[%shift_right_logical3A_563, %and3A_566], %broadcast_in_dim3A_32 {add = true} : memref<80x128xf32, #tpu.memory_space<vmem>>[vector<16xi32>, vector<16xi32>], vector<16xf32>,
      %dma_wait3A_567 = arith.constant 4 : i32
      %dma_wait3A_568 = arith.constant 0 : i32
      %dma_wait3A_569 = tpu.memref_slice %arg7[%dma_wait3A_567, %dma_wait3A_568] : memref<8x128xi32, #tpu.memory_space<vmem>> -> memref<1x128xi32, #tpu.memory_space<vmem>>
      %dma_wait3A_570 = tpu.memref_squeeze %dma_wait3A_569 : memref<1x128xi32, #tpu.memory_space<vmem>> -> memref<128xi32, #tpu.memory_space<vmem>>
      %dma_wait3A_571 = arith.constant 0 : i32
      %dma_wait3A_572 = arith.constant 0 : i32
      %dma_wait3A_573 = tpu.memref_slice %arg2[%dma_wait3A_571, %dma_wait3A_572] : memref<10000x128xf32, #tpu.memory_space<hbm>> -> memref<10000x128xf32, #tpu.memory_space<hbm>>
      tpu.wait_indirect_dma semaphore(%arg13 : memref<!tpu.dma_semaphore, #tpu.memory_space<semaphore_mem>>) src(%dma_wait3A_573 : memref<10000x128xf32, #tpu.memory_space<hbm>>) dst(%arg9 : memref<128x128xf32, #tpu.memory_space<vmem>>)
      %run_scoped3A_574 = arith.constant 4 : i32
      "tpu.region"() ({
        %run_scoped3A_853 = tpu.sem_alloc : memref<!tpu.dma_semaphore, #tpu.memory_space<semaphore_mem>>
        %dma_start3A_854 = arith.constant 0 : i32
        %dma_start3A_855 = tpu.memref_slice %arg8[%run_scoped3A_574, %dma_start3A_854] : memref<8x128xi32, #tpu.memory_space<vmem>> -> memref<1x128xi32, #tpu.memory_space<vmem>>
        %dma_start3A_856 = tpu.memref_squeeze %dma_start3A_855 : memref<1x128xi32, #tpu.memory_space<vmem>> -> memref<128xi32, #tpu.memory_space<vmem>>
        %dma_start3A_857 = arith.constant 0 : i32
        %dma_start3A_858 = arith.constant 0 : i32
        %dma_start3A_859 = tpu.memref_slice %arg12[%dma_start3A_857, %dma_start3A_858] : memref<10240x128xf32, #tpu.memory_space<vmem_shared>> -> memref<10240x128xf32, #tpu.memory_space<vmem_shared>>
        tpu.enqueue_indirect_dma source(%arg9 : memref<128x128xf32, #tpu.memory_space<vmem>>) target(%dma_start3A_859 : memref<10240x128xf32, #tpu.memory_space<vmem_shared>>) offsets(%dma_start3A_856 : memref<128xi32, #tpu.memory_space<vmem>>) semaphore(%run_scoped3A_853 : memref<!tpu.dma_semaphore, #tpu.memory_space<semaphore_mem>>) {add = true}
        %dma_wait3A_860 = arith.constant 0 : i32
        %dma_wait3A_861 = tpu.memref_slice %arg8[%run_scoped3A_574, %dma_wait3A_860] : memref<8x128xi32, #tpu.memory_space<vmem>> -> memref<1x128xi32, #tpu.memory_space<vmem>>
        %dma_wait3A_862 = tpu.memref_squeeze %dma_wait3A_861 : memref<1x128xi32, #tpu.memory_space<vmem>> -> memref<128xi32, #tpu.memory_space<vmem>>
        %dma_wait3A_863 = arith.constant 0 : i32
        %dma_wait3A_864 = arith.constant 0 : i32
        %dma_wait3A_865 = tpu.memref_slice %arg12[%dma_wait3A_863, %dma_wait3A_864] : memref<10240x128xf32, #tpu.memory_space<vmem_shared>> -> memref<10240x128xf32, #tpu.memory_space<vmem_shared>>
        tpu.wait_indirect_dma semaphore(%run_scoped3A_853 : memref<!tpu.dma_semaphore, #tpu.memory_space<semaphore_mem>>) src(%arg9 : memref<128x128xf32, #tpu.memory_space<vmem>>) dst(%dma_wait3A_865 : memref<10240x128xf32, #tpu.memory_space<vmem_shared>>)
        tpu.yield
      }) : () -> ()
      %dma_start3A_575 = arith.constant 6 : i32
      %dma_start3A_576 = arith.constant 0 : i32
      %dma_start3A_577 = tpu.memref_slice %arg7[%dma_start3A_575, %dma_start3A_576] : memref<8x128xi32, #tpu.memory_space<vmem>> -> memref<1x128xi32, #tpu.memory_space<vmem>>
      %dma_start3A_578 = tpu.memref_squeeze %dma_start3A_577 : memref<1x128xi32, #tpu.memory_space<vmem>> -> memref<128xi32, #tpu.memory_space<vmem>>
      %dma_start3A_579 = arith.constant 0 : i32
      %dma_start3A_580 = arith.constant 0 : i32
      %dma_start3A_581 = tpu.memref_slice %arg2[%dma_start3A_579, %dma_start3A_580] : memref<10000x128xf32, #tpu.memory_space<hbm>> -> memref<10000x128xf32, #tpu.memory_space<hbm>>
      tpu.enqueue_indirect_dma source(%dma_start3A_581 : memref<10000x128xf32, #tpu.memory_space<hbm>>) target(%arg9 : memref<128x128xf32, #tpu.memory_space<vmem>>) offsets(%dma_start3A_578 : memref<128xi32, #tpu.memory_space<vmem>>) semaphore(%arg13 : memref<!tpu.dma_semaphore, #tpu.memory_space<semaphore_mem>>)
      %get3A_582 = arith.constant 5 : i32
      %get3A_583 = arith.index_cast %get3A_582 : i32 to index
      %get3A_584 = arith.constant 0 : index
      %get3A_585 = tpu.vector_load %arg8[%get3A_583, %get3A_584] {strides = array<i32>} : memref<8x128xi32, #tpu.memory_space<vmem>>, vector<16xi32>,
      %shift_right_logical3A_586 = arith.constant 7 : i32
      %shift_right_logical3A_587 = vector.broadcast %shift_right_logical3A_586 : i32 to vector<16xi32>
      %shift_right_logical3A_588 = arith.shrui %get3A_585, %shift_right_logical3A_587 : vector<16xi32>
      %and3A_589 = arith.constant 127 : i32
      %and3A_590 = vector.broadcast %and3A_589 : i32 to vector<16xi32>
      %and3A_591 = arith.andi %get3A_585, %and3A_590 : vector<16xi32>
      tpu.vector_store_idx %arg11[%shift_right_logical3A_588, %and3A_591], %broadcast_in_dim3A_32 {add = true} : memref<80x128xf32, #tpu.memory_space<vmem>>[vector<16xi32>, vector<16xi32>], vector<16xf32>,
      %get3A_592 = arith.constant 5 : i32
      %get3A_593 = arith.index_cast %get3A_592 : i32 to index
      %get3A_594 = arith.constant 16 : index
      %get3A_595 = tpu.vector_load %arg8[%get3A_593, %get3A_594] {strides = array<i32>} : memref<8x128xi32, #tpu.memory_space<vmem>>, vector<16xi32>,
      %shift_right_logical3A_596 = arith.constant 7 : i32
      %shift_right_logical3A_597 = vector.broadcast %shift_right_logical3A_596 : i32 to vector<16xi32>
      %shift_right_logical3A_598 = arith.shrui %get3A_595, %shift_right_logical3A_597 : vector<16xi32>
      %and3A_599 = arith.constant 127 : i32
      %and3A_600 = vector.broadcast %and3A_599 : i32 to vector<16xi32>
      %and3A_601 = arith.andi %get3A_595, %and3A_600 : vector<16xi32>
      tpu.vector_store_idx %arg11[%shift_right_logical3A_598, %and3A_601], %broadcast_in_dim3A_32 {add = true} : memref<80x128xf32, #tpu.memory_space<vmem>>[vector<16xi32>, vector<16xi32>], vector<16xf32>,
      %get3A_602 = arith.constant 5 : i32
      %get3A_603 = arith.index_cast %get3A_602 : i32 to index
      %get3A_604 = arith.constant 32 : index
      %get3A_605 = tpu.vector_load %arg8[%get3A_603, %get3A_604] {strides = array<i32>} : memref<8x128xi32, #tpu.memory_space<vmem>>, vector<16xi32>,
      %shift_right_logical3A_606 = arith.constant 7 : i32
      %shift_right_logical3A_607 = vector.broadcast %shift_right_logical3A_606 : i32 to vector<16xi32>
      %shift_right_logical3A_608 = arith.shrui %get3A_605, %shift_right_logical3A_607 : vector<16xi32>
      %and3A_609 = arith.constant 127 : i32
      %and3A_610 = vector.broadcast %and3A_609 : i32 to vector<16xi32>
      %and3A_611 = arith.andi %get3A_605, %and3A_610 : vector<16xi32>
      tpu.vector_store_idx %arg11[%shift_right_logical3A_608, %and3A_611], %broadcast_in_dim3A_32 {add = true} : memref<80x128xf32, #tpu.memory_space<vmem>>[vector<16xi32>, vector<16xi32>], vector<16xf32>,
      %get3A_612 = arith.constant 5 : i32
      %get3A_613 = arith.index_cast %get3A_612 : i32 to index
      %get3A_614 = arith.constant 48 : index
      %get3A_615 = tpu.vector_load %arg8[%get3A_613, %get3A_614] {strides = array<i32>} : memref<8x128xi32, #tpu.memory_space<vmem>>, vector<16xi32>,
      %shift_right_logical3A_616 = arith.constant 7 : i32
      %shift_right_logical3A_617 = vector.broadcast %shift_right_logical3A_616 : i32 to vector<16xi32>
      %shift_right_logical3A_618 = arith.shrui %get3A_615, %shift_right_logical3A_617 : vector<16xi32>
      %and3A_619 = arith.constant 127 : i32
      %and3A_620 = vector.broadcast %and3A_619 : i32 to vector<16xi32>
      %and3A_621 = arith.andi %get3A_615, %and3A_620 : vector<16xi32>
      tpu.vector_store_idx %arg11[%shift_right_logical3A_618, %and3A_621], %broadcast_in_dim3A_32 {add = true} : memref<80x128xf32, #tpu.memory_space<vmem>>[vector<16xi32>, vector<16xi32>], vector<16xf32>,
      %get3A_622 = arith.constant 5 : i32
      %get3A_623 = arith.index_cast %get3A_622 : i32 to index
      %get3A_624 = arith.constant 64 : index
      %get3A_625 = tpu.vector_load %arg8[%get3A_623, %get3A_624] {strides = array<i32>} : memref<8x128xi32, #tpu.memory_space<vmem>>, vector<16xi32>,
      %shift_right_logical3A_626 = arith.constant 7 : i32
      %shift_right_logical3A_627 = vector.broadcast %shift_right_logical3A_626 : i32 to vector<16xi32>
      %shift_right_logical3A_628 = arith.shrui %get3A_625, %shift_right_logical3A_627 : vector<16xi32>
      %and3A_629 = arith.constant 127 : i32
      %and3A_630 = vector.broadcast %and3A_629 : i32 to vector<16xi32>
      %and3A_631 = arith.andi %get3A_625, %and3A_630 : vector<16xi32>
      tpu.vector_store_idx %arg11[%shift_right_logical3A_628, %and3A_631], %broadcast_in_dim3A_32 {add = true} : memref<80x128xf32, #tpu.memory_space<vmem>>[vector<16xi32>, vector<16xi32>], vector<16xf32>,
      %get3A_632 = arith.constant 5 : i32
      %get3A_633 = arith.index_cast %get3A_632 : i32 to index
      %get3A_634 = arith.constant 80 : index
      %get3A_635 = tpu.vector_load %arg8[%get3A_633, %get3A_634] {strides = array<i32>} : memref<8x128xi32, #tpu.memory_space<vmem>>, vector<16xi32>,
      %shift_right_logical3A_636 = arith.constant 7 : i32
      %shift_right_logical3A_637 = vector.broadcast %shift_right_logical3A_636 : i32 to vector<16xi32>
      %shift_right_logical3A_638 = arith.shrui %get3A_635, %shift_right_logical3A_637 : vector<16xi32>
      %and3A_639 = arith.constant 127 : i32
      %and3A_640 = vector.broadcast %and3A_639 : i32 to vector<16xi32>
      %and3A_641 = arith.andi %get3A_635, %and3A_640 : vector<16xi32>
      tpu.vector_store_idx %arg11[%shift_right_logical3A_638, %and3A_641], %broadcast_in_dim3A_32 {add = true} : memref<80x128xf32, #tpu.memory_space<vmem>>[vector<16xi32>, vector<16xi32>], vector<16xf32>,
      %get3A_642 = arith.constant 5 : i32
      %get3A_643 = arith.index_cast %get3A_642 : i32 to index
      %get3A_644 = arith.constant 96 : index
      %get3A_645 = tpu.vector_load %arg8[%get3A_643, %get3A_644] {strides = array<i32>} : memref<8x128xi32, #tpu.memory_space<vmem>>, vector<16xi32>,
      %shift_right_logical3A_646 = arith.constant 7 : i32
      %shift_right_logical3A_647 = vector.broadcast %shift_right_logical3A_646 : i32 to vector<16xi32>
      %shift_right_logical3A_648 = arith.shrui %get3A_645, %shift_right_logical3A_647 : vector<16xi32>
      %and3A_649 = arith.constant 127 : i32
      %and3A_650 = vector.broadcast %and3A_649 : i32 to vector<16xi32>
      %and3A_651 = arith.andi %get3A_645, %and3A_650 : vector<16xi32>
      tpu.vector_store_idx %arg11[%shift_right_logical3A_648, %and3A_651], %broadcast_in_dim3A_32 {add = true} : memref<80x128xf32, #tpu.memory_space<vmem>>[vector<16xi32>, vector<16xi32>], vector<16xf32>,
      %get3A_652 = arith.constant 5 : i32
      %get3A_653 = arith.index_cast %get3A_652 : i32 to index
      %get3A_654 = arith.constant 112 : index
      %get3A_655 = tpu.vector_load %arg8[%get3A_653, %get3A_654] {strides = array<i32>} : memref<8x128xi32, #tpu.memory_space<vmem>>, vector<16xi32>,
      %shift_right_logical3A_656 = arith.constant 7 : i32
      %shift_right_logical3A_657 = vector.broadcast %shift_right_logical3A_656 : i32 to vector<16xi32>
      %shift_right_logical3A_658 = arith.shrui %get3A_655, %shift_right_logical3A_657 : vector<16xi32>
      %and3A_659 = arith.constant 127 : i32
      %and3A_660 = vector.broadcast %and3A_659 : i32 to vector<16xi32>
      %and3A_661 = arith.andi %get3A_655, %and3A_660 : vector<16xi32>
      tpu.vector_store_idx %arg11[%shift_right_logical3A_658, %and3A_661], %broadcast_in_dim3A_32 {add = true} : memref<80x128xf32, #tpu.memory_space<vmem>>[vector<16xi32>, vector<16xi32>], vector<16xf32>,
      %dma_wait3A_662 = arith.constant 5 : i32
      %dma_wait3A_663 = arith.constant 0 : i32
      %dma_wait3A_664 = tpu.memref_slice %arg7[%dma_wait3A_662, %dma_wait3A_663] : memref<8x128xi32, #tpu.memory_space<vmem>> -> memref<1x128xi32, #tpu.memory_space<vmem>>
      %dma_wait3A_665 = tpu.memref_squeeze %dma_wait3A_664 : memref<1x128xi32, #tpu.memory_space<vmem>> -> memref<128xi32, #tpu.memory_space<vmem>>
      %dma_wait3A_666 = arith.constant 0 : i32
      %dma_wait3A_667 = arith.constant 0 : i32
      %dma_wait3A_668 = tpu.memref_slice %arg2[%dma_wait3A_666, %dma_wait3A_667] : memref<10000x128xf32, #tpu.memory_space<hbm>> -> memref<10000x128xf32, #tpu.memory_space<hbm>>
      tpu.wait_indirect_dma semaphore(%arg14 : memref<!tpu.dma_semaphore, #tpu.memory_space<semaphore_mem>>) src(%dma_wait3A_668 : memref<10000x128xf32, #tpu.memory_space<hbm>>) dst(%arg10 : memref<128x128xf32, #tpu.memory_space<vmem>>)
      %run_scoped3A_669 = arith.constant 5 : i32
      "tpu.region"() ({
        %run_scoped3A_853 = tpu.sem_alloc : memref<!tpu.dma_semaphore, #tpu.memory_space<semaphore_mem>>
        %dma_start3A_854 = arith.constant 0 : i32
        %dma_start3A_855 = tpu.memref_slice %arg8[%run_scoped3A_669, %dma_start3A_854] : memref<8x128xi32, #tpu.memory_space<vmem>> -> memref<1x128xi32, #tpu.memory_space<vmem>>
        %dma_start3A_856 = tpu.memref_squeeze %dma_start3A_855 : memref<1x128xi32, #tpu.memory_space<vmem>> -> memref<128xi32, #tpu.memory_space<vmem>>
        %dma_start3A_857 = arith.constant 0 : i32
        %dma_start3A_858 = arith.constant 0 : i32
        %dma_start3A_859 = tpu.memref_slice %arg12[%dma_start3A_857, %dma_start3A_858] : memref<10240x128xf32, #tpu.memory_space<vmem_shared>> -> memref<10240x128xf32, #tpu.memory_space<vmem_shared>>
        tpu.enqueue_indirect_dma source(%arg10 : memref<128x128xf32, #tpu.memory_space<vmem>>) target(%dma_start3A_859 : memref<10240x128xf32, #tpu.memory_space<vmem_shared>>) offsets(%dma_start3A_856 : memref<128xi32, #tpu.memory_space<vmem>>) semaphore(%run_scoped3A_853 : memref<!tpu.dma_semaphore, #tpu.memory_space<semaphore_mem>>) {add = true}
        %dma_wait3A_860 = arith.constant 0 : i32
        %dma_wait3A_861 = tpu.memref_slice %arg8[%run_scoped3A_669, %dma_wait3A_860] : memref<8x128xi32, #tpu.memory_space<vmem>> -> memref<1x128xi32, #tpu.memory_space<vmem>>
        %dma_wait3A_862 = tpu.memref_squeeze %dma_wait3A_861 : memref<1x128xi32, #tpu.memory_space<vmem>> -> memref<128xi32, #tpu.memory_space<vmem>>
        %dma_wait3A_863 = arith.constant 0 : i32
        %dma_wait3A_864 = arith.constant 0 : i32
        %dma_wait3A_865 = tpu.memref_slice %arg12[%dma_wait3A_863, %dma_wait3A_864] : memref<10240x128xf32, #tpu.memory_space<vmem_shared>> -> memref<10240x128xf32, #tpu.memory_space<vmem_shared>>
        tpu.wait_indirect_dma semaphore(%run_scoped3A_853 : memref<!tpu.dma_semaphore, #tpu.memory_space<semaphore_mem>>) src(%arg10 : memref<128x128xf32, #tpu.memory_space<vmem>>) dst(%dma_wait3A_865 : memref<10240x128xf32, #tpu.memory_space<vmem_shared>>)
        tpu.yield
      }) : () -> ()
      %dma_start3A_670 = arith.constant 7 : i32
      %dma_start3A_671 = arith.constant 0 : i32
      %dma_start3A_672 = tpu.memref_slice %arg7[%dma_start3A_670, %dma_start3A_671] : memref<8x128xi32, #tpu.memory_space<vmem>> -> memref<1x128xi32, #tpu.memory_space<vmem>>
      %dma_start3A_673 = tpu.memref_squeeze %dma_start3A_672 : memref<1x128xi32, #tpu.memory_space<vmem>> -> memref<128xi32, #tpu.memory_space<vmem>>
      %dma_start3A_674 = arith.constant 0 : i32
      %dma_start3A_675 = arith.constant 0 : i32
      %dma_start3A_676 = tpu.memref_slice %arg2[%dma_start3A_674, %dma_start3A_675] : memref<10000x128xf32, #tpu.memory_space<hbm>> -> memref<10000x128xf32, #tpu.memory_space<hbm>>
      tpu.enqueue_indirect_dma source(%dma_start3A_676 : memref<10000x128xf32, #tpu.memory_space<hbm>>) target(%arg10 : memref<128x128xf32, #tpu.memory_space<vmem>>) offsets(%dma_start3A_673 : memref<128xi32, #tpu.memory_space<vmem>>) semaphore(%arg14 : memref<!tpu.dma_semaphore, #tpu.memory_space<semaphore_mem>>)
      %get3A_677 = arith.constant 6 : i32
      %get3A_678 = arith.index_cast %get3A_677 : i32 to index
      %get3A_679 = arith.constant 0 : index
      %get3A_680 = tpu.vector_load %arg8[%get3A_678, %get3A_679] {strides = array<i32>} : memref<8x128xi32, #tpu.memory_space<vmem>>, vector<16xi32>,
      %shift_right_logical3A_681 = arith.constant 7 : i32
      %shift_right_logical3A_682 = vector.broadcast %shift_right_logical3A_681 : i32 to vector<16xi32>
      %shift_right_logical3A_683 = arith.shrui %get3A_680, %shift_right_logical3A_682 : vector<16xi32>
      %and3A_684 = arith.constant 127 : i32
      %and3A_685 = vector.broadcast %and3A_684 : i32 to vector<16xi32>
      %and3A_686 = arith.andi %get3A_680, %and3A_685 : vector<16xi32>
      tpu.vector_store_idx %arg11[%shift_right_logical3A_683, %and3A_686], %broadcast_in_dim3A_32 {add = true} : memref<80x128xf32, #tpu.memory_space<vmem>>[vector<16xi32>, vector<16xi32>], vector<16xf32>,
      %get3A_687 = arith.constant 6 : i32
      %get3A_688 = arith.index_cast %get3A_687 : i32 to index
      %get3A_689 = arith.constant 16 : index
      %get3A_690 = tpu.vector_load %arg8[%get3A_688, %get3A_689] {strides = array<i32>} : memref<8x128xi32, #tpu.memory_space<vmem>>, vector<16xi32>,
      %shift_right_logical3A_691 = arith.constant 7 : i32
      %shift_right_logical3A_692 = vector.broadcast %shift_right_logical3A_691 : i32 to vector<16xi32>
      %shift_right_logical3A_693 = arith.shrui %get3A_690, %shift_right_logical3A_692 : vector<16xi32>
      %and3A_694 = arith.constant 127 : i32
      %and3A_695 = vector.broadcast %and3A_694 : i32 to vector<16xi32>
      %and3A_696 = arith.andi %get3A_690, %and3A_695 : vector<16xi32>
      tpu.vector_store_idx %arg11[%shift_right_logical3A_693, %and3A_696], %broadcast_in_dim3A_32 {add = true} : memref<80x128xf32, #tpu.memory_space<vmem>>[vector<16xi32>, vector<16xi32>], vector<16xf32>,
      %get3A_697 = arith.constant 6 : i32
      %get3A_698 = arith.index_cast %get3A_697 : i32 to index
      %get3A_699 = arith.constant 32 : index
      %get3A_700 = tpu.vector_load %arg8[%get3A_698, %get3A_699] {strides = array<i32>} : memref<8x128xi32, #tpu.memory_space<vmem>>, vector<16xi32>,
      %shift_right_logical3A_701 = arith.constant 7 : i32
      %shift_right_logical3A_702 = vector.broadcast %shift_right_logical3A_701 : i32 to vector<16xi32>
      %shift_right_logical3A_703 = arith.shrui %get3A_700, %shift_right_logical3A_702 : vector<16xi32>
      %and3A_704 = arith.constant 127 : i32
      %and3A_705 = vector.broadcast %and3A_704 : i32 to vector<16xi32>
      %and3A_706 = arith.andi %get3A_700, %and3A_705 : vector<16xi32>
      tpu.vector_store_idx %arg11[%shift_right_logical3A_703, %and3A_706], %broadcast_in_dim3A_32 {add = true} : memref<80x128xf32, #tpu.memory_space<vmem>>[vector<16xi32>, vector<16xi32>], vector<16xf32>,
      %get3A_707 = arith.constant 6 : i32
      %get3A_708 = arith.index_cast %get3A_707 : i32 to index
      %get3A_709 = arith.constant 48 : index
      %get3A_710 = tpu.vector_load %arg8[%get3A_708, %get3A_709] {strides = array<i32>} : memref<8x128xi32, #tpu.memory_space<vmem>>, vector<16xi32>,
      %shift_right_logical3A_711 = arith.constant 7 : i32
      %shift_right_logical3A_712 = vector.broadcast %shift_right_logical3A_711 : i32 to vector<16xi32>
      %shift_right_logical3A_713 = arith.shrui %get3A_710, %shift_right_logical3A_712 : vector<16xi32>
      %and3A_714 = arith.constant 127 : i32
      %and3A_715 = vector.broadcast %and3A_714 : i32 to vector<16xi32>
      %and3A_716 = arith.andi %get3A_710, %and3A_715 : vector<16xi32>
      tpu.vector_store_idx %arg11[%shift_right_logical3A_713, %and3A_716], %broadcast_in_dim3A_32 {add = true} : memref<80x128xf32, #tpu.memory_space<vmem>>[vector<16xi32>, vector<16xi32>], vector<16xf32>,
      %get3A_717 = arith.constant 6 : i32
      %get3A_718 = arith.index_cast %get3A_717 : i32 to index
      %get3A_719 = arith.constant 64 : index
      %get3A_720 = tpu.vector_load %arg8[%get3A_718, %get3A_719] {strides = array<i32>} : memref<8x128xi32, #tpu.memory_space<vmem>>, vector<16xi32>,
      %shift_right_logical3A_721 = arith.constant 7 : i32
      %shift_right_logical3A_722 = vector.broadcast %shift_right_logical3A_721 : i32 to vector<16xi32>
      %shift_right_logical3A_723 = arith.shrui %get3A_720, %shift_right_logical3A_722 : vector<16xi32>
      %and3A_724 = arith.constant 127 : i32
      %and3A_725 = vector.broadcast %and3A_724 : i32 to vector<16xi32>
      %and3A_726 = arith.andi %get3A_720, %and3A_725 : vector<16xi32>
      tpu.vector_store_idx %arg11[%shift_right_logical3A_723, %and3A_726], %broadcast_in_dim3A_32 {add = true} : memref<80x128xf32, #tpu.memory_space<vmem>>[vector<16xi32>, vector<16xi32>], vector<16xf32>,
      %get3A_727 = arith.constant 6 : i32
      %get3A_728 = arith.index_cast %get3A_727 : i32 to index
      %get3A_729 = arith.constant 80 : index
      %get3A_730 = tpu.vector_load %arg8[%get3A_728, %get3A_729] {strides = array<i32>} : memref<8x128xi32, #tpu.memory_space<vmem>>, vector<16xi32>,
      %shift_right_logical3A_731 = arith.constant 7 : i32
      %shift_right_logical3A_732 = vector.broadcast %shift_right_logical3A_731 : i32 to vector<16xi32>
      %shift_right_logical3A_733 = arith.shrui %get3A_730, %shift_right_logical3A_732 : vector<16xi32>
      %and3A_734 = arith.constant 127 : i32
      %and3A_735 = vector.broadcast %and3A_734 : i32 to vector<16xi32>
      %and3A_736 = arith.andi %get3A_730, %and3A_735 : vector<16xi32>
      tpu.vector_store_idx %arg11[%shift_right_logical3A_733, %and3A_736], %broadcast_in_dim3A_32 {add = true} : memref<80x128xf32, #tpu.memory_space<vmem>>[vector<16xi32>, vector<16xi32>], vector<16xf32>,
      %get3A_737 = arith.constant 6 : i32
      %get3A_738 = arith.index_cast %get3A_737 : i32 to index
      %get3A_739 = arith.constant 96 : index
      %get3A_740 = tpu.vector_load %arg8[%get3A_738, %get3A_739] {strides = array<i32>} : memref<8x128xi32, #tpu.memory_space<vmem>>, vector<16xi32>,
      %shift_right_logical3A_741 = arith.constant 7 : i32
      %shift_right_logical3A_742 = vector.broadcast %shift_right_logical3A_741 : i32 to vector<16xi32>
      %shift_right_logical3A_743 = arith.shrui %get3A_740, %shift_right_logical3A_742 : vector<16xi32>
      %and3A_744 = arith.constant 127 : i32
      %and3A_745 = vector.broadcast %and3A_744 : i32 to vector<16xi32>
      %and3A_746 = arith.andi %get3A_740, %and3A_745 : vector<16xi32>
      tpu.vector_store_idx %arg11[%shift_right_logical3A_743, %and3A_746], %broadcast_in_dim3A_32 {add = true} : memref<80x128xf32, #tpu.memory_space<vmem>>[vector<16xi32>, vector<16xi32>], vector<16xf32>,
      %get3A_747 = arith.constant 6 : i32
      %get3A_748 = arith.index_cast %get3A_747 : i32 to index
      %get3A_749 = arith.constant 112 : index
      %get3A_750 = tpu.vector_load %arg8[%get3A_748, %get3A_749] {strides = array<i32>} : memref<8x128xi32, #tpu.memory_space<vmem>>, vector<16xi32>,
      %shift_right_logical3A_751 = arith.constant 7 : i32
      %shift_right_logical3A_752 = vector.broadcast %shift_right_logical3A_751 : i32 to vector<16xi32>
      %shift_right_logical3A_753 = arith.shrui %get3A_750, %shift_right_logical3A_752 : vector<16xi32>
      %and3A_754 = arith.constant 127 : i32
      %and3A_755 = vector.broadcast %and3A_754 : i32 to vector<16xi32>
      %and3A_756 = arith.andi %get3A_750, %and3A_755 : vector<16xi32>
      tpu.vector_store_idx %arg11[%shift_right_logical3A_753, %and3A_756], %broadcast_in_dim3A_32 {add = true} : memref<80x128xf32, #tpu.memory_space<vmem>>[vector<16xi32>, vector<16xi32>], vector<16xf32>,
      %dma_wait3A_757 = arith.constant 6 : i32
      %dma_wait3A_758 = arith.constant 0 : i32
      %dma_wait3A_759 = tpu.memref_slice %arg7[%dma_wait3A_757, %dma_wait3A_758] : memref<8x128xi32, #tpu.memory_space<vmem>> -> memref<1x128xi32, #tpu.memory_space<vmem>>
      %dma_wait3A_760 = tpu.memref_squeeze %dma_wait3A_759 : memref<1x128xi32, #tpu.memory_space<vmem>> -> memref<128xi32, #tpu.memory_space<vmem>>
      %dma_wait3A_761 = arith.constant 0 : i32
      %dma_wait3A_762 = arith.constant 0 : i32
      %dma_wait3A_763 = tpu.memref_slice %arg2[%dma_wait3A_761, %dma_wait3A_762] : memref<10000x128xf32, #tpu.memory_space<hbm>> -> memref<10000x128xf32, #tpu.memory_space<hbm>>
      tpu.wait_indirect_dma semaphore(%arg13 : memref<!tpu.dma_semaphore, #tpu.memory_space<semaphore_mem>>) src(%dma_wait3A_763 : memref<10000x128xf32, #tpu.memory_space<hbm>>) dst(%arg9 : memref<128x128xf32, #tpu.memory_space<vmem>>)
      %run_scoped3A_764 = arith.constant 6 : i32
      "tpu.region"() ({
        %run_scoped3A_853 = tpu.sem_alloc : memref<!tpu.dma_semaphore, #tpu.memory_space<semaphore_mem>>
        %dma_start3A_854 = arith.constant 0 : i32
        %dma_start3A_855 = tpu.memref_slice %arg8[%run_scoped3A_764, %dma_start3A_854] : memref<8x128xi32, #tpu.memory_space<vmem>> -> memref<1x128xi32, #tpu.memory_space<vmem>>
        %dma_start3A_856 = tpu.memref_squeeze %dma_start3A_855 : memref<1x128xi32, #tpu.memory_space<vmem>> -> memref<128xi32, #tpu.memory_space<vmem>>
        %dma_start3A_857 = arith.constant 0 : i32
        %dma_start3A_858 = arith.constant 0 : i32
        %dma_start3A_859 = tpu.memref_slice %arg12[%dma_start3A_857, %dma_start3A_858] : memref<10240x128xf32, #tpu.memory_space<vmem_shared>> -> memref<10240x128xf32, #tpu.memory_space<vmem_shared>>
        tpu.enqueue_indirect_dma source(%arg9 : memref<128x128xf32, #tpu.memory_space<vmem>>) target(%dma_start3A_859 : memref<10240x128xf32, #tpu.memory_space<vmem_shared>>) offsets(%dma_start3A_856 : memref<128xi32, #tpu.memory_space<vmem>>) semaphore(%run_scoped3A_853 : memref<!tpu.dma_semaphore, #tpu.memory_space<semaphore_mem>>) {add = true}
        %dma_wait3A_860 = arith.constant 0 : i32
        %dma_wait3A_861 = tpu.memref_slice %arg8[%run_scoped3A_764, %dma_wait3A_860] : memref<8x128xi32, #tpu.memory_space<vmem>> -> memref<1x128xi32, #tpu.memory_space<vmem>>
        %dma_wait3A_862 = tpu.memref_squeeze %dma_wait3A_861 : memref<1x128xi32, #tpu.memory_space<vmem>> -> memref<128xi32, #tpu.memory_space<vmem>>
        %dma_wait3A_863 = arith.constant 0 : i32
        %dma_wait3A_864 = arith.constant 0 : i32
        %dma_wait3A_865 = tpu.memref_slice %arg12[%dma_wait3A_863, %dma_wait3A_864] : memref<10240x128xf32, #tpu.memory_space<vmem_shared>> -> memref<10240x128xf32, #tpu.memory_space<vmem_shared>>
        tpu.wait_indirect_dma semaphore(%run_scoped3A_853 : memref<!tpu.dma_semaphore, #tpu.memory_space<semaphore_mem>>) src(%arg9 : memref<128x128xf32, #tpu.memory_space<vmem>>) dst(%dma_wait3A_865 : memref<10240x128xf32, #tpu.memory_space<vmem_shared>>)
        tpu.yield
      }) : () -> ()
      %get3A_765 = arith.constant 7 : i32
      %get3A_766 = arith.index_cast %get3A_765 : i32 to index
      %get3A_767 = arith.constant 0 : index
      %get3A_768 = tpu.vector_load %arg8[%get3A_766, %get3A_767] {strides = array<i32>} : memref<8x128xi32, #tpu.memory_space<vmem>>, vector<16xi32>,
      %shift_right_logical3A_769 = arith.constant 7 : i32
      %shift_right_logical3A_770 = vector.broadcast %shift_right_logical3A_769 : i32 to vector<16xi32>
      %shift_right_logical3A_771 = arith.shrui %get3A_768, %shift_right_logical3A_770 : vector<16xi32>
      %and3A_772 = arith.constant 127 : i32
      %and3A_773 = vector.broadcast %and3A_772 : i32 to vector<16xi32>
      %and3A_774 = arith.andi %get3A_768, %and3A_773 : vector<16xi32>
      tpu.vector_store_idx %arg11[%shift_right_logical3A_771, %and3A_774], %broadcast_in_dim3A_32 {add = true} : memref<80x128xf32, #tpu.memory_space<vmem>>[vector<16xi32>, vector<16xi32>], vector<16xf32>,
      %get3A_775 = arith.constant 7 : i32
      %get3A_776 = arith.index_cast %get3A_775 : i32 to index
      %get3A_777 = arith.constant 16 : index
      %get3A_778 = tpu.vector_load %arg8[%get3A_776, %get3A_777] {strides = array<i32>} : memref<8x128xi32, #tpu.memory_space<vmem>>, vector<16xi32>,
      %shift_right_logical3A_779 = arith.constant 7 : i32
      %shift_right_logical3A_780 = vector.broadcast %shift_right_logical3A_779 : i32 to vector<16xi32>
      %shift_right_logical3A_781 = arith.shrui %get3A_778, %shift_right_logical3A_780 : vector<16xi32>
      %and3A_782 = arith.constant 127 : i32
      %and3A_783 = vector.broadcast %and3A_782 : i32 to vector<16xi32>
      %and3A_784 = arith.andi %get3A_778, %and3A_783 : vector<16xi32>
      tpu.vector_store_idx %arg11[%shift_right_logical3A_781, %and3A_784], %broadcast_in_dim3A_32 {add = true} : memref<80x128xf32, #tpu.memory_space<vmem>>[vector<16xi32>, vector<16xi32>], vector<16xf32>,
      %get3A_785 = arith.constant 7 : i32
      %get3A_786 = arith.index_cast %get3A_785 : i32 to index
      %get3A_787 = arith.constant 32 : index
      %get3A_788 = tpu.vector_load %arg8[%get3A_786, %get3A_787] {strides = array<i32>} : memref<8x128xi32, #tpu.memory_space<vmem>>, vector<16xi32>,
      %shift_right_logical3A_789 = arith.constant 7 : i32
      %shift_right_logical3A_790 = vector.broadcast %shift_right_logical3A_789 : i32 to vector<16xi32>
      %shift_right_logical3A_791 = arith.shrui %get3A_788, %shift_right_logical3A_790 : vector<16xi32>
      %and3A_792 = arith.constant 127 : i32
      %and3A_793 = vector.broadcast %and3A_792 : i32 to vector<16xi32>
      %and3A_794 = arith.andi %get3A_788, %and3A_793 : vector<16xi32>
      tpu.vector_store_idx %arg11[%shift_right_logical3A_791, %and3A_794], %broadcast_in_dim3A_32 {add = true} : memref<80x128xf32, #tpu.memory_space<vmem>>[vector<16xi32>, vector<16xi32>], vector<16xf32>,
      %get3A_795 = arith.constant 7 : i32
      %get3A_796 = arith.index_cast %get3A_795 : i32 to index
      %get3A_797 = arith.constant 48 : index
      %get3A_798 = tpu.vector_load %arg8[%get3A_796, %get3A_797] {strides = array<i32>} : memref<8x128xi32, #tpu.memory_space<vmem>>, vector<16xi32>,
      %shift_right_logical3A_799 = arith.constant 7 : i32
      %shift_right_logical3A_800 = vector.broadcast %shift_right_logical3A_799 : i32 to vector<16xi32>
      %shift_right_logical3A_801 = arith.shrui %get3A_798, %shift_right_logical3A_800 : vector<16xi32>
      %and3A_802 = arith.constant 127 : i32
      %and3A_803 = vector.broadcast %and3A_802 : i32 to vector<16xi32>
      %and3A_804 = arith.andi %get3A_798, %and3A_803 : vector<16xi32>
      tpu.vector_store_idx %arg11[%shift_right_logical3A_801, %and3A_804], %broadcast_in_dim3A_32 {add = true} : memref<80x128xf32, #tpu.memory_space<vmem>>[vector<16xi32>, vector<16xi32>], vector<16xf32>,
      %get3A_805 = arith.constant 7 : i32
      %get3A_806 = arith.index_cast %get3A_805 : i32 to index
      %get3A_807 = arith.constant 64 : index
      %get3A_808 = tpu.vector_load %arg8[%get3A_806, %get3A_807] {strides = array<i32>} : memref<8x128xi32, #tpu.memory_space<vmem>>, vector<16xi32>,
      %shift_right_logical3A_809 = arith.constant 7 : i32
      %shift_right_logical3A_810 = vector.broadcast %shift_right_logical3A_809 : i32 to vector<16xi32>
      %shift_right_logical3A_811 = arith.shrui %get3A_808, %shift_right_logical3A_810 : vector<16xi32>
      %and3A_812 = arith.constant 127 : i32
      %and3A_813 = vector.broadcast %and3A_812 : i32 to vector<16xi32>
      %and3A_814 = arith.andi %get3A_808, %and3A_813 : vector<16xi32>
      tpu.vector_store_idx %arg11[%shift_right_logical3A_811, %and3A_814], %broadcast_in_dim3A_32 {add = true} : memref<80x128xf32, #tpu.memory_space<vmem>>[vector<16xi32>, vector<16xi32>], vector<16xf32>,
      %get3A_815 = arith.constant 7 : i32
      %get3A_816 = arith.index_cast %get3A_815 : i32 to index
      %get3A_817 = arith.constant 80 : index
      %get3A_818 = tpu.vector_load %arg8[%get3A_816, %get3A_817] {strides = array<i32>} : memref<8x128xi32, #tpu.memory_space<vmem>>, vector<16xi32>,
      %shift_right_logical3A_819 = arith.constant 7 : i32
      %shift_right_logical3A_820 = vector.broadcast %shift_right_logical3A_819 : i32 to vector<16xi32>
      %shift_right_logical3A_821 = arith.shrui %get3A_818, %shift_right_logical3A_820 : vector<16xi32>
      %and3A_822 = arith.constant 127 : i32
      %and3A_823 = vector.broadcast %and3A_822 : i32 to vector<16xi32>
      %and3A_824 = arith.andi %get3A_818, %and3A_823 : vector<16xi32>
      tpu.vector_store_idx %arg11[%shift_right_logical3A_821, %and3A_824], %broadcast_in_dim3A_32 {add = true} : memref<80x128xf32, #tpu.memory_space<vmem>>[vector<16xi32>, vector<16xi32>], vector<16xf32>,
      %get3A_825 = arith.constant 7 : i32
      %get3A_826 = arith.index_cast %get3A_825 : i32 to index
      %get3A_827 = arith.constant 96 : index
      %get3A_828 = tpu.vector_load %arg8[%get3A_826, %get3A_827] {strides = array<i32>} : memref<8x128xi32, #tpu.memory_space<vmem>>, vector<16xi32>,
      %shift_right_logical3A_829 = arith.constant 7 : i32
      %shift_right_logical3A_830 = vector.broadcast %shift_right_logical3A_829 : i32 to vector<16xi32>
      %shift_right_logical3A_831 = arith.shrui %get3A_828, %shift_right_logical3A_830 : vector<16xi32>
      %and3A_832 = arith.constant 127 : i32
      %and3A_833 = vector.broadcast %and3A_832 : i32 to vector<16xi32>
      %and3A_834 = arith.andi %get3A_828, %and3A_833 : vector<16xi32>
      tpu.vector_store_idx %arg11[%shift_right_logical3A_831, %and3A_834], %broadcast_in_dim3A_32 {add = true} : memref<80x128xf32, #tpu.memory_space<vmem>>[vector<16xi32>, vector<16xi32>], vector<16xf32>,
      %get3A_835 = arith.constant 7 : i32
      %get3A_836 = arith.index_cast %get3A_835 : i32 to index
      %get3A_837 = arith.constant 112 : index
      %get3A_838 = tpu.vector_load %arg8[%get3A_836, %get3A_837] {strides = array<i32>} : memref<8x128xi32, #tpu.memory_space<vmem>>, vector<16xi32>,
      %shift_right_logical3A_839 = arith.constant 7 : i32
      %shift_right_logical3A_840 = vector.broadcast %shift_right_logical3A_839 : i32 to vector<16xi32>
      %shift_right_logical3A_841 = arith.shrui %get3A_838, %shift_right_logical3A_840 : vector<16xi32>
      %and3A_842 = arith.constant 127 : i32
      %and3A_843 = vector.broadcast %and3A_842 : i32 to vector<16xi32>
      %and3A_844 = arith.andi %get3A_838, %and3A_843 : vector<16xi32>
      tpu.vector_store_idx %arg11[%shift_right_logical3A_841, %and3A_844], %broadcast_in_dim3A_32 {add = true} : memref<80x128xf32, #tpu.memory_space<vmem>>[vector<16xi32>, vector<16xi32>], vector<16xf32>,
      %dma_wait3A_845 = arith.constant 7 : i32
      %dma_wait3A_846 = arith.constant 0 : i32
      %dma_wait3A_847 = tpu.memref_slice %arg7[%dma_wait3A_845, %dma_wait3A_846] : memref<8x128xi32, #tpu.memory_space<vmem>> -> memref<1x128xi32, #tpu.memory_space<vmem>>
      %dma_wait3A_848 = tpu.memref_squeeze %dma_wait3A_847 : memref<1x128xi32, #tpu.memory_space<vmem>> -> memref<128xi32, #tpu.memory_space<vmem>>
      %dma_wait3A_849 = arith.constant 0 : i32
      %dma_wait3A_850 = arith.constant 0 : i32
      %dma_wait3A_851 = tpu.memref_slice %arg2[%dma_wait3A_849, %dma_wait3A_850] : memref<10000x128xf32, #tpu.memory_space<hbm>> -> memref<10000x128xf32, #tpu.memory_space<hbm>>
      tpu.wait_indirect_dma semaphore(%arg14 : memref<!tpu.dma_semaphore, #tpu.memory_space<semaphore_mem>>) src(%dma_wait3A_851 : memref<10000x128xf32, #tpu.memory_space<hbm>>) dst(%arg10 : memref<128x128xf32, #tpu.memory_space<vmem>>)
      %run_scoped3A_852 = arith.constant 7 : i32
      "tpu.region"() ({
        %run_scoped3A_853 = tpu.sem_alloc : memref<!tpu.dma_semaphore, #tpu.memory_space<semaphore_mem>>
        %dma_start3A_854 = arith.constant 0 : i32
        %dma_start3A_855 = tpu.memref_slice %arg8[%run_scoped3A_852, %dma_start3A_854] : memref<8x128xi32, #tpu.memory_space<vmem>> -> memref<1x128xi32, #tpu.memory_space<vmem>>
        %dma_start3A_856 = tpu.memref_squeeze %dma_start3A_855 : memref<1x128xi32, #tpu.memory_space<vmem>> -> memref<128xi32, #tpu.memory_space<vmem>>
        %dma_start3A_857 = arith.constant 0 : i32
        %dma_start3A_858 = arith.constant 0 : i32
        %dma_start3A_859 = tpu.memref_slice %arg12[%dma_start3A_857, %dma_start3A_858] : memref<10240x128xf32, #tpu.memory_space<vmem_shared>> -> memref<10240x128xf32, #tpu.memory_space<vmem_shared>>
        tpu.enqueue_indirect_dma source(%arg10 : memref<128x128xf32, #tpu.memory_space<vmem>>) target(%dma_start3A_859 : memref<10240x128xf32, #tpu.memory_space<vmem_shared>>) offsets(%dma_start3A_856 : memref<128xi32, #tpu.memory_space<vmem>>) semaphore(%run_scoped3A_853 : memref<!tpu.dma_semaphore, #tpu.memory_space<semaphore_mem>>) {add = true}
        %dma_wait3A_860 = arith.constant 0 : i32
        %dma_wait3A_861 = tpu.memref_slice %arg8[%run_scoped3A_852, %dma_wait3A_860] : memref<8x128xi32, #tpu.memory_space<vmem>> -> memref<1x128xi32, #tpu.memory_space<vmem>>
        %dma_wait3A_862 = tpu.memref_squeeze %dma_wait3A_861 : memref<1x128xi32, #tpu.memory_space<vmem>> -> memref<128xi32, #tpu.memory_space<vmem>>
        %dma_wait3A_863 = arith.constant 0 : i32
        %dma_wait3A_864 = arith.constant 0 : i32
        %dma_wait3A_865 = tpu.memref_slice %arg12[%dma_wait3A_863, %dma_wait3A_864] : memref<10240x128xf32, #tpu.memory_space<vmem_shared>> -> memref<10240x128xf32, #tpu.memory_space<vmem_shared>>
        tpu.wait_indirect_dma semaphore(%run_scoped3A_853 : memref<!tpu.dma_semaphore, #tpu.memory_space<semaphore_mem>>) src(%arg10 : memref<128x128xf32, #tpu.memory_space<vmem>>) dst(%dma_wait3A_865 : memref<10240x128xf32, #tpu.memory_space<vmem_shared>>)
        tpu.yield
      }) : () -> ()
    }
    "tpu.region"() ({
      %run_scoped3A = tpu.sem_alloc : memref<!tpu.dma_semaphore, #tpu.memory_space<semaphore_mem>>
      %dma_start3A = arith.constant 0 : i32
      %dma_start3A_53 = arith.constant 0 : i32
      %dma_start3A_54 = tpu.memref_slice %arg6[%arg0, %arg1, %dma_start3A, %dma_start3A_53] : memref<2x16x80x128xf32, #tpu.memory_space<hbm>> -> memref<1x1x80x128xf32, #tpu.memory_space<hbm>>
      %dma_start3A_55 = tpu.memref_squeeze %dma_start3A_54 : memref<1x1x80x128xf32, #tpu.memory_space<hbm>> -> memref<80x128xf32, #tpu.memory_space<hbm>>
      %dma_start3A_56 = arith.constant 0 : i32
      %dma_start3A_57 = arith.constant 0 : i32
      %dma_start3A_58 = tpu.memref_slice %arg6[%arg0, %arg1, %dma_start3A_56, %dma_start3A_57] : memref<2x16x80x128xf32, #tpu.memory_space<hbm>> -> memref<1x1x80x128xf32, #tpu.memory_space<hbm>>
      %dma_start3A_59 = tpu.memref_squeeze %dma_start3A_58 : memref<1x1x80x128xf32, #tpu.memory_space<hbm>> -> memref<80x128xf32, #tpu.memory_space<hbm>>
      tpu.enqueue_dma source(%arg11 : memref<80x128xf32, #tpu.memory_space<vmem>>) target(%dma_start3A_59 : memref<80x128xf32, #tpu.memory_space<hbm>>) target_semaphore(%run_scoped3A : memref<!tpu.dma_semaphore, #tpu.memory_space<semaphore_mem>>)
      %dma_wait3A = arith.constant 0 : i32
      %dma_wait3A_60 = arith.constant 0 : i32
      %dma_wait3A_61 = tpu.memref_slice %arg6[%arg0, %arg1, %dma_wait3A, %dma_wait3A_60] : memref<2x16x80x128xf32, #tpu.memory_space<hbm>> -> memref<1x1x80x128xf32, #tpu.memory_space<hbm>>
      %dma_wait3A_62 = tpu.memref_squeeze %dma_wait3A_61 : memref<1x1x80x128xf32, #tpu.memory_space<hbm>> -> memref<80x128xf32, #tpu.memory_space<hbm>>
      %dma_wait3A_63 = arith.constant 0 : i32
      %dma_wait3A_64 = arith.constant 0 : i32
      %dma_wait3A_65 = tpu.memref_slice %arg6[%arg0, %arg1, %dma_wait3A_63, %dma_wait3A_64] : memref<2x16x80x128xf32, #tpu.memory_space<hbm>> -> memref<1x1x80x128xf32, #tpu.memory_space<hbm>>
      %dma_wait3A_66 = tpu.memref_squeeze %dma_wait3A_65 : memref<1x1x80x128xf32, #tpu.memory_space<hbm>> -> memref<80x128xf32, #tpu.memory_space<hbm>>
      tpu.wait_dma2 semaphore(%run_scoped3A : memref<!tpu.dma_semaphore, #tpu.memory_space<semaphore_mem>>) src(%arg11 : memref<80x128xf32, #tpu.memory_space<vmem>>) dst(%dma_wait3A_66 : memref<80x128xf32, #tpu.memory_space<hbm>>)
      tpu.yield
    }) : () -> ()
    %barrier3A_42 = arith.constant 0 : index
    tpu.barrier barrier_id(%barrier3A_42)
    %add3A_43 = arith.constant 0 : i32
    %add3A_44 = arith.addi %mul3A_21, %add3A_43 : i32
    "tpu.region"() ({
      %run_scoped3A = tpu.sem_alloc : memref<!tpu.dma_semaphore, #tpu.memory_space<semaphore_mem>>
      %dma_start3A = arith.constant 0 : i32
      %dma_start3A_53 = tpu.memref_slice %arg5[%arg0, %add3A_44, %dma_start3A] : memref<2x10240x128xf32, #tpu.memory_space<hbm>> -> memref<1x128x128xf32, #tpu.memory_space<hbm>>
      %dma_start3A_54 = tpu.memref_squeeze %dma_start3A_53 : memref<1x128x128xf32, #tpu.memory_space<hbm>> -> memref<128x128xf32, #tpu.memory_space<hbm>>
      %dma_start3A_55 = arith.constant 0 : i32
      %dma_start3A_56 = tpu.memref_slice %arg12[%add3A_44, %dma_start3A_55] : memref<10240x128xf32, #tpu.memory_space<vmem_shared>> -> memref<128x128xf32, #tpu.memory_space<vmem_shared>>
      tpu.enqueue_dma source(%dma_start3A_56 : memref<128x128xf32, #tpu.memory_space<vmem_shared>>) target(%dma_start3A_54 : memref<128x128xf32, #tpu.memory_space<hbm>>) target_semaphore(%run_scoped3A : memref<!tpu.dma_semaphore, #tpu.memory_space<semaphore_mem>>)
      %dma_wait3A = arith.constant 0 : i32
      %dma_wait3A_57 = tpu.memref_slice %arg5[%arg0, %add3A_44, %dma_wait3A] : memref<2x10240x128xf32, #tpu.memory_space<hbm>> -> memref<1x128x128xf32, #tpu.memory_space<hbm>>
      %dma_wait3A_58 = tpu.memref_squeeze %dma_wait3A_57 : memref<1x128x128xf32, #tpu.memory_space<hbm>> -> memref<128x128xf32, #tpu.memory_space<hbm>>
      %dma_wait3A_59 = arith.constant 0 : i32
      %dma_wait3A_60 = tpu.memref_slice %arg12[%add3A_44, %dma_wait3A_59] : memref<10240x128xf32, #tpu.memory_space<vmem_shared>> -> memref<128x128xf32, #tpu.memory_space<vmem_shared>>
      tpu.wait_dma2 semaphore(%run_scoped3A : memref<!tpu.dma_semaphore, #tpu.memory_space<semaphore_mem>>) src(%dma_wait3A_60 : memref<128x128xf32, #tpu.memory_space<vmem_shared>>) dst(%dma_wait3A_58 : memref<128x128xf32, #tpu.memory_space<hbm>>)
      tpu.yield
    }) : () -> ()
    %add3A_45 = arith.constant 128 : i32
    %add3A_46 = arith.addi %mul3A_21, %add3A_45 : i32
    "tpu.region"() ({
      %run_scoped3A = tpu.sem_alloc : memref<!tpu.dma_semaphore, #tpu.memory_space<semaphore_mem>>
      %dma_start3A = arith.constant 0 : i32
      %dma_start3A_53 = tpu.memref_slice %arg5[%arg0, %add3A_46, %dma_start3A] : memref<2x10240x128xf32, #tpu.memory_space<hbm>> -> memref<1x128x128xf32, #tpu.memory_space<hbm>>
      %dma_start3A_54 = tpu.memref_squeeze %dma_start3A_53 : memref<1x128x128xf32, #tpu.memory_space<hbm>> -> memref<128x128xf32, #tpu.memory_space<hbm>>
      %dma_start3A_55 = arith.constant 0 : i32
      %dma_start3A_56 = tpu.memref_slice %arg12[%add3A_46, %dma_start3A_55] : memref<10240x128xf32, #tpu.memory_space<vmem_shared>> -> memref<128x128xf32, #tpu.memory_space<vmem_shared>>
      tpu.enqueue_dma source(%dma_start3A_56 : memref<128x128xf32, #tpu.memory_space<vmem_shared>>) target(%dma_start3A_54 : memref<128x128xf32, #tpu.memory_space<hbm>>) target_semaphore(%run_scoped3A : memref<!tpu.dma_semaphore, #tpu.memory_space<semaphore_mem>>)
      %dma_wait3A = arith.constant 0 : i32
      %dma_wait3A_57 = tpu.memref_slice %arg5[%arg0, %add3A_46, %dma_wait3A] : memref<2x10240x128xf32, #tpu.memory_space<hbm>> -> memref<1x128x128xf32, #tpu.memory_space<hbm>>
      %dma_wait3A_58 = tpu.memref_squeeze %dma_wait3A_57 : memref<1x128x128xf32, #tpu.memory_space<hbm>> -> memref<128x128xf32, #tpu.memory_space<hbm>>
      %dma_wait3A_59 = arith.constant 0 : i32
      %dma_wait3A_60 = tpu.memref_slice %arg12[%add3A_46, %dma_wait3A_59] : memref<10240x128xf32, #tpu.memory_space<vmem_shared>> -> memref<128x128xf32, #tpu.memory_space<vmem_shared>>
      tpu.wait_dma2 semaphore(%run_scoped3A : memref<!tpu.dma_semaphore, #tpu.memory_space<semaphore_mem>>) src(%dma_wait3A_60 : memref<128x128xf32, #tpu.memory_space<vmem_shared>>) dst(%dma_wait3A_58 : memref<128x128xf32, #tpu.memory_space<hbm>>)
      tpu.yield
    }) : () -> ()
    %add3A_47 = arith.constant 256 : i32
    %add3A_48 = arith.addi %mul3A_21, %add3A_47 : i32
    "tpu.region"() ({
      %run_scoped3A = tpu.sem_alloc : memref<!tpu.dma_semaphore, #tpu.memory_space<semaphore_mem>>
      %dma_start3A = arith.constant 0 : i32
      %dma_start3A_53 = tpu.memref_slice %arg5[%arg0, %add3A_48, %dma_start3A] : memref<2x10240x128xf32, #tpu.memory_space<hbm>> -> memref<1x128x128xf32, #tpu.memory_space<hbm>>
      %dma_start3A_54 = tpu.memref_squeeze %dma_start3A_53 : memref<1x128x128xf32, #tpu.memory_space<hbm>> -> memref<128x128xf32, #tpu.memory_space<hbm>>
      %dma_start3A_55 = arith.constant 0 : i32
      %dma_start3A_56 = tpu.memref_slice %arg12[%add3A_48, %dma_start3A_55] : memref<10240x128xf32, #tpu.memory_space<vmem_shared>> -> memref<128x128xf32, #tpu.memory_space<vmem_shared>>
      tpu.enqueue_dma source(%dma_start3A_56 : memref<128x128xf32, #tpu.memory_space<vmem_shared>>) target(%dma_start3A_54 : memref<128x128xf32, #tpu.memory_space<hbm>>) target_semaphore(%run_scoped3A : memref<!tpu.dma_semaphore, #tpu.memory_space<semaphore_mem>>)
      %dma_wait3A = arith.constant 0 : i32
      %dma_wait3A_57 = tpu.memref_slice %arg5[%arg0, %add3A_48, %dma_wait3A] : memref<2x10240x128xf32, #tpu.memory_space<hbm>> -> memref<1x128x128xf32, #tpu.memory_space<hbm>>
      %dma_wait3A_58 = tpu.memref_squeeze %dma_wait3A_57 : memref<1x128x128xf32, #tpu.memory_space<hbm>> -> memref<128x128xf32, #tpu.memory_space<hbm>>
      %dma_wait3A_59 = arith.constant 0 : i32
      %dma_wait3A_60 = tpu.memref_slice %arg12[%add3A_48, %dma_wait3A_59] : memref<10240x128xf32, #tpu.memory_space<vmem_shared>> -> memref<128x128xf32, #tpu.memory_space<vmem_shared>>
      tpu.wait_dma2 semaphore(%run_scoped3A : memref<!tpu.dma_semaphore, #tpu.memory_space<semaphore_mem>>) src(%dma_wait3A_60 : memref<128x128xf32, #tpu.memory_space<vmem_shared>>) dst(%dma_wait3A_58 : memref<128x128xf32, #tpu.memory_space<hbm>>)
      tpu.yield
    }) : () -> ()
    %add3A_49 = arith.constant 384 : i32
    %add3A_50 = arith.addi %mul3A_21, %add3A_49 : i32
    "tpu.region"() ({
      %run_scoped3A = tpu.sem_alloc : memref<!tpu.dma_semaphore, #tpu.memory_space<semaphore_mem>>
      %dma_start3A = arith.constant 0 : i32
      %dma_start3A_53 = tpu.memref_slice %arg5[%arg0, %add3A_50, %dma_start3A] : memref<2x10240x128xf32, #tpu.memory_space<hbm>> -> memref<1x128x128xf32, #tpu.memory_space<hbm>>
      %dma_start3A_54 = tpu.memref_squeeze %dma_start3A_53 : memref<1x128x128xf32, #tpu.memory_space<hbm>> -> memref<128x128xf32, #tpu.memory_space<hbm>>
      %dma_start3A_55 = arith.constant 0 : i32
      %dma_start3A_56 = tpu.memref_slice %arg12[%add3A_50, %dma_start3A_55] : memref<10240x128xf32, #tpu.memory_space<vmem_shared>> -> memref<128x128xf32, #tpu.memory_space<vmem_shared>>
      tpu.enqueue_dma source(%dma_start3A_56 : memref<128x128xf32, #tpu.memory_space<vmem_shared>>) target(%dma_start3A_54 : memref<128x128xf32, #tpu.memory_space<hbm>>) target_semaphore(%run_scoped3A : memref<!tpu.dma_semaphore, #tpu.memory_space<semaphore_mem>>)
      %dma_wait3A = arith.constant 0 : i32
      %dma_wait3A_57 = tpu.memref_slice %arg5[%arg0, %add3A_50, %dma_wait3A] : memref<2x10240x128xf32, #tpu.memory_space<hbm>> -> memref<1x128x128xf32, #tpu.memory_space<hbm>>
      %dma_wait3A_58 = tpu.memref_squeeze %dma_wait3A_57 : memref<1x128x128xf32, #tpu.memory_space<hbm>> -> memref<128x128xf32, #tpu.memory_space<hbm>>
      %dma_wait3A_59 = arith.constant 0 : i32
      %dma_wait3A_60 = tpu.memref_slice %arg12[%add3A_50, %dma_wait3A_59] : memref<10240x128xf32, #tpu.memory_space<vmem_shared>> -> memref<128x128xf32, #tpu.memory_space<vmem_shared>>
      tpu.wait_dma2 semaphore(%run_scoped3A : memref<!tpu.dma_semaphore, #tpu.memory_space<semaphore_mem>>) src(%dma_wait3A_60 : memref<128x128xf32, #tpu.memory_space<vmem_shared>>) dst(%dma_wait3A_58 : memref<128x128xf32, #tpu.memory_space<hbm>>)
      tpu.yield
    }) : () -> ()
    %add3A_51 = arith.constant 512 : i32
    %add3A_52 = arith.addi %mul3A_21, %add3A_51 : i32
    "tpu.region"() ({
      %run_scoped3A = tpu.sem_alloc : memref<!tpu.dma_semaphore, #tpu.memory_space<semaphore_mem>>
      %dma_start3A = arith.constant 0 : i32
      %dma_start3A_53 = tpu.memref_slice %arg5[%arg0, %add3A_52, %dma_start3A] : memref<2x10240x128xf32, #tpu.memory_space<hbm>> -> memref<1x128x128xf32, #tpu.memory_space<hbm>>
      %dma_start3A_54 = tpu.memref_squeeze %dma_start3A_53 : memref<1x128x128xf32, #tpu.memory_space<hbm>> -> memref<128x128xf32, #tpu.memory_space<hbm>>
      %dma_start3A_55 = arith.constant 0 : i32
      %dma_start3A_56 = tpu.memref_slice %arg12[%add3A_52, %dma_start3A_55] : memref<10240x128xf32, #tpu.memory_space<vmem_shared>> -> memref<128x128xf32, #tpu.memory_space<vmem_shared>>
      tpu.enqueue_dma source(%dma_start3A_56 : memref<128x128xf32, #tpu.memory_space<vmem_shared>>) target(%dma_start3A_54 : memref<128x128xf32, #tpu.memory_space<hbm>>) target_semaphore(%run_scoped3A : memref<!tpu.dma_semaphore, #tpu.memory_space<semaphore_mem>>)
      %dma_wait3A = arith.constant 0 : i32
      %dma_wait3A_57 = tpu.memref_slice %arg5[%arg0, %add3A_52, %dma_wait3A] : memref<2x10240x128xf32, #tpu.memory_space<hbm>> -> memref<1x128x128xf32, #tpu.memory_space<hbm>>
      %dma_wait3A_58 = tpu.memref_squeeze %dma_wait3A_57 : memref<1x128x128xf32, #tpu.memory_space<hbm>> -> memref<128x128xf32, #tpu.memory_space<hbm>>
      %dma_wait3A_59 = arith.constant 0 : i32
      %dma_wait3A_60 = tpu.memref_slice %arg12[%add3A_52, %dma_wait3A_59] : memref<10240x128xf32, #tpu.memory_space<vmem_shared>> -> memref<128x128xf32, #tpu.memory_space<vmem_shared>>
      tpu.wait_dma2 semaphore(%run_scoped3A : memref<!tpu.dma_semaphore, #tpu.memory_space<semaphore_mem>>) src(%dma_wait3A_60 : memref<128x128xf32, #tpu.memory_space<vmem_shared>>) dst(%dma_wait3A_58 : memref<128x128xf32, #tpu.memory_space<hbm>>)
      tpu.yield
    }) : () -> ()
    return
  }
}

module attributes {stable_mosaic.version = 14 : i64} {
  func.func @_prep_body(%arg0: i32, %arg1: memref<400x128xf32, #tpu.memory_space<vmem>>, %arg2: memref<128x128xf32, #tpu.memory_space<vmem>>, %arg3: memref<1x128xf32, #tpu.memory_space<vmem>>, %arg4: memref<400x128xf32, #tpu.memory_space<vmem>>) attributes {dimension_semantics = [#tpu.dimension_semantics<arbitrary>], iteration_bounds = array<i64: 25>, scalar_prefetch = 0 : i64, scratch_operands = 0 : i64, tpu.core_type = #tpu.core_type<tc>, window_params = [{transform_indices = @transform_0, window_bounds = array<i64: 400, 128>}, {pipeline_mode = #tpu.pipeline_mode<synchronous>, transform_indices = @transform_1, window_bounds = array<i64: 128, 128>}, {pipeline_mode = #tpu.pipeline_mode<synchronous>, transform_indices = @transform_2, window_bounds = array<i64: 1, 128>}, {transform_indices = @transform_3, window_bounds = array<i64: 400, 128>}]} {
    %get3A = arith.constant 0 : index
    %get3A_0 = arith.constant 0 : index
    %get3A_1 = vector.load %arg1[%get3A, %get3A_0] : memref<400x128xf32, #tpu.memory_space<vmem>>, vector<400x128xf32>
    %get3A_2 = arith.constant 0 : index
    %get3A_3 = arith.constant 0 : index
    %get3A_4 = vector.load %arg2[%get3A_2, %get3A_3] : memref<128x128xf32, #tpu.memory_space<vmem>>, vector<128x128xf32>
    %dot_general3A = arith.constant dense<0.000000e+00> : vector<400x128xf32>
    %dot_general3A_5 = tpu.matmul %get3A_1, %get3A_4, %dot_general3A {dimension_numbers = #tpu.dot_dimension_numbers<[1], [0], [0], [1], [0, 0, 1, 1], [], []>, transpose_lhs_hint = false} : vector<400x128xf32>, vector<128x128xf32>, vector<400x128xf32> -> vector<400x128xf32>
    %get3A_6 = arith.constant 0 : index
    %get3A_7 = arith.constant 0 : index
    %get3A_8 = vector.load %arg3[%get3A_6, %get3A_7] : memref<1x128xf32, #tpu.memory_space<vmem>>, vector<1x128xf32>
    %add3A = vector.broadcast %get3A_8 : vector<1x128xf32> to vector<400x128xf32>
    %add3A_9 = arith.addf %dot_general3A_5, %add3A : vector<400x128xf32>
    %max3A = arith.constant 0.000000e+00 : f32
    %max3A_10 = vector.broadcast %max3A : f32 to vector<400x128xf32>
    %max3A_11 = arith.maximumf %add3A_9, %max3A_10 : vector<400x128xf32>
    %swap3A = arith.constant 0 : index
    %swap3A_12 = arith.constant 0 : index
    %swap3A_13 = vector.load %arg4[%swap3A, %swap3A_12] : memref<400x128xf32, #tpu.memory_space<vmem>>, vector<400x128xf32>
    tpu.vector_store %arg4[%swap3A, %swap3A_12], %max3A_11 {strides = array<i32>} : memref<400x128xf32, #tpu.memory_space<vmem>>, vector<400x128xf32>,
    return
  }
  func.func @transform_0(%arg0: i32) -> (i32, i32) {
    %c0_i32 = arith.constant 0 : i32
    %c0_i32_0 = arith.constant 0 : i32
    return %arg0, %c0_i32 : i32, i32
  }
  func.func @transform_1(%arg0: i32) -> (i32, i32) {
    %c0_i32 = arith.constant 0 : i32
    %c0_i32_0 = arith.constant 0 : i32
    %c0_i32_1 = arith.constant 0 : i32
    return %c0_i32, %c0_i32_0 : i32, i32
  }
  func.func @transform_2(%arg0: i32) -> (i32, i32) {
    %c0_i32 = arith.constant 0 : i32
    %c0_i32_0 = arith.constant 0 : i32
    %c0_i32_1 = arith.constant 0 : i32
    return %c0_i32, %c0_i32_0 : i32, i32
  }
  func.func @transform_3(%arg0: i32) -> (i32, i32) {
    %c0_i32 = arith.constant 0 : i32
    %c0_i32_0 = arith.constant 0 : i32
    return %arg0, %c0_i32 : i32, i32
  }
}

module attributes {stable_mosaic.version = 14 : i64} {
  func.func @_upd_body(%arg0: i32, %arg1: memref<512x128xf32, #tpu.memory_space<vmem>>, %arg2: memref<2x512x128xf32, #tpu.memory_space<vmem>>, %arg3: memref<32x512xf32, #tpu.memory_space<vmem>>, %arg4: memref<256x128xf32, #tpu.memory_space<vmem>>, %arg5: memref<1x128xf32, #tpu.memory_space<vmem>>, %arg6: memref<512x128xf32, #tpu.memory_space<vmem>>) attributes {dimension_semantics = [#tpu.dimension_semantics<arbitrary>], iteration_bounds = array<i64: 20>, scalar_prefetch = 0 : i64, scratch_operands = 0 : i64, tpu.core_type = #tpu.core_type<tc>, window_params = [{transform_indices = @transform_0, window_bounds = array<i64: 512, 128>}, {transform_indices = @transform_1, window_bounds = array<i64: 2, 512, 128>}, {transform_indices = @transform_2, window_bounds = array<i64: 32, 512>}, {pipeline_mode = #tpu.pipeline_mode<synchronous>, transform_indices = @transform_3, window_bounds = array<i64: 256, 128>}, {pipeline_mode = #tpu.pipeline_mode<synchronous>, transform_indices = @transform_4, window_bounds = array<i64: 1, 128>}, {transform_indices = @transform_5, window_bounds = array<i64: 512, 128>}]} {
    %get3A = arith.constant 0 : index
    %get3A_0 = arith.constant 0 : index
    %get3A_1 = arith.constant 0 : index
    %get3A_2 = vector.load %arg2[%get3A, %get3A_0, %get3A_1] : memref<2x512x128xf32, #tpu.memory_space<vmem>>, vector<1x512x128xf32>
    %get3A_3 = vector.shape_cast %get3A_2 : vector<1x512x128xf32> to vector<512x128xf32>
    %get3A_4 = arith.constant 1 : index
    %get3A_5 = arith.constant 0 : index
    %get3A_6 = arith.constant 0 : index
    %get3A_7 = vector.load %arg2[%get3A_4, %get3A_5, %get3A_6] : memref<2x512x128xf32, #tpu.memory_space<vmem>>, vector<1x512x128xf32>
    %get3A_8 = vector.shape_cast %get3A_7 : vector<1x512x128xf32> to vector<512x128xf32>
    %add3A = arith.addf %get3A_3, %get3A_8 : vector<512x128xf32>
    %get3A_9 = arith.constant 0 : index
    %get3A_10 = arith.constant 0 : index
    %get3A_11 = vector.load %arg3[%get3A_9, %get3A_10] : memref<32x512xf32, #tpu.memory_space<vmem>>, vector<32x512xf32>
    %reduce_sum3A = arith.constant dense<0.000000e+00> : vector<512xf32>
    %reduce_sum3A_12 = vector.multi_reduction <add>, %get3A_11, %reduce_sum3A [0] : vector<32x512xf32> to vector<512xf32>
    %max3A = arith.constant 1.000000e+00 : f32
    %max3A_13 = vector.broadcast %max3A : f32 to vector<512xf32>
    %max3A_14 = arith.maximumf %reduce_sum3A_12, %max3A_13 : vector<512xf32>
    %div3A = arith.constant 1.000000e+00 : f32
    %div3A_15 = vector.broadcast %div3A : f32 to vector<512xf32>
    %div3A_16 = arith.divf %div3A_15, %max3A_14 : vector<512xf32>
    %broadcast_in_dim3A = vector.shape_cast %div3A_16 : vector<512xf32> to vector<1x512xf32>
    %broadcast_in_dim3A_17 = vector.broadcast %broadcast_in_dim3A : vector<1x512xf32> to vector<128x512xf32>
    %transpose3A = tpu.transpose %broadcast_in_dim3A_17, [1, 0] : vector<128x512xf32> -> vector<512x128xf32>
    %mul3A = arith.mulf %add3A, %transpose3A : vector<512x128xf32>
    %get3A_18 = arith.constant 0 : index
    %get3A_19 = arith.constant 0 : index
    %get3A_20 = vector.load %arg1[%get3A_18, %get3A_19] : memref<512x128xf32, #tpu.memory_space<vmem>>, vector<512x128xf32>
    %get3A_21 = arith.constant 0 : index
    %get3A_22 = arith.constant 0 : index
    %get3A_23 = vector.load %arg4[%get3A_21, %get3A_22] : memref<256x128xf32, #tpu.memory_space<vmem>>, vector<128x128xf32>
    %dot_general3A = arith.constant dense<0.000000e+00> : vector<512x128xf32>
    %dot_general3A_24 = tpu.matmul %get3A_20, %get3A_23, %dot_general3A {dimension_numbers = #tpu.dot_dimension_numbers<[1], [0], [0], [1], [0, 0, 1, 1], [], []>, transpose_lhs_hint = false} : vector<512x128xf32>, vector<128x128xf32>, vector<512x128xf32> -> vector<512x128xf32>
    %get3A_25 = arith.constant 128 : index
    %get3A_26 = arith.constant 0 : index
    %get3A_27 = vector.load %arg4[%get3A_25, %get3A_26] : memref<256x128xf32, #tpu.memory_space<vmem>>, vector<128x128xf32>
    %dot_general3A_28 = arith.constant dense<0.000000e+00> : vector<512x128xf32>
    %dot_general3A_29 = tpu.matmul %mul3A, %get3A_27, %dot_general3A_28 {dimension_numbers = #tpu.dot_dimension_numbers<[1], [0], [0], [1], [0, 0, 1, 1], [], []>, transpose_lhs_hint = false} : vector<512x128xf32>, vector<128x128xf32>, vector<512x128xf32> -> vector<512x128xf32>
    %add3A_30 = arith.addf %dot_general3A_24, %dot_general3A_29 : vector<512x128xf32>
    %get3A_31 = arith.constant 0 : index
    %get3A_32 = arith.constant 0 : index
    %get3A_33 = vector.load %arg5[%get3A_31, %get3A_32] : memref<1x128xf32, #tpu.memory_space<vmem>>, vector<1x128xf32>
    %add3A_34 = vector.broadcast %get3A_33 : vector<1x128xf32> to vector<512x128xf32>
    %add3A_35 = arith.addf %add3A_30, %add3A_34 : vector<512x128xf32>
    %max3A_36 = arith.constant 0.000000e+00 : f32
    %max3A_37 = vector.broadcast %max3A_36 : f32 to vector<512x128xf32>
    %max3A_38 = arith.maximumf %add3A_35, %max3A_37 : vector<512x128xf32>
    %swap3A = arith.constant 0 : index
    %swap3A_39 = arith.constant 0 : index
    %swap3A_40 = vector.load %arg6[%swap3A, %swap3A_39] : memref<512x128xf32, #tpu.memory_space<vmem>>, vector<512x128xf32>
    tpu.vector_store %arg6[%swap3A, %swap3A_39], %max3A_38 {strides = array<i32>} : memref<512x128xf32, #tpu.memory_space<vmem>>, vector<512x128xf32>,
    return
  }
  func.func @transform_0(%arg0: i32) -> (i32, i32) {
    %c0_i32 = arith.constant 0 : i32
    %c0_i32_0 = arith.constant 0 : i32
    return %arg0, %c0_i32 : i32, i32
  }
  func.func @transform_1(%arg0: i32) -> (i32, i32, i32) {
    %c0_i32 = arith.constant 0 : i32
    %c0_i32_0 = arith.constant 0 : i32
    %c0_i32_1 = arith.constant 0 : i32
    return %c0_i32, %arg0, %c0_i32_0 : i32, i32, i32
  }
  func.func @transform_2(%arg0: i32) -> (i32, i32) {
    %c0_i32 = arith.constant 0 : i32
    %c0_i32_0 = arith.constant 0 : i32
    return %c0_i32, %arg0 : i32, i32
  }
  func.func @transform_3(%arg0: i32) -> (i32, i32) {
    %c0_i32 = arith.constant 0 : i32
    %c0_i32_0 = arith.constant 0 : i32
    %c0_i32_1 = arith.constant 0 : i32
    return %c0_i32, %c0_i32_0 : i32, i32
  }
  func.func @transform_4(%arg0: i32) -> (i32, i32) {
    %c0_i32 = arith.constant 0 : i32
    %c0_i32_0 = arith.constant 0 : i32
    %c0_i32_1 = arith.constant 0 : i32
    return %c0_i32, %c0_i32_0 : i32, i32
  }
  func.func @transform_5(%arg0: i32) -> (i32, i32) {
    %c0_i32 = arith.constant 0 : i32
    %c0_i32_0 = arith.constant 0 : i32
    return %arg0, %c0_i32 : i32, i32
  }
}

</mosaic_0001>

<sc_bundles>
// kernel: kernel.5.cloned.1.call-start
scs
__scs_entry_jumppad:
0x0: {  	(pc) =	sbr.rel $0x88, $3  }
0x1: {  	(tag) =	ssettag $0x0;
	lr =	simm.s32 $0x1  }
0x2: {  	[smem:$0x3F9B] =	sst lr;
	_ =	strace $0xD0000000  }
0x3: {  	_ = 	snop  }
0x4: {  	_ = 	snop  }
0x5: {  	_ = 	snop  }
0x6: {  	_ = 	snop  }
0x7: {  	_ = 	snop  }
__scs_overlays_trampoline_lowered:
0x8: {  	[smem:$0x3FAA] =	sst s0  }
0x9: {  	[smem:$0x3FAB] =	sst s1  }
0xa: {  	[smem:$0x3FAC] =	sst s2  }
0xb: {  	[smem:$0x3FAD] =	sst s3  }
0xc: {  	[smem:$0x3FAE] =	sst s4  }
0xd: {  	[smem:$0x3FAF] =	sst s5  }
0xe: {  	[smem:$0x3FB0] =	sst s6  }
0xf: {  	[smem:$0x3FB1] =	sst s7  }
0x10: {  	[smem:$0x3FB2] =	sst s8  }
0x11: {  	[smem:$0x3FB3] =	sst s9;
	s0 =	simm.s32 @!p0 $0x0  }
0x12: {  	s1 =	sld [smem:$0x3F99];
	s0 =	simm.s32 @p0 $0x1  }
0x13: {  	[smem:$0x3FB4] =	sst s0;
	s0 =	simm.s32 @!p1 $0x0  }
0x14: {  	s2 =	sld [smem:$0x3F98];
	s0 =	simm.s32 @p1 $0x1  }
0x15: {  	[smem:$0x3FB5] =	sst s0;
	s0 =	simm.s32 @!p2 $0x0  }
0x16: {  	s3 =	sld [smem:$0x3FDB];
	s0 =	simm.s32 @p2 $0x1  }
0x17: {  	s4 =	simm.s32 $0x1BF5;
	[smem:$0x3FB7] =	sst s0  }
0x18: {  	s0 =	sld [smem:$0x3F9A];
	_ =	swait.ge [sflag:s4], $0x0  }
0x19: {  	s7 =	sld [smem:$0x3F9B]  }
0x1a: {  	s8 =	sadd.s32 $0xFFFFE003, lr  }
0x1b: {  	s9 =	sadd.s32 $0xFFFFFEF7, lr;
	s5 =	simm.s32 $0xFFFFFFFF;
	p2 =	slt.u32 s8, $0xFFFFF086  }
0x1c: {  	p1 =	slt.u32 s9, $0xF7A;
	s5 =	simm.s32 @!p2 $0x0  }
0x1d: {  	s5 =	simm.s32 @p1 $0x1;
	p0 =	seq.s32 s7, s2  }
0x1e: {  	s7 =	smul.u32 @!p0 $0xF7A, s2;
	p2 =	seq.s32 @!p0 s5, $0x0  }
0x1f: {  	s9 =	smul.u32 $0xF7A, s1;
	s8 =	simm.s32 @!p0 $0x1BF5;
	p2 =	por !p2, p0  }
0x20: {  	[sflag:s8] =	ssyncset.s32 @!p0 $0xFFFFF086;
	s6 =	sadd.s32 @!p0 s3, s7;
	s7 =	simm.s32 @!p0 $0x108  }
0x21: {  	s3 =	sadd.s32 s3, s9;
	s6 =	sadd.s32 @!p0 $0x88, s6;
	s7 =	simm.s32 @p2 $0x1082  }
0x22: {  	[simem:s7], [sflag:s8] =	dma.local @!p0 [hbm:s6], $0xF7A  }
0x23: {  	s9 =	sor.u32 $0xD0000000, s2;
	s6 =	simm.s32 $0x108;
	_ =	swait.ge @!p0 [sflag:s8], $0x0  }
0x24: {  	s3 =	sadd.s32 $0x88, s3;
	s6 =	simm.s32 @!p1 $0x1082;
	[sflag:s4] =	ssyncset.s32 $0xFFFFF086  }
0x25: {  	[simem:s6], [sflag:s4] =	dma.local [hbm:s3], $0xF7A  }
0x26: {  	[smem:$0x3F9B] =	sst s1;
	(tag) =	ssettag s2;
	_ =	strace s9  }
0x27: {  	s1 =	sld [smem:$0x3FAB]  }
0x28: {  	s2 =	sld [smem:$0x3FAC]  }
0x29: {  	s4 =	sld [smem:$0x3FAE]  }
0x2a: {  	p0 =	seq.s32 s5, $0x0;
	s5 =	sld [smem:$0x3FAF]  }
0x2b: {  	s6 =	sld [smem:$0x3FB0]  }
0x2c: {  	s7 =	sld [smem:$0x3FB1]  }
0x2d: {  	s3 =	simm.s32 $0x108;
	s8 =	sld [smem:$0x3FB2]  }
0x2e: {  	s3 =	simm.s32 @!p0 $0x1082;
	s9 =	sld [smem:$0x3FB3]  }
0x2f: {  	lr =	sadd.s32 s0, s3;
	s0 =	sld [smem:$0x3FAA]  }
0x30: {  	s3 =	sld [smem:$0x3FAD]  }
0x31: {  	[smem:$0x3FB6] =	sst s10  }
0x32: {  	s10 =	sld [smem:$0x3FB4];
	_ =	sdelay $0x3  }
0x33: {  	p0 =	seq.s32 s10, $0x1;
	s10 =	sld [smem:$0x3FB6];
	_ =	sdelay $0x3  }
0x34: {  	[smem:$0x3FB6] =	sst s10  }
0x35: {  	s10 =	sld [smem:$0x3FB5];
	_ =	sdelay $0x3  }
0x36: {  	p1 =	seq.s32 s10, $0x1;
	s10 =	sld [smem:$0x3FB6];
	_ =	sdelay $0x3  }
0x37: {  	[smem:$0x3FB6] =	sst s10  }
0x38: {  	s10 =	sld [smem:$0x3FB7]  }
0x39: {  	_ = 	snop;
	(pc) =	sbr.ind lr, $3  }
0x3a: {  	_ = 	snop  }
0x3b: {  	_ = 	snop  }
0x3c: {  	p2 =	seq.s32 s10, $0x1;
	s10 =	sld [smem:$0x3FB6]  }
0x3d: {  	_ =	shalt  }
0x3e: {  	_ =	shalt  }
0x3f: {  	_ =	shalt  }
0x40: {  	_ =	shalt  }
0x41: {  	_ =	shalt  }
0x42: {  	_ =	shalt  }
0x43: {  	_ =	shalt  }
0x44: {  	_ =	shalt  }
0x45: {  	_ =	shalt  }
0x46: {  	_ =	shalt  }
0x47: {  	_ =	shalt  }
0x48: {  	_ =	shalt  }
0x49: {  	_ =	shalt  }
0x4a: {  	_ =	shalt  }
0x4b: {  	_ =	shalt  }
0x4c: {  	_ =	shalt  }
0x4d: {  	_ =	shalt  }
0x4e: {  	_ =	shalt  }
0x4f: {  	_ =	shalt  }
0x50: {  	_ =	shalt  }
0x51: {  	_ =	shalt  }
0x52: {  	_ =	shalt  }
0x53: {  	_ =	shalt  }
0x54: {  	_ =	shalt  }
0x55: {  	_ =	shalt  }
0x56: {  	_ =	shalt  }
0x57: {  	_ =	shalt  }
0x58: {  	_ =	shalt  }
0x59: {  	_ =	shalt  }
0x5a: {  	_ =	shalt  }
0x5b: {  	_ =	shalt  }
0x5c: {  	_ =	shalt  }
0x5d: {  	_ =	shalt  }
0x5e: {  	_ =	shalt  }
0x5f: {  	_ =	shalt  }
0x60: {  	_ =	shalt  }
0x61: {  	_ =	shalt  }
0x62: {  	_ =	shalt  }
0x63: {  	_ =	shalt  }
0x64: {  	_ =	shalt  }
0x65: {  	_ =	shalt  }
0x66: {  	_ =	shalt  }
0x67: {  	_ =	shalt  }
0x68: {  	_ =	shalt  }
0x69: {  	_ =	shalt  }
0x6a: {  	_ =	shalt  }
0x6b: {  	_ =	shalt  }
0x6c: {  	_ =	shalt  }
0x6d: {  	_ =	shalt  }
0x6e: {  	_ =	shalt  }
0x6f: {  	_ =	shalt  }
0x70: {  	_ =	shalt  }
0x71: {  	_ =	shalt  }
0x72: {  	_ =	shalt  }
0x73: {  	_ =	shalt  }
0x74: {  	_ =	shalt  }
0x75: {  	_ =	shalt  }
0x76: {  	_ =	shalt  }
0x77: {  	_ =	shalt  }
0x78: {  	_ =	shalt  }
0x79: {  	_ =	shalt  }
0x7a: {  	_ =	shalt  }
0x7b: {  	_ =	shalt  }
0x7c: {  	_ =	shalt  }
0x7d: {  	_ =	shalt  }
0x7e: {  	_ =	shalt  }
0x7f: {  	_ =	shalt  }
0x80: {  	_ =	shalt  }
0x81: {  	_ =	shalt  }
0x82: {  	_ =	shalt  }
0x83: {  	_ =	shalt  }
0x84: {  	_ =	shalt  }
0x85: {  	_ =	shalt  }
0x86: {  	_ =	shalt  }
0x87: {  	_ =	shalt  }
.Lfunc_end0:
.L_simem_size_0:
called_computation_lowered:
.L_overlay_start_0:
0x88: {  	s2 =	sld [smem:$0x3FD9]  }
0x89: {  	s3 =	sld [smem:$0x3FFE];
	_ =	sdelay $0x1  }
0x8a: {  	s1 =	srdreg.scid  }
0x8b: {  	s0 =	sand.u32 $0x1, s1  }
0x8c: {  	s17 =	sshll.u32 s0, $0xA;
	s2 =	sadd.s32 s3, s2  }
0x8d: {  	s2 =	sadd.s32 s2, s17  }
0x8e: {  	[smem:$0x3FC2] =	sst s2  }
0x8f: {  	_ = 	snop  }
0x90: {  	s2 =	sld [smem:$0x3FD0];
	(tm) =	ssettm $0x1  }
0x91: {  	s18 =	sld [smem:$0x3FFB];
	_ =	sdelay $0x3  }
0x92: {  	_ =	strace s18  }
0x93: {  	s3 =	sld [smem:$0x3FFC];
	_ =	sdelay $0x3  }
0x94: {  	_ =	strace s3  }
0x95: {  	s3 =	sld [smem:$0x3FFD];
	_ =	sdelay $0x3  }
0x96: {  	_ =	strace s3  }
0x97: {  	_ =	strace $0x8FFFFFFF  }
0x98: {  	s19 =	sld [smem:$0x3FDB];
	_ =	sdelay $0x1  }
0x99: {  	s4 =	simm.s32 $_scs_section_size  }
0x9a: {  	s5 =	simm.s32 $_size__tile_overlayer_lowered;
	s6 =	simm.s32 $_tile_overlayer_lowered  }
0x9b: {  	s22 =	simm.s32 $0x1BFF;
	s21 =	sshll.u32 s6, $0x1;
	s3 =	sadd.s32 s4, s19  }
0x9c: {  	s7 =	simm.s32 $0x0;
	s20 =	sshll.u32 s5, $0x1;
	s5 =	sadd.s32 s21, s3  }
0x9d: {  	[timem:s7], [sflag:s22] =	dma.local [hbm:s5], s20  }
0x9e: {  	_ =	swait.ge [sflag:s22], s20  }
0x9f: {  	s4 =	ssub.s32 $0x0, s20;
	[sflag:s22] =	ssyncset.done $0x0  }
0xa0: {  	[sflag:s22] =	ssyncadd.s32 s4;
	_ =	sdelay $0x1  }
0xa1: {  	s23 =	simm.s32 $0x1B8B  }
0xa2: {  	_ =	swait.ge [sflag:s23], $0x1  }
0xa3: {  	[sflag:s23] =	ssyncset.done $0x0  }
0xa4: {  	s25 =	simm.s32 $0x1B8E;
	s24 =	sld [smem:$0x3FFE];
	[sflag:s23] =	ssyncadd.s32 $0xFFFFFFFF  }
0xa5: {  	s26 =	simm.s32 $execute0_lowered;
	[smem:$0x3FD2] =	sst s25  }
0xa6: {  	s5 =	sshll.u32 s26, $0x1;
	_ =	strace $0x80000046;
	[dreg:$0x1] =	wrdreg $0xFFFFFFFF  }
0xa7: {  	s28 =	simm.s32 $_size_execute0_lowered;
	s3 =	sadd.s32 s3, s5;
	[dreg:$0x0] =	wrdreg $0x0  }
0xa8: {  	s5 =	sshll.u32 s28, $0x1;
	[dreg:$0x2] =	wrdreg s3  }
0xa9: {  	[dreg:$0x3] =	wrdreg s5  }
0xaa: {  	[dreg:$0x4] =	wrdreg $0xC0  }
0xab: {  	_ =	task [dreg:s7], $0x5FFFF  }
0xac: {  	[dreg:$0x1] =	wrdreg $0xFFFFFFFF  }
0xad: {  	[dreg:$0x0] =	wrdreg $0x60  }
0xae: {  	[dreg:$0x2] =	wrdreg s2  }
0xaf: {  	[dreg:$0x3] =	wrdreg s24  }
0xb0: {  	[dreg:$0x4] =	wrdreg $0xB0000  }
0xb1: {  	[dreg:$0x5] =	wrdreg $0x9  }
0xb2: {  	_ =	task.clear_ibuf [dreg:s7], $0x6FFFF;
	_ =	strace $0x90000046  }
0xb3: {  	s29 =	simm.s32 $0x9;
	_ =	strace $0x80000048  }
0xb4: {  	_ =	swait.ge [sflag:s29], $0x1  }
0xb5: {  	[sflag:s29] =	ssyncadd.s32 $0xFFFFFFFF  }
0xb6: {  	_ =	strace $0x90000048  }
0xb7: {  	_ =	sfence  }
0xb8: {  	s30 =	sld [smem:$0x0];
	_ =	sdelay $0x2  }
0xb9: {  	s31 =	sshll.u32 s1, $0xD;
	s1 =	sshrl.u32 s1, $0x2  }
0xba: {  	s3 =	sand.u32 $0x4000, s31;
	s1 =	sadd.s32 s1, s30  }
0xbb: {  	s0 =	sor.u32 s3, s0;
	s1 =	sshll.u32 s1, $0x11  }
0xbc: {  	s0 =	sor.u32 s1, s0  }
0xbd: {  	s0 =	sadd.s32 $0x8F2B, s0  }
0xbe: {  	[sflag:s0] =	ssyncadd.remote.s32 $0x1  }
0xbf: {  	_ =	sfence.sel $0xFFFF  }
0xc0: {  	[dreg:$0x0] =	wrdreg $0xFFFFFFFF;
	(pc) =	sbr.abs _section_cstart, $3  }
0xc1: {  	[dreg:$0x1] =	wrdreg $0xFFFFFFFF  }
0xc2: {  	_ =	task.clear_ibuf [dreg:s7], $0x2FFFF;
	_ =	strace $0x9FFFFFFF  }
0xc3: {  	(tm) =	ssettm $0x7FFFFFFF  }
tec
execute0_lowered:
.L_overlay_start_1:
0x0: {  	(tag) =	ssettag $0x1  }
0x1: {  	s1 =	rddreg [dreg:$0x0]  }
0x2: {  	s0 =	rddreg [dreg:$0x1]  }
0x3: {  	s3 =	rddreg [dreg:$0x2];
	s10 =	stileid.u32  }
0x4: {  	s2 =	srdreg.scid;
	s5 =	smul.u32 $0x90, s10  }
0x5: {  	s28 =	simm.s32 $0x100;
	s29 =	simm.s32 $0x2;
	s7 =	smul.u32 $0x2800, s10  }
0x6: {  	s30 =	simm.s32 $0x480;
	s31 =	simm.s32 $0x180;
	s8 =	smul.u32 $0x50000, s10  }
0x7: {  	s2 =	sand.u32 $0x1, s2;
	s4 =	sshll.u32 s10, $0x4;
	s11 =	smul.u32 $0x14000, s10  }
0x8: {  	s12 =	sadd.s32 $0x1F000, s0;
	p0 =	seq.s32 s2, $0x0;
	s6 =	sor.u32 $0x900, s4  }
0x9: {  	s4 =	simm.s32 $0x0;
	s22 =	smul.u32 $0x28000, s2;
	s23 =	ssub.s32 $0x2, s2  }
0xa: {  	s2 =	smul.u32 $0x140000, s2;
	s6 =	smov.u32 @p0 s5;
	[smem:$0x7FF] =	sst s4  }
0xb: {  	s9 =	sshrl.u32 s23, $0x1;
	s24 =	sshrl.u32 s8, $0x2;
	s13 =	sadd.s32 $0x4000, s11  }
0xc: {  	s26 =	sadd.s32 $0x8000, s11;
	s14 =	sadd.s32 $0xC000, s11;
	s6 =	sshll.u32 s6, $0x4  }
0xd: {  	_ =	strace $0x80000047;
	s5 =	sadd.s32 s7, s22;
	s19 =	sadd.s32 s24, s3  }
0xe: {  	s25 =	sadd.s32 s13, s3;
	s15 =	sadd.s32 s26, s3;
	s13 =	sadd.s32 s2, s13  }
0xf: {  	s20 =	sadd.s32 s2, s26;
	s21 =	sadd.s32 s2, s14;
	[dreg:$0x5] =	wrdreg s25  }
0x10: {  	s6 =	sadd.s32 s6, s0;
	s5 =	sshrl.u32 s5, $0x3;
	[dreg:$0x6] =	wrdreg s15  }
0x11: {  	s15 =	sadd.s32 $0x10000, s11;
	s11 =	sadd.s32 s11, s2;
	s17 =	sshrl.u32 s13, $0x3  }
0x12: {  	s22 =	sshrl.u32 s21, $0x3;
	s21 =	simm.s32 $0x3;
	s13 =	simm.s32 $0x600  }
0x13: {  	s0 =	sadd.s32 s5, s0;
	s5 =	ssub.s32 s23, s9;
	s9 =	simm.s32 $0x12  }
0x14: {  	s10 =	sadd.s32 s15, s3;
	s16 =	sshrl.u32 s11, $0x3;
	s18 =	sadd.s32 s12, s17  }
0x15: {  	s2 =	sadd.s32 s2, s15;
	s25 =	sadd.s32 $0x1000, s6;
	s26 =	sadd.s32 $0xB000, s6  }
0x16: {  	s11 =	simm.s32 $0x580;
	s15 =	simm.s32 $0x680;
	s17 =	simm.s32 $0x780  }
0x17: {  	s9 =	simm.s32 @!p0 $0x2;
	s0 =	sadd.s32 $0x15000, s0;
	[dreg:$0x9] =	wrdreg s18  }
0x18: {  	s2 =	sshrl.u32 s2, $0x3;
	s24 =	smax.u32 s5, $0x1;
	[dreg:$0xe] =	wrdreg s25  }
0x19: {  	[dreg:$0xf] =	wrdreg s26;
	s25 =	simm.s32 $0x8800;
	s26 =	simm.s32 $0x1  }
0x1a: {  	s5 =	simm.s32 $0x380;
	s18 =	simm.s32 $0x0;
	[dreg:$0x4] =	wrdreg s9  }
0x1b: {  	s9 =	sadd.s32 s14, s3;
	[dreg:$0x7] =	wrdreg s0;
	s0 =	sadd.s32 s12, s16  }
0x1c: {  	s23 =	sadd.s32 s12, s2;
	[dreg:$0xd] =	wrdreg s24;
	s24 =	simm.s32 $0x4800  }
0x1d: {  	s2 =	simm.s32 $0x500;
	s14 =	simm.s32 $0x300;
	[dreg:$0x8] =	wrdreg s0  }
0x1e: {  	s16 =	simm.s32 $0x700;
	s0 =	sshrl.u32 s20, $0x3;
	[dreg:$0xc] =	wrdreg s23  }
0x1f: {  	s20 =	simm.s32 $0x800;
	s23 =	simm.s32 $0x80;
	s0 =	sadd.s32 s12, s0  }
0x20: {  	[dreg:$0xa] =	wrdreg s0;
	s0 =	sadd.s32 s12, s22;
	s22 =	simm.s32 $0x400  }
0x21: {  	v0 =	vimm.f32 $0.0e+00;
	v1 =	vimm.f32 $1.000000000e+00;
	s12 =	simm.s32 $0x280;
	[dreg:$0xb] =	wrdreg s0;
	s0 =	simm.s32 $0x200  }
.LBB2_1:
0x22: {  	s6 =	simm.s32 $0x0;
	s7 =	simm.s32 $0x200  }
.LBB2_2:
0x23: {  	p0 =	sne.s32 s7, $0xFE00;
	[tilespmem:s6+$0x870] =	vst v0  }
0x24: {  	[tilespmem:s6+$0x800] =	vst v0  }
0x25: {  	[tilespmem:s6+$0x810] =	vst v0  }
.Ltmp0:
0x26: {  	[tilespmem:s6+$0x820] =	vst v0;
	(pc) =	sbr.rel @p0 .LBB2_2-.Ltmp0, $4  }
0x27: {  	[tilespmem:s6+$0x830] =	vst v0  }
0x28: {  	[tilespmem:s6+$0x840] =	vst v0  }
0x29: {  	[tilespmem:s6+$0x850] =	vst v0  }
0x2a: {  	[tilespmem:s6+$0x860] =	vst v0;
	s6 =	sshra.s32 s7, $0x2;
	s7 =	sadd.s32 $0x200, s7  }
0x2b: {  	[tilespmem:s6+$0x870] =	vst v0  }
0x2c: {  	[tilespmem:s6+$0x800] =	vst v0  }
0x2d: {  	[tilespmem:s6+$0x810] =	vst v0  }
0x2e: {  	[tilespmem:s6+$0x820] =	vst v0  }
0x2f: {  	[tilespmem:s6+$0x830] =	vst v0  }
0x30: {  	[tilespmem:s6+$0x840] =	vst v0  }
0x31: {  	[tilespmem:s6+$0x850] =	vst v0  }
0x32: {  	[tilespmem:s6+$0x860] =	vst v0;
	s6 =	simm.s32 $0x70;
	s7 =	simm.s32 $0x3C0  }
.LBB2_4:
0x33: {  	p0 =	sne.s32 s7, $0x9FC0;
	[tilespmem:s6+$0x8800] =	vst v0  }
0x34: {  	[tilespmem:s6+$0x8790] =	vst v0  }
0x35: {  	[tilespmem:s6+$0x87A0] =	vst v0  }
.Ltmp1:
0x36: {  	[tilespmem:s6+$0x87B0] =	vst v0;
	(pc) =	sbr.rel @p0 .LBB2_4-.Ltmp1, $4  }
0x37: {  	[tilespmem:s6+$0x87C0] =	vst v0  }
0x38: {  	[tilespmem:s6+$0x87D0] =	vst v0  }
0x39: {  	[tilespmem:s6+$0x87E0] =	vst v0  }
0x3a: {  	[tilespmem:s6+$0x87F0] =	vst v0;
	s6 =	sshra.s32 s7, $0x2;
	s7 =	sadd.s32 $0x200, s7  }
0x3b: {  	[tilespmem:s6+$0x8800] =	vst v0  }
0x3c: {  	[tilespmem:s6+$0x8790] =	vst v0  }
0x3d: {  	[tilespmem:s6+$0x87A0] =	vst v0  }
0x3e: {  	[tilespmem:s6+$0x87B0] =	vst v0  }
0x3f: {  	[tilespmem:s6+$0x87C0] =	vst v0  }
0x40: {  	[tilespmem:s6+$0x87D0] =	vst v0  }
0x41: {  	[tilespmem:s6+$0x87E0] =	vst v0  }
0x42: {  	[tilespmem:s6+$0x87F0] =	vst v0  }
0x43: {  	[spmem:s19] =	stream.linear.scatter [tilespmem:s20], [sflag:$0x3], $0x4000, $0x38;
	[tilespmem:$0x1F000] =	vst v63  }
0x44: {  	_ =	swait.ge [sflag:s21], $0x4000  }
0x45: {  	[sflag:s21] =	ssyncset.done $0x0  }
0x46: {  	s7 =	rddreg [dreg:$0x5];
	[sflag:s21] =	ssyncadd.s32 $0xFFFFC000  }
0x47: {  	[spmem:s7] =	stream.linear.scatter [tilespmem:s20], [sflag:$0x3], $0x4000, $0x38;
	[tilespmem:$0x1F000] =	vst v63  }
0x48: {  	_ =	swait.ge [sflag:s21], $0x4000  }
0x49: {  	[sflag:s21] =	ssyncset.done $0x0  }
0x4a: {  	s8 =	smov.u32 s19;
	s19 =	rddreg [dreg:$0x6];
	[sflag:s21] =	ssyncadd.s32 $0xFFFFC000  }
0x4b: {  	[spmem:s19] =	stream.linear.scatter [tilespmem:s20], [sflag:$0x3], $0x4000, $0x38;
	[tilespmem:$0x1F000] =	vst v63  }
0x4c: {  	_ =	swait.ge [sflag:s21], $0x4000  }
0x4d: {  	[sflag:s21] =	ssyncset.done $0x0  }
0x4e: {  	[sflag:s21] =	ssyncadd.s32 $0xFFFFC000  }
0x4f: {  	[spmem:s9] =	stream.linear.scatter [tilespmem:s20], [sflag:$0x3], $0x4000, $0x38;
	[tilespmem:$0x1F000] =	vst v63  }
0x50: {  	_ =	swait.ge [sflag:s21], $0x4000  }
0x51: {  	[sflag:s21] =	ssyncset.done $0x0  }
0x52: {  	[sflag:s21] =	ssyncadd.s32 $0xFFFFC000  }
0x53: {  	[spmem:s10] =	stream.linear.scatter [tilespmem:s20], [sflag:$0x3], $0x4000, $0x38;
	[tilespmem:$0x1F000] =	vst v63  }
0x54: {  	_ =	swait.ge [sflag:s21], $0x4000  }
0x55: {  	[sflag:s21] =	ssyncset.done $0x0  }
0x56: {  	[sflag:s21] =	ssyncadd.s32 $0xFFFFC000  }
0x57: {  	[bflag:$0x0] =	sbarrier.arrive $0xFFFF  }
0x58: {  	s19 =	rddreg [dreg:$0xf]  }
0x59: {  	s6 =	rddreg [dreg:$0xe]  }
0x5a: {  	s7 =	rddreg [dreg:$0x4]  }
.LBB2_6:
0x5b: {  	[tilespmem:s4], [sflag:$0x3] =	stream.linear.gather [hbm4b:s19+s4], $0x400, $0x38;
	[tilespmem:$0x1F000] =	vst v63  }
0x5c: {  	_ =	swait.ge [sflag:s21], $0x400  }
0x5d: {  	[sflag:s21] =	ssyncset.done $0x0  }
0x5e: {  	[sflag:s21] =	ssyncadd.s32 $0xFFFFFC00  }
0x5f: {  	[tilespmem:s22], [sflag:$0x3] =	stream.linear.gather [hbm4b:s6+s4], $0x400, $0x38;
	[tilespmem:$0x1F000] =	vst v63  }
0x60: {  	_ =	swait.ge [sflag:s21], $0x400  }
0x61: {  	[sflag:s21] =	ssyncset.done $0x0  }
0x62: {  	[sflag:s21] =	ssyncadd.s32 $0xFFFFFC00  }
0x63: {  	[tilespmem:s20], [sflag:$0x1] =	stream.indirect.gather [hbm4b:s1+s23], $0x80, s4, s23, $0xb8;
	[tilespmem:$0x1F000] =	vst v63  }
0x64: {  	_ = 	snop  }
0x65: {  	[tilespmem:s24], [sflag:$0x2] =	stream.indirect.gather [hbm4b:s1+s23], $0x80, s23, s23, $0xb8;
	[tilespmem:$0x1F000] =	vst v63  }
0x66: {  	v2 =	vld [tilespmem:$0x400];
	_ =	sdelay $0x7  }
0x67: {  	[tilespmem:v2+s25+$0x0] =	vst.idx.add.f32.msk $0xffff, v1  }
0x68: {  	v2 =	vld [tilespmem:$0x410];
	_ =	sdelay $0x7  }
0x69: {  	[tilespmem:v2+s25+$0x0] =	vst.idx.add.f32.msk $0xffff, v1  }
0x6a: {  	v2 =	vld [tilespmem:$0x420];
	_ =	sdelay $0x7  }
0x6b: {  	[tilespmem:v2+s25+$0x0] =	vst.idx.add.f32.msk $0xffff, v1  }
0x6c: {  	v2 =	vld [tilespmem:$0x430];
	_ =	sdelay $0x7  }
0x6d: {  	[tilespmem:v2+s25+$0x0] =	vst.idx.add.f32.msk $0xffff, v1  }
0x6e: {  	v2 =	vld [tilespmem:$0x440];
	_ =	sdelay $0x7  }
0x6f: {  	[tilespmem:v2+s25+$0x0] =	vst.idx.add.f32.msk $0xffff, v1  }
0x70: {  	v2 =	vld [tilespmem:$0x450];
	_ =	sdelay $0x7  }
0x71: {  	[tilespmem:v2+s25+$0x0] =	vst.idx.add.f32.msk $0xffff, v1  }
0x72: {  	v2 =	vld [tilespmem:$0x460];
	_ =	sdelay $0x7  }
0x73: {  	[tilespmem:v2+s25+$0x0] =	vst.idx.add.f32.msk $0xffff, v1  }
0x74: {  	v2 =	vld [tilespmem:$0x470];
	_ =	sdelay $0x7  }
0x75: {  	[tilespmem:v2+s25+$0x0] =	vst.idx.add.f32.msk $0xffff, v1  }
0x76: {  	_ =	swait.ge [sflag:s26], $0x4000  }
0x77: {  	[sflag:s26] =	ssyncset.done $0x0  }
0x78: {  	[sflag:s26] =	ssyncadd.s32 $0xFFFFC000  }
0x79: {  	[spmem:s3] =	stream.indirect.scatter.add.f32 [tilespmem:s20], [sflag:$0x3], $0x80, s22, s23, $0xb8;
	[tilespmem:$0x1F000] =	vst v63  }
0x7a: {  	_ =	swait.ge [sflag:s21], $0x4000  }
0x7b: {  	[sflag:s21] =	ssyncset.done $0x0  }
0x7c: {  	[sflag:s21] =	ssyncadd.s32 $0xFFFFC000  }
0x7d: {  	[tilespmem:s20], [sflag:$0x1] =	stream.indirect.gather [hbm4b:s1+s23], $0x80, s28, s23, $0xb8;
	[tilespmem:$0x1F000] =	vst v63  }
0x7e: {  	v2 =	vld [tilespmem:$0x480];
	_ =	sdelay $0x7  }
0x7f: {  	[tilespmem:v2+s25+$0x0] =	vst.idx.add.f32.msk $0xffff, v1  }
0x80: {  	v2 =	vld [tilespmem:$0x490];
	_ =	sdelay $0x7  }
0x81: {  	[tilespmem:v2+s25+$0x0] =	vst.idx.add.f32.msk $0xffff, v1  }
0x82: {  	v2 =	vld [tilespmem:$0x4A0];
	_ =	sdelay $0x7  }
0x83: {  	[tilespmem:v2+s25+$0x0] =	vst.idx.add.f32.msk $0xffff, v1  }
0x84: {  	v2 =	vld [tilespmem:$0x4B0];
	_ =	sdelay $0x7  }
0x85: {  	[tilespmem:v2+s25+$0x0] =	vst.idx.add.f32.msk $0xffff, v1  }
0x86: {  	v2 =	vld [tilespmem:$0x4C0];
	_ =	sdelay $0x7  }
0x87: {  	[tilespmem:v2+s25+$0x0] =	vst.idx.add.f32.msk $0xffff, v1  }
0x88: {  	v2 =	vld [tilespmem:$0x4D0];
	_ =	sdelay $0x7  }
0x89: {  	[tilespmem:v2+s25+$0x0] =	vst.idx.add.f32.msk $0xffff, v1  }
0x8a: {  	v2 =	vld [tilespmem:$0x4E0];
	_ =	sdelay $0x7  }
0x8b: {  	[tilespmem:v2+s25+$0x0] =	vst.idx.add.f32.msk $0xffff, v1  }
0x8c: {  	v2 =	vld [tilespmem:$0x4F0];
	_ =	sdelay $0x7  }
0x8d: {  	[tilespmem:v2+s25+$0x0] =	vst.idx.add.f32.msk $0xffff, v1  }
0x8e: {  	_ =	swait.ge [sflag:s29], $0x4000  }
0x8f: {  	[sflag:s29] =	ssyncset.done $0x0  }
0x90: {  	[sflag:s29] =	ssyncadd.s32 $0xFFFFC000  }
0x91: {  	[spmem:s3] =	stream.indirect.scatter.add.f32 [tilespmem:s24], [sflag:$0x3], $0x80, s30, s23, $0xb8;
	[tilespmem:$0x1F000] =	vst v63  }
0x92: {  	_ =	swait.ge [sflag:s21], $0x4000  }
0x93: {  	[sflag:s21] =	ssyncset.done $0x0  }
0x94: {  	[sflag:s21] =	ssyncadd.s32 $0xFFFFC000  }
0x95: {  	[tilespmem:s24], [sflag:$0x2] =	stream.indirect.gather [hbm4b:s1+s23], $0x80, s31, s23, $0xb8;
	[tilespmem:$0x1F000] =	vst v63  }
0x96: {  	v2 =	vld [tilespmem:$0x500];
	_ =	sdelay $0x7  }
0x97: {  	[tilespmem:v2+s25+$0x0] =	vst.idx.add.f32.msk $0xffff, v1  }
0x98: {  	v2 =	vld [tilespmem:$0x510];
	_ =	sdelay $0x7  }
0x99: {  	[tilespmem:v2+s25+$0x0] =	vst.idx.add.f32.msk $0xffff, v1  }
0x9a: {  	v2 =	vld [tilespmem:$0x520];
	_ =	sdelay $0x7  }
0x9b: {  	[tilespmem:v2+s25+$0x0] =	vst.idx.add.f32.msk $0xffff, v1  }
0x9c: {  	v2 =	vld [tilespmem:$0x530];
	_ =	sdelay $0x7  }
0x9d: {  	[tilespmem:v2+s25+$0x0] =	vst.idx.add.f32.msk $0xffff, v1  }
0x9e: {  	v2 =	vld [tilespmem:$0x540];
	_ =	sdelay $0x7  }
0x9f: {  	[tilespmem:v2+s25+$0x0] =	vst.idx.add.f32.msk $0xffff, v1  }
0xa0: {  	v2 =	vld [tilespmem:$0x550];
	_ =	sdelay $0x7  }
0xa1: {  	[tilespmem:v2+s25+$0x0] =	vst.idx.add.f32.msk $0xffff, v1  }
0xa2: {  	v2 =	vld [tilespmem:$0x560];
	_ =	sdelay $0x7  }
0xa3: {  	[tilespmem:v2+s25+$0x0] =	vst.idx.add.f32.msk $0xffff, v1  }
0xa4: {  	v2 =	vld [tilespmem:$0x570];
	_ =	sdelay $0x7  }
0xa5: {  	[tilespmem:v2+s25+$0x0] =	vst.idx.add.f32.msk $0xffff, v1  }
0xa6: {  	_ =	swait.ge [sflag:s26], $0x4000  }
0xa7: {  	[sflag:s26] =	ssyncset.done $0x0  }
0xa8: {  	[sflag:s26] =	ssyncadd.s32 $0xFFFFC000  }
0xa9: {  	[spmem:s3] =	stream.indirect.scatter.add.f32 [tilespmem:s20], [sflag:$0x3], $0x80, s2, s23, $0xb8;
	[tilespmem:$0x1F000] =	vst v63  }
0xaa: {  	_ =	swait.ge [sflag:s21], $0x4000  }
0xab: {  	[sflag:s21] =	ssyncset.done $0x0  }
0xac: {  	[sflag:s21] =	ssyncadd.s32 $0xFFFFC000  }
0xad: {  	[tilespmem:s20], [sflag:$0x1] =	stream.indirect.gather [hbm4b:s1+s23], $0x80, s0, s23, $0xb8;
	[tilespmem:$0x1F000] =	vst v63  }
0xae: {  	v2 =	vld [tilespmem:$0x580];
	_ =	sdelay $0x7  }
0xaf: {  	[tilespmem:v2+s25+$0x0] =	vst.idx.add.f32.msk $0xffff, v1  }
0xb0: {  	v2 =	vld [tilespmem:$0x590];
	_ =	sdelay $0x7  }
0xb1: {  	[tilespmem:v2+s25+$0x0] =	vst.idx.add.f32.msk $0xffff, v1  }
0xb2: {  	v2 =	vld [tilespmem:$0x5A0];
	_ =	sdelay $0x7  }
0xb3: {  	[tilespmem:v2+s25+$0x0] =	vst.idx.add.f32.msk $0xffff, v1  }
0xb4: {  	v2 =	vld [tilespmem:$0x5B0];
	_ =	sdelay $0x7  }
0xb5: {  	[tilespmem:v2+s25+$0x0] =	vst.idx.add.f32.msk $0xffff, v1  }
0xb6: {  	v2 =	vld [tilespmem:$0x5C0];
	_ =	sdelay $0x7  }
0xb7: {  	[tilespmem:v2+s25+$0x0] =	vst.idx.add.f32.msk $0xffff, v1  }
0xb8: {  	v2 =	vld [tilespmem:$0x5D0];
	_ =	sdelay $0x7  }
0xb9: {  	[tilespmem:v2+s25+$0x0] =	vst.idx.add.f32.msk $0xffff, v1  }
0xba: {  	v2 =	vld [tilespmem:$0x5E0];
	_ =	sdelay $0x7  }
0xbb: {  	[tilespmem:v2+s25+$0x0] =	vst.idx.add.f32.msk $0xffff, v1  }
0xbc: {  	v2 =	vld [tilespmem:$0x5F0];
	_ =	sdelay $0x7  }
0xbd: {  	[tilespmem:v2+s25+$0x0] =	vst.idx.add.f32.msk $0xffff, v1  }
0xbe: {  	_ =	swait.ge [sflag:s29], $0x4000  }
0xbf: {  	[sflag:s29] =	ssyncset.done $0x0  }
0xc0: {  	[sflag:s29] =	ssyncadd.s32 $0xFFFFC000  }
0xc1: {  	[spmem:s3] =	stream.indirect.scatter.add.f32 [tilespmem:s24], [sflag:$0x3], $0x80, s11, s23, $0xb8;
	[tilespmem:$0x1F000] =	vst v63  }
0xc2: {  	_ =	swait.ge [sflag:s21], $0x4000  }
0xc3: {  	[sflag:s21] =	ssyncset.done $0x0  }
0xc4: {  	[sflag:s21] =	ssyncadd.s32 $0xFFFFC000  }
0xc5: {  	[tilespmem:s24], [sflag:$0x2] =	stream.indirect.gather [hbm4b:s1+s23], $0x80, s12, s23, $0xb8;
	[tilespmem:$0x1F000] =	vst v63  }
0xc6: {  	v2 =	vld [tilespmem:$0x600];
	_ =	sdelay $0x7  }
0xc7: {  	[tilespmem:v2+s25+$0x0] =	vst.idx.add.f32.msk $0xffff, v1  }
0xc8: {  	v2 =	vld [tilespmem:$0x610];
	_ =	sdelay $0x7  }
0xc9: {  	[tilespmem:v2+s25+$0x0] =	vst.idx.add.f32.msk $0xffff, v1  }
0xca: {  	v2 =	vld [tilespmem:$0x620];
	_ =	sdelay $0x7  }
0xcb: {  	[tilespmem:v2+s25+$0x0] =	vst.idx.add.f32.msk $0xffff, v1  }
0xcc: {  	v2 =	vld [tilespmem:$0x630];
	_ =	sdelay $0x7  }
0xcd: {  	[tilespmem:v2+s25+$0x0] =	vst.idx.add.f32.msk $0xffff, v1  }
0xce: {  	v2 =	vld [tilespmem:$0x640];
	_ =	sdelay $0x7  }
0xcf: {  	[tilespmem:v2+s25+$0x0] =	vst.idx.add.f32.msk $0xffff, v1  }
0xd0: {  	v2 =	vld [tilespmem:$0x650];
	_ =	sdelay $0x7  }
0xd1: {  	[tilespmem:v2+s25+$0x0] =	vst.idx.add.f32.msk $0xffff, v1  }
0xd2: {  	v2 =	vld [tilespmem:$0x660];
	_ =	sdelay $0x7  }
0xd3: {  	[tilespmem:v2+s25+$0x0] =	vst.idx.add.f32.msk $0xffff, v1  }
0xd4: {  	v2 =	vld [tilespmem:$0x670];
	_ =	sdelay $0x7  }
0xd5: {  	[tilespmem:v2+s25+$0x0] =	vst.idx.add.f32.msk $0xffff, v1  }
0xd6: {  	_ =	swait.ge [sflag:s26], $0x4000  }
0xd7: {  	[sflag:s26] =	ssyncset.done $0x0  }
0xd8: {  	[sflag:s26] =	ssyncadd.s32 $0xFFFFC000  }
0xd9: {  	[spmem:s3] =	stream.indirect.scatter.add.f32 [tilespmem:s20], [sflag:$0x3], $0x80, s13, s23, $0xb8;
	[tilespmem:$0x1F000] =	vst v63  }
0xda: {  	_ =	swait.ge [sflag:s21], $0x4000  }
0xdb: {  	[sflag:s21] =	ssyncset.done $0x0  }
0xdc: {  	[sflag:s21] =	ssyncadd.s32 $0xFFFFC000  }
0xdd: {  	[tilespmem:s20], [sflag:$0x1] =	stream.indirect.gather [hbm4b:s1+s23], $0x80, s14, s23, $0xb8;
	[tilespmem:$0x1F000] =	vst v63  }
0xde: {  	v2 =	vld [tilespmem:$0x680];
	_ =	sdelay $0x7  }
0xdf: {  	[tilespmem:v2+s25+$0x0] =	vst.idx.add.f32.msk $0xffff, v1  }
0xe0: {  	v2 =	vld [tilespmem:$0x690];
	_ =	sdelay $0x7  }
0xe1: {  	[tilespmem:v2+s25+$0x0] =	vst.idx.add.f32.msk $0xffff, v1  }
0xe2: {  	v2 =	vld [tilespmem:$0x6A0];
	_ =	sdelay $0x7  }
0xe3: {  	[tilespmem:v2+s25+$0x0] =	vst.idx.add.f32.msk $0xffff, v1  }
0xe4: {  	v2 =	vld [tilespmem:$0x6B0];
	_ =	sdelay $0x7  }
0xe5: {  	[tilespmem:v2+s25+$0x0] =	vst.idx.add.f32.msk $0xffff, v1  }
0xe6: {  	v2 =	vld [tilespmem:$0x6C0];
	_ =	sdelay $0x7  }
0xe7: {  	[tilespmem:v2+s25+$0x0] =	vst.idx.add.f32.msk $0xffff, v1  }
0xe8: {  	v2 =	vld [tilespmem:$0x6D0];
	_ =	sdelay $0x7  }
0xe9: {  	[tilespmem:v2+s25+$0x0] =	vst.idx.add.f32.msk $0xffff, v1  }
0xea: {  	v2 =	vld [tilespmem:$0x6E0];
	_ =	sdelay $0x7  }
0xeb: {  	[tilespmem:v2+s25+$0x0] =	vst.idx.add.f32.msk $0xffff, v1  }
0xec: {  	v2 =	vld [tilespmem:$0x6F0];
	_ =	sdelay $0x7  }
0xed: {  	[tilespmem:v2+s25+$0x0] =	vst.idx.add.f32.msk $0xffff, v1  }
0xee: {  	_ =	swait.ge [sflag:s29], $0x4000  }
0xef: {  	[sflag:s29] =	ssyncset.done $0x0  }
0xf0: {  	[sflag:s29] =	ssyncadd.s32 $0xFFFFC000  }
0xf1: {  	[spmem:s3] =	stream.indirect.scatter.add.f32 [tilespmem:s24], [sflag:$0x3], $0x80, s15, s23, $0xb8;
	[tilespmem:$0x1F000] =	vst v63  }
0xf2: {  	_ =	swait.ge [sflag:s21], $0x4000  }
0xf3: {  	[sflag:s21] =	ssyncset.done $0x0  }
0xf4: {  	[sflag:s21] =	ssyncadd.s32 $0xFFFFC000  }
0xf5: {  	[tilespmem:s24], [sflag:$0x2] =	stream.indirect.gather [hbm4b:s1+s23], $0x80, s5, s23, $0xb8;
	[tilespmem:$0x1F000] =	vst v63  }
0xf6: {  	v2 =	vld [tilespmem:$0x700];
	_ =	sdelay $0x7  }
0xf7: {  	[tilespmem:v2+s25+$0x0] =	vst.idx.add.f32.msk $0xffff, v1  }
0xf8: {  	v2 =	vld [tilespmem:$0x710];
	_ =	sdelay $0x7  }
0xf9: {  	[tilespmem:v2+s25+$0x0] =	vst.idx.add.f32.msk $0xffff, v1  }
0xfa: {  	v2 =	vld [tilespmem:$0x720];
	_ =	sdelay $0x7  }
0xfb: {  	[tilespmem:v2+s25+$0x0] =	vst.idx.add.f32.msk $0xffff, v1  }
0xfc: {  	v2 =	vld [tilespmem:$0x730];
	_ =	sdelay $0x7  }
0xfd: {  	[tilespmem:v2+s25+$0x0] =	vst.idx.add.f32.msk $0xffff, v1  }
0xfe: {  	v2 =	vld [tilespmem:$0x740];
	_ =	sdelay $0x7  }
0xff: {  	[tilespmem:v2+s25+$0x0] =	vst.idx.add.f32.msk $0xffff, v1  }
0x100: {  	v2 =	vld [tilespmem:$0x750];
	_ =	sdelay $0x7  }
0x101: {  	[tilespmem:v2+s25+$0x0] =	vst.idx.add.f32.msk $0xffff, v1  }
0x102: {  	v2 =	vld [tilespmem:$0x760];
	_ =	sdelay $0x7  }
0x103: {  	[tilespmem:v2+s25+$0x0] =	vst.idx.add.f32.msk $0xffff, v1  }
0x104: {  	v2 =	vld [tilespmem:$0x770];
	_ =	sdelay $0x7  }
0x105: {  	[tilespmem:v2+s25+$0x0] =	vst.idx.add.f32.msk $0xffff, v1  }
0x106: {  	_ =	swait.ge [sflag:s26], $0x4000  }
0x107: {  	[sflag:s26] =	ssyncset.done $0x0  }
0x108: {  	[sflag:s26] =	ssyncadd.s32 $0xFFFFC000  }
0x109: {  	[spmem:s3] =	stream.indirect.scatter.add.f32 [tilespmem:s20], [sflag:$0x3], $0x80, s16, s23, $0xb8;
	[tilespmem:$0x1F000] =	vst v63  }
0x10a: {  	_ =	swait.ge [sflag:s21], $0x4000  }
0x10b: {  	[sflag:s21] =	ssyncset.done $0x0  }
0x10c: {  	[sflag:s21] =	ssyncadd.s32 $0xFFFFC000  }
0x10d: {  	v2 =	vld [tilespmem:$0x780];
	_ =	sdelay $0x7  }
0x10e: {  	[tilespmem:v2+s25+$0x0] =	vst.idx.add.f32.msk $0xffff, v1  }
0x10f: {  	v2 =	vld [tilespmem:$0x790];
	_ =	sdelay $0x7  }
0x110: {  	[tilespmem:v2+s25+$0x0] =	vst.idx.add.f32.msk $0xffff, v1  }
0x111: {  	v2 =	vld [tilespmem:$0x7A0];
	_ =	sdelay $0x7  }
0x112: {  	[tilespmem:v2+s25+$0x0] =	vst.idx.add.f32.msk $0xffff, v1  }
0x113: {  	v2 =	vld [tilespmem:$0x7B0];
	_ =	sdelay $0x7  }
0x114: {  	[tilespmem:v2+s25+$0x0] =	vst.idx.add.f32.msk $0xffff, v1  }
0x115: {  	v2 =	vld [tilespmem:$0x7C0];
	_ =	sdelay $0x7  }
0x116: {  	[tilespmem:v2+s25+$0x0] =	vst.idx.add.f32.msk $0xffff, v1  }
0x117: {  	v2 =	vld [tilespmem:$0x7D0];
	_ =	sdelay $0x7  }
0x118: {  	[tilespmem:v2+s25+$0x0] =	vst.idx.add.f32.msk $0xffff, v1  }
0x119: {  	v2 =	vld [tilespmem:$0x7E0];
	_ =	sdelay $0x7  }
0x11a: {  	[tilespmem:v2+s25+$0x0] =	vst.idx.add.f32.msk $0xffff, v1  }
0x11b: {  	v2 =	vld [tilespmem:$0x7F0];
	_ =	sdelay $0x7  }
0x11c: {  	[tilespmem:v2+s25+$0x0] =	vst.idx.add.f32.msk $0xffff, v1  }
0x11d: {  	_ =	swait.ge [sflag:s29], $0x4000  }
0x11e: {  	p0 =	sne.s32 s7, $0x1;
	[sflag:s29] =	ssyncset.done $0x0  }
.Ltmp2:
0x11f: {  	[sflag:s29] =	ssyncadd.s32 $0xFFFFC000;
	(pc) =	sbr.rel @p0 .LBB2_6-.Ltmp2, $4  }
0x120: {  	[spmem:s3] =	stream.indirect.scatter.add.f32 [tilespmem:s24], [sflag:$0x3], $0x80, s17, s23, $0xb8;
	[tilespmem:$0x1F000] =	vst v63  }
0x121: {  	_ =	swait.ge [sflag:s21], $0x4000  }
0x122: {  	s19 =	sadd.s32 $0x80, s19;
	[sflag:s21] =	ssyncset.done $0x0  }
0x123: {  	s7 =	sadd.s32 $0xFFFFFFFF, s7;
	s6 =	sadd.s32 $0x80, s6;
	[sflag:s21] =	ssyncadd.s32 $0xFFFFC000  }
0x124: {  	s6 =	rddreg [dreg:$0x7]  }
0x125: {  	[hbm4b:s6+s4] =	stream.linear.scatter [tilespmem:s25], [sflag:$0x3], $0x2800, $0x38;
	[tilespmem:$0x1F000] =	vst v63  }
0x126: {  	_ =	swait.ge [sflag:s21], $0x2800  }
0x127: {  	[sflag:s21] =	ssyncset.done $0x0  }
0x128: {  	s7 =	stileid.u32;
	[sflag:s21] =	ssyncadd.s32 $0xFFFFD800  }
0x129: {  	s19 =	smov.u32 s8;
	s6 =	sshll.u32 s7, $0x6;
	[bflag:$0x0] =	sbarrier.arrive $0xFFFF  }
0x12a: {  	s7 =	sshrl.u32 s8, $0x3;
	s6 =	sor.u32 $0x1C03, s6;
	s8 =	rddreg [dreg:$0x8]  }
0x12b: {  	[hbm:s8], [sflag:s6] =	dma.local [spmem:s7], $0x800  }
0x12c: {  	_ =	swait.ge [sflag:s21], $0x800  }
0x12d: {  	[sflag:s21] =	ssyncset.done $0x0;
	s8 =	rddreg [dreg:$0x5]  }
0x12e: {  	[sflag:s21] =	ssyncadd.s32 $0xFFFFF800;
	s7 =	sshrl.u32 s8, $0x3;
	s8 =	rddreg [dreg:$0x9]  }
0x12f: {  	[hbm:s8], [sflag:s6] =	dma.local [spmem:s7], $0x800  }
0x130: {  	_ =	swait.ge [sflag:s21], $0x800  }
0x131: {  	[sflag:s21] =	ssyncset.done $0x0;
	s8 =	rddreg [dreg:$0x6]  }
0x132: {  	[sflag:s21] =	ssyncadd.s32 $0xFFFFF800;
	s7 =	sshrl.u32 s8, $0x3;
	s8 =	rddreg [dreg:$0xa]  }
0x133: {  	[hbm:s8], [sflag:s6] =	dma.local [spmem:s7], $0x800  }
0x134: {  	_ =	swait.ge [sflag:s21], $0x800  }
0x135: {  	[sflag:s21] =	ssyncset.done $0x0  }
0x136: {  	s7 =	sshrl.u32 s9, $0x3;
	s8 =	rddreg [dreg:$0xb];
	[sflag:s21] =	ssyncadd.s32 $0xFFFFF800  }
0x137: {  	[hbm:s8], [sflag:s6] =	dma.local [spmem:s7], $0x800  }
0x138: {  	_ =	swait.ge [sflag:s21], $0x800  }
0x139: {  	[sflag:s21] =	ssyncset.done $0x0  }
0x13a: {  	s7 =	sshrl.u32 s10, $0x3;
	s8 =	rddreg [dreg:$0xc];
	[sflag:s21] =	ssyncadd.s32 $0xFFFFF800  }
0x13b: {  	[hbm:s8], [sflag:s6] =	dma.local [spmem:s7], $0x800  }
0x13c: {  	_ =	swait.ge [sflag:s21], $0x800  }
0x13d: {  	s18 =	sadd.s32 $0x1, s18;
	s8 =	rddreg [dreg:$0xd]  }
0x13e: {  	p0 =	sne.s32 s18, s8  }
.Ltmp3:
0x13f: {  	_ = 	snop;
	(pc) =	sbr.rel @p0 .LBB2_1-.Ltmp3, $3  }
0x140: {  	_ =	sdelay $0x1  }
0x141: {  	[sflag:s21] =	ssyncset.done $0x0  }
0x142: {  	[sflag:s21] =	ssyncadd.s32 $0xFFFFF800  }
0x143: {  	_ =	sfence.sel $0x180000  }
0x144: {  	[bflag:$0x0] =	sbarrier.arrive $0xFFFF  }
0x145: {  	_ =	strace $0x90000047  }
0x146: {  	s0 =	stileid.u32;
	[bflag:$0x2] =	sbarrier.arrive $0xFFFF  }
0x147: {  	p0 =	sne.s32 s0, $0x0;
	s0 =	rddreg [dreg:$0x3]  }
0x148: {  	s0 =	sadd.s32 @!p0 $0x100000, s0  }
0x149: {  	[sflag:s0] =	ssyncadd.tile.s32 @!p0 $0x1;
	_ =	shalt  }
.Lfunc_end2:
_tile_overlayer_lowered:
.L_overlay_start_2:
0x14a: {  	(tag) =	ssettag $0x2  }
0x14b: {  	s0 =	rddreg [dreg:$0x0];
	s2 =	stileid.u32  }
0x14c: {  	s1 =	rddreg [dreg:$0x1];
	p0 =	sne.s32 s2, $0x0  }
0x14d: {  	s3 =	rddreg [dreg:$0x2];
	[bflag:$0x3] =	sbarrier.arrive $0xFFFF;
	s2 =	simm.s32 @!p0 $0x1C03  }
0x14e: {  	[timem:s3], [sflag:s2] =	dma.local @!p0 [hbm:s0], s1  }
0x14f: {  	s0 =	simm.s32 @!p0 $0x3  }
0x150: {  	_ =	swait.ge @!p0 [sflag:s0], s1  }
0x151: {  	s1 =	ssub.s32 @!p0 $0x0, s1;
	[sflag:s0] =	ssyncset.done @!p0 $0x0  }
0x152: {  	[sflag:s0] =	ssyncadd.s32 @!p0 s1  }
0x153: {  	[bflag:$0x3] =	sbarrier.arrive $0xFFFF  }
0x154: {  	_ =	shalt  }

</sc_bundles>
